<compile_context>
chip_gen: v7x
topology: tpu7x:2x2x1
jax: 0.10.2.dev20260603
libtpu: 0.0.44.dev20260713+nightly
codegen_flags: <defaults>
</compile_context>

<pallas_src>
import functools
import math

import jax
import jax.numpy as jnp
from jax import lax
from jax.experimental import pallas as pl
from jax.experimental.pallas import tpu as pltpu
from jax.experimental.pallas import tpu_sc as plsc

N = 10000
D = 128
E = 160000
HEADS = 4
HD = D // HEADS
EAD = 32
NAT = 8
NAS = 4

NC = 2
NS = 16
NW = NC * NS
C = 64
EP = 5120
E_PAD = NW * EP
NCHUNK = EP // C
NUM_ROWS = 10240
DEN_ROW0 = 10240
ACC_ROWS = 10752
RPT = ACC_ROWS // NS
ZR = 16
LANES = 16



def _tc_prep(x_c, x_g, wsc, bsc, wdc, bdc, wsg, bsg, wdg, bdg):
    blk = 1000
    grid = (N // blk,)

    def body(xc, xg, wsc_r, bsc_r, wdc_r, bdc_r, wsg_r, bsg_r, wdg_r, bdg_r,
             o1, o2, o3, o4):
        xc_v = xc[...]
        xg_v = xg[...]
        o1[...] = jnp.dot(xc_v, wsc_r[...], preferred_element_type=jnp.float32) + bsc_r[...]
        o2[...] = jnp.dot(xg_v, wdc_r[...], preferred_element_type=jnp.float32) + bdc_r[...]
        o3[...] = jnp.dot(xg_v, wsg_r[...], preferred_element_type=jnp.float32) + bsg_r[...]
        o4[...] = jnp.dot(xc_v, wdg_r[...], preferred_element_type=jnp.float32) + bdg_r[...]

    row_spec = pl.BlockSpec((blk, D), lambda i: (i, 0))
    w_spec = pl.BlockSpec((D, D), lambda i: (0, 0))
    b_spec = pl.BlockSpec((1, D), lambda i: (0, 0))
    out_sd = jax.ShapeDtypeStruct((N, D), jnp.float32)
    return pl.pallas_call(
        body,
        grid=grid,
        in_specs=[row_spec, row_spec, w_spec, b_spec, w_spec, b_spec,
                  w_spec, b_spec, w_spec, b_spec],
        out_specs=[row_spec, row_spec, row_spec, row_spec],
        out_shape=[out_sd, out_sd, out_sd, out_sd],
    )(x_c, x_g, wsc, bsc.reshape(1, D), wdc, bdc.reshape(1, D),
      wsg, bsg.reshape(1, D), wdg, bdg.reshape(1, D))


def _tc_gate(cat_tab, wg_cg, bg_cg, wg_gc, bg_gc):

    def body(ct, w1, b1, w2, b2, o1, o2):
        ct_v = ct[...]
        o1[...] = jax.nn.sigmoid(
            jnp.dot(ct_v, w1[...], preferred_element_type=jnp.float32) + b1[...])
        o2[...] = jax.nn.sigmoid(
            jnp.dot(ct_v, w2[...], preferred_element_type=jnp.float32) + b2[...])

    out_sd = jax.ShapeDtypeStruct((NAT * NAS, D), jnp.float32)
    return pl.pallas_call(body, out_shape=[out_sd, out_sd])(
        cat_tab, wg_cg, bg_cg.reshape(1, D), wg_gc, bg_gc.reshape(1, D))


def _tc_final(num_chem, den_chem, num_gene, den_gene, w_oc, b_oc, w_og, b_og):
    blk = 1000
    grid = (N // blk,)

    def body(nc_r, dc_r, ng_r, dg_r, woc, boc, wog, bog, oc, og):
        def merge(n, dp):
            num = n[0] + n[1]
            den = dp[0] + dp[1] + 1e-16
            denb = jnp.concatenate(
                [jnp.broadcast_to(den[:, h:h + 1], (blk, HD)) for h in range(HEADS)],
                axis=1)
            return num / denb

        agg_c = merge(nc_r[...], dc_r[...])
        agg_g = merge(ng_r[...], dg_r[...])
        oc[...] = jnp.dot(agg_c, woc[...], preferred_element_type=jnp.float32) + boc[...]
        og[...] = jnp.dot(agg_g, wog[...], preferred_element_type=jnp.float32) + bog[...]

    n_spec = pl.BlockSpec((NC, blk, D), lambda i: (0, i, 0))
    d_spec = pl.BlockSpec((NC, blk, HEADS), lambda i: (0, i, 0))
    w_spec = pl.BlockSpec((D, D), lambda i: (0, 0))
    b_spec = pl.BlockSpec((1, D), lambda i: (0, 0))
    o_spec = pl.BlockSpec((blk, D), lambda i: (i, 0))
    out_sd = jax.ShapeDtypeStruct((N, D), jnp.float32)
    return pl.pallas_call(
        body,
        grid=grid,
        in_specs=[n_spec, d_spec, n_spec, d_spec, w_spec, b_spec, w_spec, b_spec],
        out_specs=[o_spec, o_spec],
        out_shape=[out_sd, out_sd],
    )(num_chem, den_chem, num_gene, den_gene,
      w_oc, b_oc.reshape(1, D), w_og, b_og.reshape(1, D))



_INV_SQRT_HD = 1.0 / math.sqrt(HD)


def _splat_sum(v):
    lane = lax.iota(jnp.int32, LANES)
    for sh in (8, 4, 2, 1):
        v = v + jnp.take_along_axis(v, lane ^ sh, axis=0)
    return v


def _sc_conv(h_src, h_dst, gate_tab, attn_flat, src_idx, dst_idx, gcode):
    mesh = plsc.VectorSubcoreMesh(core_axis_name="c", subcore_axis_name="s")

    @functools.partial(
        pl.kernel,
        out_type=(jax.ShapeDtypeStruct((NC, NUM_ROWS, D), jnp.float32),
                  jax.ShapeDtypeStruct((NC, (ACC_ROWS - DEN_ROW0), D), jnp.float32)),
        mesh=mesh,
        compiler_params=pltpu.CompilerParams(needs_layout_passes=False),
        scratch_types=[
            pltpu.VMEM((C, D), jnp.float32),
            pltpu.VMEM((C, D), jnp.float32),
            pltpu.VMEM((C, D), jnp.float32),
            pltpu.VMEM((C, D), jnp.float32),
            pltpu.VMEM((C, D), jnp.float32),
            pltpu.VMEM((C,), jnp.int32),
            pltpu.VMEM((C,), jnp.int32),
            pltpu.VMEM((C,), jnp.int32),
            pltpu.VMEM((C,), jnp.int32),
            pltpu.VMEM((D,), jnp.float32),
            pltpu.VMEM((ZR, D), jnp.float32),
            pltpu.VMEM_SHARED((ACC_ROWS, D), jnp.float32),
            pltpu.SemaphoreType.DMA,
            pltpu.SemaphoreType.DMA,
            pltpu.SemaphoreType.DMA,
        ],
    )
    def k(hs_hbm, hd_hbm, gt_hbm, at_hbm, si_hbm, di_hbm, gc_hbm,
          onum_hbm, oden_hbm,
          srows, drows, grows, orows, dorows, sidx, didx, gidx, d2idx,
          attnv, zbuf, acc, sem_s, sem_d, sem_g):
        cid = lax.axis_index("c")
        sid = lax.axis_index("s")
        wid = sid * NC + cid
        ebase = wid * EP
        rbase = sid * RPT
        lane = lax.iota(jnp.int32, LANES)
        zeros = jnp.zeros((LANES,), jnp.float32)

        pltpu.sync_copy(at_hbm, attnv)

        def zrow(r, carry):
            for k9 in range(D // LANES):
                zbuf[r, pl.ds(LANES * k9, LANES)] = zeros
            return carry

        lax.fori_loop(0, ZR, zrow, 0)

        def zcopy(j, carry):
            pltpu.sync_copy(zbuf, acc.at[pl.ds(rbase + j * ZR, ZR)])
            return carry

        lax.fori_loop(0, RPT // ZR, zcopy, 0)
        plsc.subcore_barrier()

        def chunk(ci, carry):
            base = ebase + ci * C
            pltpu.sync_copy(si_hbm.at[pl.ds(base, C)], sidx)
            pltpu.sync_copy(di_hbm.at[pl.ds(base, C)], didx)
            pltpu.sync_copy(gc_hbm.at[pl.ds(base, C)], gidx)
            cp_s = pltpu.async_copy(hs_hbm.at[sidx], srows, sem_s)
            cp_d = pltpu.async_copy(hd_hbm.at[didx], drows, sem_d)
            cp_g = pltpu.async_copy(gt_hbm.at[gidx], grows, sem_g)

            def dfill(j, carry2):
                dv = didx[pl.ds(LANES * j, LANES)]
                d2idx[pl.ds(LANES * j, LANES)] = (
                    DEN_ROW0 + lax.shift_right_logical(dv, 5))
                return carry2

            lax.fori_loop(0, C // LANES, dfill, 0)
            cp_s.wait()
            cp_d.wait()
            cp_g.wait()

            def edge(e, ecarry):
                s = [srows[e, pl.ds(LANES * k9, LANES)] for k9 in range(8)]
                d = [drows[e, pl.ds(LANES * k9, LANES)] for k9 in range(8)]
                g = [grows[e, pl.ds(LANES * k9, LANES)] for k9 in range(8)]
                m = [(s[k9] + d[k9]) * g[k9] for k9 in range(8)]
                u = [s[k9] * d[k9] * _INV_SQRT_HD
                     + m[k9] * attnv[pl.ds(LANES * k9, LANES)]
                     for k9 in range(8)]
                exb = [jnp.exp(_splat_sum(u[2 * h] + u[2 * h + 1]))
                       for h in range(HEADS)]
                for k9 in range(8):
                    orows[e, pl.ds(LANES * k9, LANES)] = m[k9] * exb[k9 // 2]
                    dorows[e, pl.ds(LANES * k9, LANES)] = zeros
                exvec = jnp.where(lane == 0, exb[0], jnp.float32(0.0))
                exvec = jnp.where(lane == 1, exb[1], exvec)
                exvec = jnp.where(lane == 2, exb[2], exvec)
                exvec = jnp.where(lane == 3, exb[3], exvec)
                esplat = jnp.full((LANES,), e, jnp.int32)
                dsplat = plsc.load_gather(didx, [esplat])
                loff = lax.shift_left(lax.bitwise_and(dsplat, 31), 2)
                plsc.store_scatter(dorows, [esplat, loff + lane], exvec,
                                   mask=lane < HEADS)
                return ecarry

            lax.fori_loop(0, C, edge, 0)
            pltpu.sync_copy(orows, acc.at[didx], add=True)
            pltpu.sync_copy(dorows, acc.at[d2idx], add=True)
            return carry

        lax.fori_loop(0, NCHUNK, chunk, 0)
        plsc.subcore_barrier()

        nrpt = NUM_ROWS // NS
        pltpu.sync_copy(acc.at[pl.ds(sid * nrpt, nrpt)],
                        onum_hbm.at[cid, pl.ds(sid * nrpt, nrpt)])
        drpt = (ACC_ROWS - DEN_ROW0) // NS
        pltpu.sync_copy(acc.at[pl.ds(DEN_ROW0 + sid * drpt, drpt)],
                        oden_hbm.at[cid, pl.ds(sid * drpt, drpt)])

    return k(h_src, h_dst, gate_tab, attn_flat, src_idx, dst_idx, gcode)



def _pad_idx(src, dst, gc):
    pad = E_PAD - E
    src = jnp.concatenate([src, jnp.zeros((pad,), jnp.int32)])
    dst = jnp.concatenate([dst, jnp.full((pad,), N, jnp.int32)])
    gc = jnp.concatenate([gc, jnp.zeros((pad,), jnp.int32)])
    return src, dst, gc


def kernel(x_chemical, x_gene, edge_index_cg, edge_index_gc, edge_attr_cg,
           edge_attr_gc, params):
    p = params
    h_src_cg, h_dst_cg, h_src_gc, h_dst_gc = _tc_prep(
        x_chemical, x_gene,
        p["W_src_cg"], p["b_src_cg"], p["W_dst_cg"], p["b_dst_cg"],
        p["W_src_gc"], p["b_src_gc"], p["W_dst_gc"], p["b_dst_gc"])

    ate = p["action_type_emb"]
    ase = p["action_subject_emb"]
    te = jnp.repeat(ate, NAS, axis=0)
    se = jnp.tile(ase, (NAT, 1))
    cat_tab = jnp.concatenate([te, se], axis=1)
    gate_cg, gate_gc = _tc_gate(cat_tab, p["W_gate_cg"], p["b_gate_cg"],
                                p["W_gate_gc"], p["b_gate_gc"])

    attn_cg = p["attn_cg"].reshape(D)
    attn_gc = p["attn_gc"].reshape(D)

    def prep_idx(ei, ea):
        src = ei[0].astype(jnp.int32)
        dst = ei[1].astype(jnp.int32)
        gc = (ea[:, 0] * NAS + ea[:, 1]).astype(jnp.int32)
        return _pad_idx(src, dst, gc)

    s_cg, d_cg, g_cg = prep_idx(edge_index_cg, edge_attr_cg)
    s_gc, d_gc, g_gc = prep_idx(edge_index_gc, edge_attr_gc)

    num_gene, den_gene = _sc_conv(h_src_cg, h_dst_cg, gate_cg, attn_cg,
                                  s_cg, d_cg, g_cg)
    num_chem, den_chem = _sc_conv(h_src_gc, h_dst_gc, gate_gc, attn_gc,
                                  s_gc, d_gc, g_gc)
    dn = (ACC_ROWS - DEN_ROW0) * D // HEADS
    den_gene = den_gene.reshape(NC, dn, HEADS)
    den_chem = den_chem.reshape(NC, dn, HEADS)

    out_chemical, out_gene = _tc_final(
        num_chem, den_chem, num_gene, den_gene,
        p["W_out_chemical"], p["b_out_chemical"],
        p["W_out_gene"], p["b_out_gene"])
    return (out_chemical, out_gene)

# --- scband reference (transcript-rebuilt; emitter-appended) ---
"""Pipeline reference for scband-edge-attr-hetero-conv-38250978738461 (READ-ONLY COPY).

The authoritative reference and input builder live on the scoring server;
editing this copy changes nothing except your own understanding.
"""

import jax, jax.numpy as jnp
import numpy as np

N = 10000
D = 128
E = 160000
HEADS = 4
HD = D // HEADS
EAD = 32
NAT = 8
NAS = 4


def _lin_init(k, fi, fo):
    k1, k2 = jax.random.split(k)
    lim = 1.0 / np.sqrt(fi)
    W = jax.random.uniform(k1, (fi, fo), minval=-lim, maxval=lim, dtype=jnp.float32)
    b = jax.random.uniform(k2, (fo,), minval=-lim, maxval=lim, dtype=jnp.float32)
    return W, b


def setup_inputs(seed: int = 0) -> dict:
    key = jax.random.key(seed)
    ks = jax.random.split(key, 24)
    params = {}
    for i, ek in enumerate(["cg", "gc"]):
        params["W_src_" + ek], params["b_src_" + ek] = _lin_init(ks[i * 5 + 0], D, D)
        params["W_dst_" + ek], params["b_dst_" + ek] = _lin_init(ks[i * 5 + 1], D, D)
        params["W_gate_" + ek], params["b_gate_" + ek] = _lin_init(ks[i * 5 + 2], 2 * EAD, D)
        params["attn_" + ek] = jax.random.normal(ks[i * 5 + 3], (1, HEADS, HD), dtype=jnp.float32) * 0.1
    params["action_type_emb"] = jax.random.normal(ks[10], (NAT, EAD), dtype=jnp.float32)
    params["action_subject_emb"] = jax.random.normal(ks[11], (NAS, EAD), dtype=jnp.float32)
    params["W_out_chemical"], params["b_out_chemical"] = _lin_init(ks[12], D, D)
    params["W_out_gene"], params["b_out_gene"] = _lin_init(ks[13], D, D)
    x_chemical = jax.random.normal(ks[14], (N, D), dtype=jnp.float32)
    x_gene = jax.random.normal(ks[15], (N, D), dtype=jnp.float32)
    edge_index_cg = jax.random.randint(ks[16], (2, E), 0, N)
    edge_index_gc = jax.random.randint(ks[17], (2, E), 0, N)
    edge_attr_cg = jax.random.randint(ks[18], (E, 2), 0, NAS)
    edge_attr_gc = jax.random.randint(ks[19], (E, 2), 0, NAS)
    return {
        "x_chemical": x_chemical,
        "x_gene": x_gene,
        "edge_index_cg": edge_index_cg,
        "edge_index_gc": edge_index_gc,
        "edge_attr_cg": edge_attr_cg,
        "edge_attr_gc": edge_attr_gc,
        "params": params,
    }


def _conv(x_src, x_dst, ei, ea, params, ek):
    src, dst = ei[0], ei[1]
    msg_src = x_src[src] @ params["W_src_" + ek] + params["b_src_" + ek]
    msg_dst = x_dst[dst] @ params["W_dst_" + ek] + params["b_dst_" + ek]
    msg = msg_src + msg_dst
    # categorical chem-gene edge attribute gating
    te = params["action_type_emb"][ea[:, 0]]
    se = params["action_subject_emb"][ea[:, 1]]
    gate = jax.nn.sigmoid(jnp.concatenate([te, se], axis=-1) @ params["W_gate_" + ek] + params["b_gate_" + ek])
    msg = msg * gate
    e = msg.shape[0]
    mh = msg.reshape(e, HEADS, HD)
    sh = msg_src.reshape(e, HEADS, HD)
    dh = msg_dst.reshape(e, HEADS, HD)
    logits = (sh * dh).sum(axis=-1) / np.sqrt(HD) + (mh * params["attn_" + ek]).sum(axis=-1)
    nd = x_dst.shape[0]
    # segment (per-dst-node) softmax over incoming edges, per head
    m = jax.ops.segment_max(logits, dst, num_segments=nd)
    m = jnp.where(jnp.isfinite(m), m, 0.0)
    ex = jnp.exp(logits - m[dst])
    den = jax.ops.segment_sum(ex, dst, num_segments=nd)
    alpha = ex / (den[dst] + 1e-16)
    out = (mh * alpha[:, :, None]).reshape(e, D)
    return jax.ops.segment_sum(out, dst, num_segments=nd)


def reference(x_chemical, x_gene, edge_index_cg, edge_index_gc, edge_attr_cg, edge_attr_gc, params):
    agg_gene = _conv(x_chemical, x_gene, edge_index_cg, edge_attr_cg, params, "cg")
    agg_chem = _conv(x_gene, x_chemical, edge_index_gc, edge_attr_gc, params, "gc")
    out_chemical = agg_chem @ params["W_out_chemical"] + params["b_out_chemical"]
    out_gene = agg_gene @ params["W_out_gene"] + params["b_out_gene"]
    return (out_chemical, out_gene)

if __name__ == "__main__":
    import jax
    _d = setup_inputs()
    print(jax.jit(kernel)(*tuple(_d.values())))

</pallas_src>

<mosaic_0001>
#map = affine_map<(d0, d1) -> (0, 0)>
#map1 = affine_map<(d0, d1) -> (0)>
#map2 = affine_map<(d0, d1) -> (0, 0, 0)>
module attributes {stable_mosaic.version = 14 : i64} {
  func.func @k(%arg0: i32, %arg1: i32, %arg2: memref<10000x128xf32, #tpu.memory_space<hbm>>, %arg3: memref<10000x128xf32, #tpu.memory_space<hbm>>, %arg4: memref<32x128xf32, #tpu.memory_space<hbm>>, %arg5: memref<128xf32, #tpu.memory_space<hbm>>, %arg6: memref<163840xi32, #tpu.memory_space<hbm>>, %arg7: memref<163840xi32, #tpu.memory_space<hbm>>, %arg8: memref<163840xi32, #tpu.memory_space<hbm>>, %arg9: memref<2x10240x128xf32, #tpu.memory_space<hbm>>, %arg10: memref<2x512x128xf32, #tpu.memory_space<hbm>>, %arg11: memref<64x128xf32, #tpu.memory_space<vmem>>, %arg12: memref<64x128xf32, #tpu.memory_space<vmem>>, %arg13: memref<64x128xf32, #tpu.memory_space<vmem>>, %arg14: memref<64x128xf32, #tpu.memory_space<vmem>>, %arg15: memref<64x128xf32, #tpu.memory_space<vmem>>, %arg16: memref<64xi32, #tpu.memory_space<vmem>>, %arg17: memref<64xi32, #tpu.memory_space<vmem>>, %arg18: memref<64xi32, #tpu.memory_space<vmem>>, %arg19: memref<64xi32, #tpu.memory_space<vmem>>, %arg20: memref<128xf32, #tpu.memory_space<vmem>>, %arg21: memref<16x128xf32, #tpu.memory_space<vmem>>, %arg22: memref<10752x128xf32, #tpu.memory_space<vmem_shared>>, %arg23: memref<!tpu.dma_semaphore, #tpu.memory_space<semaphore_mem>>, %arg24: memref<!tpu.dma_semaphore, #tpu.memory_space<semaphore_mem>>, %arg25: memref<!tpu.dma_semaphore, #tpu.memory_space<semaphore_mem>>) attributes {dimension_semantics = [#tpu.dimension_semantics<core_parallel>, #tpu.dimension_semantics<subcore_parallel>], iteration_bounds = array<i64: 2, 16>, scalar_prefetch = 0 : i64, scratch_operands = 15 : i64, tpu.core_type = #tpu.core_type<sc_vector_subcore>, window_params = [{transform_indices = #map}, {transform_indices = #map}, {transform_indices = #map}, {transform_indices = #map1}, {transform_indices = #map1}, {transform_indices = #map1}, {transform_indices = #map1}, {transform_indices = #map2}, {transform_indices = #map2}]} {
    %mul3A = arith.constant 2 : i32
    %mul3A_0 = arith.muli %arg1, %mul3A : i32
    %add3A = arith.addi %mul3A_0, %arg0 : i32
    %mul3A_1 = arith.constant 5120 : i32
    %mul3A_2 = arith.muli %add3A, %mul3A_1 : i32
    %mul3A_3 = arith.constant 672 : i32
    %mul3A_4 = arith.muli %arg1, %mul3A_3 : i32
    %iota3A = tpu.iota {dimensions = array<i32: 0>} : vector<16xi32>
    %broadcast_in_dim3A = arith.constant 0.000000e+00 : f32
    %broadcast_in_dim3A_5 = vector.broadcast %broadcast_in_dim3A : f32 to vector<16xf32>
    "tpu.region"() ({
      %run_scoped3A = tpu.sem_alloc : memref<!tpu.dma_semaphore, #tpu.memory_space<semaphore_mem>>
      tpu.enqueue_dma source(%arg5 : memref<128xf32, #tpu.memory_space<hbm>>) target(%arg20 : memref<128xf32, #tpu.memory_space<vmem>>) target_semaphore(%run_scoped3A : memref<!tpu.dma_semaphore, #tpu.memory_space<semaphore_mem>>)
      tpu.wait_dma2 semaphore(%run_scoped3A : memref<!tpu.dma_semaphore, #tpu.memory_space<semaphore_mem>>) src(%arg5 : memref<128xf32, #tpu.memory_space<hbm>>) dst(%arg20 : memref<128xf32, #tpu.memory_space<vmem>>)
      tpu.yield
    }) : () -> ()
    %scan3A = arith.constant 0 : i32
    %scan3A_6 = arith.constant 0 : i32
    %scan3A_7 = arith.constant 16 : i32
    %scan3A_8 = arith.addi %scan3A_6, %scan3A_7 : i32
    %scan3A_9 = arith.constant 1 : i32
    scf.for %scan3A_34 = %scan3A_6 to %scan3A_8 step %scan3A_9  : i32 {
      %swap3A = arith.index_cast %scan3A_34 : i32 to index
      %swap3A_35 = arith.constant 0 : index
      %swap3A_36 = tpu.vector_load %arg21[%swap3A, %swap3A_35] {strides = array<i32>} : memref<16x128xf32, #tpu.memory_space<vmem>>, vector<16xf32>,
      tpu.vector_store %arg21[%swap3A, %swap3A_35], %broadcast_in_dim3A_5 {strides = array<i32>} : memref<16x128xf32, #tpu.memory_space<vmem>>, vector<16xf32>,
      %swap3A_37 = arith.index_cast %scan3A_34 : i32 to index
      %swap3A_38 = arith.constant 16 : index
      %swap3A_39 = tpu.vector_load %arg21[%swap3A_37, %swap3A_38] {strides = array<i32>} : memref<16x128xf32, #tpu.memory_space<vmem>>, vector<16xf32>,
      tpu.vector_store %arg21[%swap3A_37, %swap3A_38], %broadcast_in_dim3A_5 {strides = array<i32>} : memref<16x128xf32, #tpu.memory_space<vmem>>, vector<16xf32>,
      %swap3A_40 = arith.index_cast %scan3A_34 : i32 to index
      %swap3A_41 = arith.constant 32 : index
      %swap3A_42 = tpu.vector_load %arg21[%swap3A_40, %swap3A_41] {strides = array<i32>} : memref<16x128xf32, #tpu.memory_space<vmem>>, vector<16xf32>,
      tpu.vector_store %arg21[%swap3A_40, %swap3A_41], %broadcast_in_dim3A_5 {strides = array<i32>} : memref<16x128xf32, #tpu.memory_space<vmem>>, vector<16xf32>,
      %swap3A_43 = arith.index_cast %scan3A_34 : i32 to index
      %swap3A_44 = arith.constant 48 : index
      %swap3A_45 = tpu.vector_load %arg21[%swap3A_43, %swap3A_44] {strides = array<i32>} : memref<16x128xf32, #tpu.memory_space<vmem>>, vector<16xf32>,
      tpu.vector_store %arg21[%swap3A_43, %swap3A_44], %broadcast_in_dim3A_5 {strides = array<i32>} : memref<16x128xf32, #tpu.memory_space<vmem>>, vector<16xf32>,
      %swap3A_46 = arith.index_cast %scan3A_34 : i32 to index
      %swap3A_47 = arith.constant 64 : index
      %swap3A_48 = tpu.vector_load %arg21[%swap3A_46, %swap3A_47] {strides = array<i32>} : memref<16x128xf32, #tpu.memory_space<vmem>>, vector<16xf32>,
      tpu.vector_store %arg21[%swap3A_46, %swap3A_47], %broadcast_in_dim3A_5 {strides = array<i32>} : memref<16x128xf32, #tpu.memory_space<vmem>>, vector<16xf32>,
      %swap3A_49 = arith.index_cast %scan3A_34 : i32 to index
      %swap3A_50 = arith.constant 80 : index
      %swap3A_51 = tpu.vector_load %arg21[%swap3A_49, %swap3A_50] {strides = array<i32>} : memref<16x128xf32, #tpu.memory_space<vmem>>, vector<16xf32>,
      tpu.vector_store %arg21[%swap3A_49, %swap3A_50], %broadcast_in_dim3A_5 {strides = array<i32>} : memref<16x128xf32, #tpu.memory_space<vmem>>, vector<16xf32>,
      %swap3A_52 = arith.index_cast %scan3A_34 : i32 to index
      %swap3A_53 = arith.constant 96 : index
      %swap3A_54 = tpu.vector_load %arg21[%swap3A_52, %swap3A_53] {strides = array<i32>} : memref<16x128xf32, #tpu.memory_space<vmem>>, vector<16xf32>,
      tpu.vector_store %arg21[%swap3A_52, %swap3A_53], %broadcast_in_dim3A_5 {strides = array<i32>} : memref<16x128xf32, #tpu.memory_space<vmem>>, vector<16xf32>,
      %swap3A_55 = arith.index_cast %scan3A_34 : i32 to index
      %swap3A_56 = arith.constant 112 : index
      %swap3A_57 = tpu.vector_load %arg21[%swap3A_55, %swap3A_56] {strides = array<i32>} : memref<16x128xf32, #tpu.memory_space<vmem>>, vector<16xf32>,
      tpu.vector_store %arg21[%swap3A_55, %swap3A_56], %broadcast_in_dim3A_5 {strides = array<i32>} : memref<16x128xf32, #tpu.memory_space<vmem>>, vector<16xf32>,
    }
    %scan3A_10 = arith.constant 16 : i32
    %scan3A_11 = arith.constant 0 : i32
    %scan3A_12 = arith.constant 0 : i32
    %scan3A_13 = arith.constant 42 : i32
    %scan3A_14 = arith.addi %scan3A_12, %scan3A_13 : i32
    %scan3A_15 = arith.constant 1 : i32
    scf.for %scan3A_34 = %scan3A_12 to %scan3A_14 step %scan3A_15  : i32 {
      %mul3A_35 = arith.constant 16 : i32
      %mul3A_36 = arith.muli %scan3A_34, %mul3A_35 : i32
      %add3A_37 = arith.addi %mul3A_4, %mul3A_36 : i32
      "tpu.region"() ({
        %run_scoped3A = tpu.sem_alloc : memref<!tpu.dma_semaphore, #tpu.memory_space<semaphore_mem>>
        %dma_start3A = arith.constant 0 : i32
        %dma_start3A_38 = tpu.memref_slice %arg22[%add3A_37, %dma_start3A] : memref<10752x128xf32, #tpu.memory_space<vmem_shared>> -> memref<16x128xf32, #tpu.memory_space<vmem_shared>>
        %dma_start3A_39 = arith.constant 0 : i32
        %dma_start3A_40 = tpu.memref_slice %arg22[%add3A_37, %dma_start3A_39] : memref<10752x128xf32, #tpu.memory_space<vmem_shared>> -> memref<16x128xf32, #tpu.memory_space<vmem_shared>>
        tpu.enqueue_dma source(%arg21 : memref<16x128xf32, #tpu.memory_space<vmem>>) target(%dma_start3A_40 : memref<16x128xf32, #tpu.memory_space<vmem_shared>>) target_semaphore(%run_scoped3A : memref<!tpu.dma_semaphore, #tpu.memory_space<semaphore_mem>>)
        %dma_wait3A = arith.constant 0 : i32
        %dma_wait3A_41 = tpu.memref_slice %arg22[%add3A_37, %dma_wait3A] : memref<10752x128xf32, #tpu.memory_space<vmem_shared>> -> memref<16x128xf32, #tpu.memory_space<vmem_shared>>
        %dma_wait3A_42 = arith.constant 0 : i32
        %dma_wait3A_43 = tpu.memref_slice %arg22[%add3A_37, %dma_wait3A_42] : memref<10752x128xf32, #tpu.memory_space<vmem_shared>> -> memref<16x128xf32, #tpu.memory_space<vmem_shared>>
        tpu.wait_dma2 semaphore(%run_scoped3A : memref<!tpu.dma_semaphore, #tpu.memory_space<semaphore_mem>>) src(%arg21 : memref<16x128xf32, #tpu.memory_space<vmem>>) dst(%dma_wait3A_43 : memref<16x128xf32, #tpu.memory_space<vmem_shared>>)
        tpu.yield
      }) : () -> ()
    }
    %scan3A_16 = arith.constant 42 : i32
    %barrier3A = arith.constant 0 : index
    tpu.barrier barrier_id(%barrier3A)
    %scan3A_17 = arith.constant 0 : i32
    %scan3A_18 = arith.constant 0 : i32
    %scan3A_19 = arith.constant 80 : i32
    %scan3A_20 = arith.addi %scan3A_18, %scan3A_19 : i32
    %scan3A_21 = arith.constant 1 : i32
    scf.for %scan3A_34 = %scan3A_18 to %scan3A_20 step %scan3A_21  : i32 {
      %mul3A_35 = arith.constant 64 : i32
      %mul3A_36 = arith.muli %scan3A_34, %mul3A_35 : i32
      %add3A_37 = arith.addi %mul3A_2, %mul3A_36 : i32
      "tpu.region"() ({
        %run_scoped3A = tpu.sem_alloc : memref<!tpu.dma_semaphore, #tpu.memory_space<semaphore_mem>>
        %dma_start3A_66 = tpu.memref_slice %arg6[%add3A_37] : memref<163840xi32, #tpu.memory_space<hbm>> -> memref<64xi32, #tpu.memory_space<hbm>>
        %dma_start3A_67 = tpu.memref_slice %arg6[%add3A_37] : memref<163840xi32, #tpu.memory_space<hbm>> -> memref<64xi32, #tpu.memory_space<hbm>>
        tpu.enqueue_dma source(%dma_start3A_67 : memref<64xi32, #tpu.memory_space<hbm>>) target(%arg16 : memref<64xi32, #tpu.memory_space<vmem>>) target_semaphore(%run_scoped3A : memref<!tpu.dma_semaphore, #tpu.memory_space<semaphore_mem>>)
        %dma_wait3A_68 = tpu.memref_slice %arg6[%add3A_37] : memref<163840xi32, #tpu.memory_space<hbm>> -> memref<64xi32, #tpu.memory_space<hbm>>
        %dma_wait3A_69 = tpu.memref_slice %arg6[%add3A_37] : memref<163840xi32, #tpu.memory_space<hbm>> -> memref<64xi32, #tpu.memory_space<hbm>>
        tpu.wait_dma2 semaphore(%run_scoped3A : memref<!tpu.dma_semaphore, #tpu.memory_space<semaphore_mem>>) src(%dma_wait3A_69 : memref<64xi32, #tpu.memory_space<hbm>>) dst(%arg16 : memref<64xi32, #tpu.memory_space<vmem>>)
        tpu.yield
      }) : () -> ()
      "tpu.region"() ({
        %run_scoped3A = tpu.sem_alloc : memref<!tpu.dma_semaphore, #tpu.memory_space<semaphore_mem>>
        %dma_start3A_66 = tpu.memref_slice %arg7[%add3A_37] : memref<163840xi32, #tpu.memory_space<hbm>> -> memref<64xi32, #tpu.memory_space<hbm>>
        %dma_start3A_67 = tpu.memref_slice %arg7[%add3A_37] : memref<163840xi32, #tpu.memory_space<hbm>> -> memref<64xi32, #tpu.memory_space<hbm>>
        tpu.enqueue_dma source(%dma_start3A_67 : memref<64xi32, #tpu.memory_space<hbm>>) target(%arg17 : memref<64xi32, #tpu.memory_space<vmem>>) target_semaphore(%run_scoped3A : memref<!tpu.dma_semaphore, #tpu.memory_space<semaphore_mem>>)
        %dma_wait3A_68 = tpu.memref_slice %arg7[%add3A_37] : memref<163840xi32, #tpu.memory_space<hbm>> -> memref<64xi32, #tpu.memory_space<hbm>>
        %dma_wait3A_69 = tpu.memref_slice %arg7[%add3A_37] : memref<163840xi32, #tpu.memory_space<hbm>> -> memref<64xi32, #tpu.memory_space<hbm>>
        tpu.wait_dma2 semaphore(%run_scoped3A : memref<!tpu.dma_semaphore, #tpu.memory_space<semaphore_mem>>) src(%dma_wait3A_69 : memref<64xi32, #tpu.memory_space<hbm>>) dst(%arg17 : memref<64xi32, #tpu.memory_space<vmem>>)
        tpu.yield
      }) : () -> ()
      "tpu.region"() ({
        %run_scoped3A = tpu.sem_alloc : memref<!tpu.dma_semaphore, #tpu.memory_space<semaphore_mem>>
        %dma_start3A_66 = tpu.memref_slice %arg8[%add3A_37] : memref<163840xi32, #tpu.memory_space<hbm>> -> memref<64xi32, #tpu.memory_space<hbm>>
        %dma_start3A_67 = tpu.memref_slice %arg8[%add3A_37] : memref<163840xi32, #tpu.memory_space<hbm>> -> memref<64xi32, #tpu.memory_space<hbm>>
        tpu.enqueue_dma source(%dma_start3A_67 : memref<64xi32, #tpu.memory_space<hbm>>) target(%arg18 : memref<64xi32, #tpu.memory_space<vmem>>) target_semaphore(%run_scoped3A : memref<!tpu.dma_semaphore, #tpu.memory_space<semaphore_mem>>)
        %dma_wait3A_68 = tpu.memref_slice %arg8[%add3A_37] : memref<163840xi32, #tpu.memory_space<hbm>> -> memref<64xi32, #tpu.memory_space<hbm>>
        %dma_wait3A_69 = tpu.memref_slice %arg8[%add3A_37] : memref<163840xi32, #tpu.memory_space<hbm>> -> memref<64xi32, #tpu.memory_space<hbm>>
        tpu.wait_dma2 semaphore(%run_scoped3A : memref<!tpu.dma_semaphore, #tpu.memory_space<semaphore_mem>>) src(%dma_wait3A_69 : memref<64xi32, #tpu.memory_space<hbm>>) dst(%arg18 : memref<64xi32, #tpu.memory_space<vmem>>)
        tpu.yield
      }) : () -> ()
      %dma_start3A = arith.constant 0 : i32
      %dma_start3A_38 = arith.constant 0 : i32
      %dma_start3A_39 = tpu.memref_slice %arg2[%dma_start3A, %dma_start3A_38] : memref<10000x128xf32, #tpu.memory_space<hbm>> -> memref<10000x128xf32, #tpu.memory_space<hbm>>
      tpu.enqueue_indirect_dma source(%dma_start3A_39 : memref<10000x128xf32, #tpu.memory_space<hbm>>) target(%arg11 : memref<64x128xf32, #tpu.memory_space<vmem>>) offsets(%arg16 : memref<64xi32, #tpu.memory_space<vmem>>) semaphore(%arg23 : memref<!tpu.dma_semaphore, #tpu.memory_space<semaphore_mem>>)
      %dma_start3A_40 = arith.constant 0 : i32
      %dma_start3A_41 = arith.constant 0 : i32
      %dma_start3A_42 = tpu.memref_slice %arg3[%dma_start3A_40, %dma_start3A_41] : memref<10000x128xf32, #tpu.memory_space<hbm>> -> memref<10000x128xf32, #tpu.memory_space<hbm>>
      tpu.enqueue_indirect_dma source(%dma_start3A_42 : memref<10000x128xf32, #tpu.memory_space<hbm>>) target(%arg12 : memref<64x128xf32, #tpu.memory_space<vmem>>) offsets(%arg17 : memref<64xi32, #tpu.memory_space<vmem>>) semaphore(%arg24 : memref<!tpu.dma_semaphore, #tpu.memory_space<semaphore_mem>>)
      %dma_start3A_43 = arith.constant 0 : i32
      %dma_start3A_44 = arith.constant 0 : i32
      %dma_start3A_45 = tpu.memref_slice %arg4[%dma_start3A_43, %dma_start3A_44] : memref<32x128xf32, #tpu.memory_space<hbm>> -> memref<32x128xf32, #tpu.memory_space<hbm>>
      tpu.enqueue_indirect_dma source(%dma_start3A_45 : memref<32x128xf32, #tpu.memory_space<hbm>>) target(%arg13 : memref<64x128xf32, #tpu.memory_space<vmem>>) offsets(%arg18 : memref<64xi32, #tpu.memory_space<vmem>>) semaphore(%arg25 : memref<!tpu.dma_semaphore, #tpu.memory_space<semaphore_mem>>)
      %scan3A_46 = arith.constant 0 : i32
      %scan3A_47 = arith.constant 0 : i32
      %scan3A_48 = arith.constant 4 : i32
      %scan3A_49 = arith.addi %scan3A_47, %scan3A_48 : i32
      %scan3A_50 = arith.constant 1 : i32
      scf.for %scan3A_66 = %scan3A_47 to %scan3A_49 step %scan3A_50  : i32 {
        %mul3A_67 = arith.constant 16 : i32
        %mul3A_68 = arith.muli %mul3A_67, %scan3A_66 : i32
        %get3A = arith.index_cast %mul3A_68 : i32 to index
        %get3A_69 = tpu.vector_load %arg17[%get3A] {strides = array<i32>} : memref<64xi32, #tpu.memory_space<vmem>>, vector<16xi32>,
        %shift_right_logical3A = arith.constant 5 : i32
        %shift_right_logical3A_70 = vector.broadcast %shift_right_logical3A : i32 to vector<16xi32>
        %shift_right_logical3A_71 = arith.shrui %get3A_69, %shift_right_logical3A_70 : vector<16xi32>
        %add3A_72 = arith.constant 10240 : i32
        %add3A_73 = vector.broadcast %add3A_72 : i32 to vector<16xi32>
        %add3A_74 = arith.addi %add3A_73, %shift_right_logical3A_71 : vector<16xi32>
        %mul3A_75 = arith.constant 16 : i32
        %mul3A_76 = arith.muli %mul3A_75, %scan3A_66 : i32
        %swap3A = arith.index_cast %mul3A_76 : i32 to index
        %swap3A_77 = tpu.vector_load %arg19[%swap3A] {strides = array<i32>} : memref<64xi32, #tpu.memory_space<vmem>>, vector<16xi32>,
        tpu.vector_store %arg19[%swap3A], %add3A_74 {strides = array<i32>} : memref<64xi32, #tpu.memory_space<vmem>>, vector<16xi32>,
      }
      %scan3A_51 = arith.constant 4 : i32
      %dma_wait3A = arith.constant 0 : i32
      %dma_wait3A_52 = arith.constant 0 : i32
      %dma_wait3A_53 = tpu.memref_slice %arg2[%dma_wait3A, %dma_wait3A_52] : memref<10000x128xf32, #tpu.memory_space<hbm>> -> memref<10000x128xf32, #tpu.memory_space<hbm>>
      tpu.wait_indirect_dma semaphore(%arg23 : memref<!tpu.dma_semaphore, #tpu.memory_space<semaphore_mem>>) src(%dma_wait3A_53 : memref<10000x128xf32, #tpu.memory_space<hbm>>) dst(%arg11 : memref<64x128xf32, #tpu.memory_space<vmem>>)
      %dma_wait3A_54 = arith.constant 0 : i32
      %dma_wait3A_55 = arith.constant 0 : i32
      %dma_wait3A_56 = tpu.memref_slice %arg3[%dma_wait3A_54, %dma_wait3A_55] : memref<10000x128xf32, #tpu.memory_space<hbm>> -> memref<10000x128xf32, #tpu.memory_space<hbm>>
      tpu.wait_indirect_dma semaphore(%arg24 : memref<!tpu.dma_semaphore, #tpu.memory_space<semaphore_mem>>) src(%dma_wait3A_56 : memref<10000x128xf32, #tpu.memory_space<hbm>>) dst(%arg12 : memref<64x128xf32, #tpu.memory_space<vmem>>)
      %dma_wait3A_57 = arith.constant 0 : i32
      %dma_wait3A_58 = arith.constant 0 : i32
      %dma_wait3A_59 = tpu.memref_slice %arg4[%dma_wait3A_57, %dma_wait3A_58] : memref<32x128xf32, #tpu.memory_space<hbm>> -> memref<32x128xf32, #tpu.memory_space<hbm>>
      tpu.wait_indirect_dma semaphore(%arg25 : memref<!tpu.dma_semaphore, #tpu.memory_space<semaphore_mem>>) src(%dma_wait3A_59 : memref<32x128xf32, #tpu.memory_space<hbm>>) dst(%arg13 : memref<64x128xf32, #tpu.memory_space<vmem>>)
      %scan3A_60 = arith.constant 0 : i32
      %scan3A_61 = arith.constant 0 : i32
      %scan3A_62 = arith.constant 64 : i32
      %scan3A_63 = arith.addi %scan3A_61, %scan3A_62 : i32
      %scan3A_64 = arith.constant 1 : i32
      scf.for %scan3A_66 = %scan3A_61 to %scan3A_63 step %scan3A_64  : i32 {
        %get3A = arith.index_cast %scan3A_66 : i32 to index
        %get3A_67 = arith.constant 0 : index
        %get3A_68 = tpu.vector_load %arg11[%get3A, %get3A_67] {strides = array<i32>} : memref<64x128xf32, #tpu.memory_space<vmem>>, vector<16xf32>,
        %get3A_69 = arith.index_cast %scan3A_66 : i32 to index
        %get3A_70 = arith.constant 16 : index
        %get3A_71 = tpu.vector_load %arg11[%get3A_69, %get3A_70] {strides = array<i32>} : memref<64x128xf32, #tpu.memory_space<vmem>>, vector<16xf32>,
        %get3A_72 = arith.index_cast %scan3A_66 : i32 to index
        %get3A_73 = arith.constant 32 : index
        %get3A_74 = tpu.vector_load %arg11[%get3A_72, %get3A_73] {strides = array<i32>} : memref<64x128xf32, #tpu.memory_space<vmem>>, vector<16xf32>,
        %get3A_75 = arith.index_cast %scan3A_66 : i32 to index
        %get3A_76 = arith.constant 48 : index
        %get3A_77 = tpu.vector_load %arg11[%get3A_75, %get3A_76] {strides = array<i32>} : memref<64x128xf32, #tpu.memory_space<vmem>>, vector<16xf32>,
        %get3A_78 = arith.index_cast %scan3A_66 : i32 to index
        %get3A_79 = arith.constant 64 : index
        %get3A_80 = tpu.vector_load %arg11[%get3A_78, %get3A_79] {strides = array<i32>} : memref<64x128xf32, #tpu.memory_space<vmem>>, vector<16xf32>,
        %get3A_81 = arith.index_cast %scan3A_66 : i32 to index
        %get3A_82 = arith.constant 80 : index
        %get3A_83 = tpu.vector_load %arg11[%get3A_81, %get3A_82] {strides = array<i32>} : memref<64x128xf32, #tpu.memory_space<vmem>>, vector<16xf32>,
        %get3A_84 = arith.index_cast %scan3A_66 : i32 to index
        %get3A_85 = arith.constant 96 : index
        %get3A_86 = tpu.vector_load %arg11[%get3A_84, %get3A_85] {strides = array<i32>} : memref<64x128xf32, #tpu.memory_space<vmem>>, vector<16xf32>,
        %get3A_87 = arith.index_cast %scan3A_66 : i32 to index
        %get3A_88 = arith.constant 112 : index
        %get3A_89 = tpu.vector_load %arg11[%get3A_87, %get3A_88] {strides = array<i32>} : memref<64x128xf32, #tpu.memory_space<vmem>>, vector<16xf32>,
        %get3A_90 = arith.index_cast %scan3A_66 : i32 to index
        %get3A_91 = arith.constant 0 : index
        %get3A_92 = tpu.vector_load %arg12[%get3A_90, %get3A_91] {strides = array<i32>} : memref<64x128xf32, #tpu.memory_space<vmem>>, vector<16xf32>,
        %get3A_93 = arith.index_cast %scan3A_66 : i32 to index
        %get3A_94 = arith.constant 16 : index
        %get3A_95 = tpu.vector_load %arg12[%get3A_93, %get3A_94] {strides = array<i32>} : memref<64x128xf32, #tpu.memory_space<vmem>>, vector<16xf32>,
        %get3A_96 = arith.index_cast %scan3A_66 : i32 to index
        %get3A_97 = arith.constant 32 : index
        %get3A_98 = tpu.vector_load %arg12[%get3A_96, %get3A_97] {strides = array<i32>} : memref<64x128xf32, #tpu.memory_space<vmem>>, vector<16xf32>,
        %get3A_99 = arith.index_cast %scan3A_66 : i32 to index
        %get3A_100 = arith.constant 48 : index
        %get3A_101 = tpu.vector_load %arg12[%get3A_99, %get3A_100] {strides = array<i32>} : memref<64x128xf32, #tpu.memory_space<vmem>>, vector<16xf32>,
        %get3A_102 = arith.index_cast %scan3A_66 : i32 to index
        %get3A_103 = arith.constant 64 : index
        %get3A_104 = tpu.vector_load %arg12[%get3A_102, %get3A_103] {strides = array<i32>} : memref<64x128xf32, #tpu.memory_space<vmem>>, vector<16xf32>,
        %get3A_105 = arith.index_cast %scan3A_66 : i32 to index
        %get3A_106 = arith.constant 80 : index
        %get3A_107 = tpu.vector_load %arg12[%get3A_105, %get3A_106] {strides = array<i32>} : memref<64x128xf32, #tpu.memory_space<vmem>>, vector<16xf32>,
        %get3A_108 = arith.index_cast %scan3A_66 : i32 to index
        %get3A_109 = arith.constant 96 : index
        %get3A_110 = tpu.vector_load %arg12[%get3A_108, %get3A_109] {strides = array<i32>} : memref<64x128xf32, #tpu.memory_space<vmem>>, vector<16xf32>,
        %get3A_111 = arith.index_cast %scan3A_66 : i32 to index
        %get3A_112 = arith.constant 112 : index
        %get3A_113 = tpu.vector_load %arg12[%get3A_111, %get3A_112] {strides = array<i32>} : memref<64x128xf32, #tpu.memory_space<vmem>>, vector<16xf32>,
        %get3A_114 = arith.index_cast %scan3A_66 : i32 to index
        %get3A_115 = arith.constant 0 : index
        %get3A_116 = tpu.vector_load %arg13[%get3A_114, %get3A_115] {strides = array<i32>} : memref<64x128xf32, #tpu.memory_space<vmem>>, vector<16xf32>,
        %get3A_117 = arith.index_cast %scan3A_66 : i32 to index
        %get3A_118 = arith.constant 16 : index
        %get3A_119 = tpu.vector_load %arg13[%get3A_117, %get3A_118] {strides = array<i32>} : memref<64x128xf32, #tpu.memory_space<vmem>>, vector<16xf32>,
        %get3A_120 = arith.index_cast %scan3A_66 : i32 to index
        %get3A_121 = arith.constant 32 : index
        %get3A_122 = tpu.vector_load %arg13[%get3A_120, %get3A_121] {strides = array<i32>} : memref<64x128xf32, #tpu.memory_space<vmem>>, vector<16xf32>,
        %get3A_123 = arith.index_cast %scan3A_66 : i32 to index
        %get3A_124 = arith.constant 48 : index
        %get3A_125 = tpu.vector_load %arg13[%get3A_123, %get3A_124] {strides = array<i32>} : memref<64x128xf32, #tpu.memory_space<vmem>>, vector<16xf32>,
        %get3A_126 = arith.index_cast %scan3A_66 : i32 to index
        %get3A_127 = arith.constant 64 : index
        %get3A_128 = tpu.vector_load %arg13[%get3A_126, %get3A_127] {strides = array<i32>} : memref<64x128xf32, #tpu.memory_space<vmem>>, vector<16xf32>,
        %get3A_129 = arith.index_cast %scan3A_66 : i32 to index
        %get3A_130 = arith.constant 80 : index
        %get3A_131 = tpu.vector_load %arg13[%get3A_129, %get3A_130] {strides = array<i32>} : memref<64x128xf32, #tpu.memory_space<vmem>>, vector<16xf32>,
        %get3A_132 = arith.index_cast %scan3A_66 : i32 to index
        %get3A_133 = arith.constant 96 : index
        %get3A_134 = tpu.vector_load %arg13[%get3A_132, %get3A_133] {strides = array<i32>} : memref<64x128xf32, #tpu.memory_space<vmem>>, vector<16xf32>,
        %get3A_135 = arith.index_cast %scan3A_66 : i32 to index
        %get3A_136 = arith.constant 112 : index
        %get3A_137 = tpu.vector_load %arg13[%get3A_135, %get3A_136] {strides = array<i32>} : memref<64x128xf32, #tpu.memory_space<vmem>>, vector<16xf32>,
        %add3A_138 = arith.addf %get3A_68, %get3A_92 : vector<16xf32>
        %mul3A_139 = arith.mulf %add3A_138, %get3A_116 : vector<16xf32>
        %add3A_140 = arith.addf %get3A_71, %get3A_95 : vector<16xf32>
        %mul3A_141 = arith.mulf %add3A_140, %get3A_119 : vector<16xf32>
        %add3A_142 = arith.addf %get3A_74, %get3A_98 : vector<16xf32>
        %mul3A_143 = arith.mulf %add3A_142, %get3A_122 : vector<16xf32>
        %add3A_144 = arith.addf %get3A_77, %get3A_101 : vector<16xf32>
        %mul3A_145 = arith.mulf %add3A_144, %get3A_125 : vector<16xf32>
        %add3A_146 = arith.addf %get3A_80, %get3A_104 : vector<16xf32>
        %mul3A_147 = arith.mulf %add3A_146, %get3A_128 : vector<16xf32>
        %add3A_148 = arith.addf %get3A_83, %get3A_107 : vector<16xf32>
        %mul3A_149 = arith.mulf %add3A_148, %get3A_131 : vector<16xf32>
        %add3A_150 = arith.addf %get3A_86, %get3A_110 : vector<16xf32>
        %mul3A_151 = arith.mulf %add3A_150, %get3A_134 : vector<16xf32>
        %add3A_152 = arith.addf %get3A_89, %get3A_113 : vector<16xf32>
        %mul3A_153 = arith.mulf %add3A_152, %get3A_137 : vector<16xf32>
        %mul3A_154 = arith.mulf %get3A_68, %get3A_92 : vector<16xf32>
        %mul3A_155 = arith.constant 0.176776692 : f32
        %mul3A_156 = vector.broadcast %mul3A_155 : f32 to vector<16xf32>
        %mul3A_157 = arith.mulf %mul3A_154, %mul3A_156 : vector<16xf32>
        %get3A_158 = arith.constant 0 : index
        %get3A_159 = tpu.vector_load %arg20[%get3A_158] {strides = array<i32>} : memref<128xf32, #tpu.memory_space<vmem>>, vector<16xf32>,
        %mul3A_160 = arith.mulf %mul3A_139, %get3A_159 : vector<16xf32>
        %add3A_161 = arith.addf %mul3A_157, %mul3A_160 : vector<16xf32>
        %mul3A_162 = arith.mulf %get3A_71, %get3A_95 : vector<16xf32>
        %mul3A_163 = arith.constant 0.176776692 : f32
        %mul3A_164 = vector.broadcast %mul3A_163 : f32 to vector<16xf32>
        %mul3A_165 = arith.mulf %mul3A_162, %mul3A_164 : vector<16xf32>
        %get3A_166 = arith.constant 16 : index
        %get3A_167 = tpu.vector_load %arg20[%get3A_166] {strides = array<i32>} : memref<128xf32, #tpu.memory_space<vmem>>, vector<16xf32>,
        %mul3A_168 = arith.mulf %mul3A_141, %get3A_167 : vector<16xf32>
        %add3A_169 = arith.addf %mul3A_165, %mul3A_168 : vector<16xf32>
        %mul3A_170 = arith.mulf %get3A_74, %get3A_98 : vector<16xf32>
        %mul3A_171 = arith.constant 0.176776692 : f32
        %mul3A_172 = vector.broadcast %mul3A_171 : f32 to vector<16xf32>
        %mul3A_173 = arith.mulf %mul3A_170, %mul3A_172 : vector<16xf32>
        %get3A_174 = arith.constant 32 : index
        %get3A_175 = tpu.vector_load %arg20[%get3A_174] {strides = array<i32>} : memref<128xf32, #tpu.memory_space<vmem>>, vector<16xf32>,
        %mul3A_176 = arith.mulf %mul3A_143, %get3A_175 : vector<16xf32>
        %add3A_177 = arith.addf %mul3A_173, %mul3A_176 : vector<16xf32>
        %mul3A_178 = arith.mulf %get3A_77, %get3A_101 : vector<16xf32>
        %mul3A_179 = arith.constant 0.176776692 : f32
        %mul3A_180 = vector.broadcast %mul3A_179 : f32 to vector<16xf32>
        %mul3A_181 = arith.mulf %mul3A_178, %mul3A_180 : vector<16xf32>
        %get3A_182 = arith.constant 48 : index
        %get3A_183 = tpu.vector_load %arg20[%get3A_182] {strides = array<i32>} : memref<128xf32, #tpu.memory_space<vmem>>, vector<16xf32>,
        %mul3A_184 = arith.mulf %mul3A_145, %get3A_183 : vector<16xf32>
        %add3A_185 = arith.addf %mul3A_181, %mul3A_184 : vector<16xf32>
        %mul3A_186 = arith.mulf %get3A_80, %get3A_104 : vector<16xf32>
        %mul3A_187 = arith.constant 0.176776692 : f32
        %mul3A_188 = vector.broadcast %mul3A_187 : f32 to vector<16xf32>
        %mul3A_189 = arith.mulf %mul3A_186, %mul3A_188 : vector<16xf32>
        %get3A_190 = arith.constant 64 : index
        %get3A_191 = tpu.vector_load %arg20[%get3A_190] {strides = array<i32>} : memref<128xf32, #tpu.memory_space<vmem>>, vector<16xf32>,
        %mul3A_192 = arith.mulf %mul3A_147, %get3A_191 : vector<16xf32>
        %add3A_193 = arith.addf %mul3A_189, %mul3A_192 : vector<16xf32>
        %mul3A_194 = arith.mulf %get3A_83, %get3A_107 : vector<16xf32>
        %mul3A_195 = arith.constant 0.176776692 : f32
        %mul3A_196 = vector.broadcast %mul3A_195 : f32 to vector<16xf32>
        %mul3A_197 = arith.mulf %mul3A_194, %mul3A_196 : vector<16xf32>
        %get3A_198 = arith.constant 80 : index
        %get3A_199 = tpu.vector_load %arg20[%get3A_198] {strides = array<i32>} : memref<128xf32, #tpu.memory_space<vmem>>, vector<16xf32>,
        %mul3A_200 = arith.mulf %mul3A_149, %get3A_199 : vector<16xf32>
        %add3A_201 = arith.addf %mul3A_197, %mul3A_200 : vector<16xf32>
        %mul3A_202 = arith.mulf %get3A_86, %get3A_110 : vector<16xf32>
        %mul3A_203 = arith.constant 0.176776692 : f32
        %mul3A_204 = vector.broadcast %mul3A_203 : f32 to vector<16xf32>
        %mul3A_205 = arith.mulf %mul3A_202, %mul3A_204 : vector<16xf32>
        %get3A_206 = arith.constant 96 : index
        %get3A_207 = tpu.vector_load %arg20[%get3A_206] {strides = array<i32>} : memref<128xf32, #tpu.memory_space<vmem>>, vector<16xf32>,
        %mul3A_208 = arith.mulf %mul3A_151, %get3A_207 : vector<16xf32>
        %add3A_209 = arith.addf %mul3A_205, %mul3A_208 : vector<16xf32>
        %mul3A_210 = arith.mulf %get3A_89, %get3A_113 : vector<16xf32>
        %mul3A_211 = arith.constant 0.176776692 : f32
        %mul3A_212 = vector.broadcast %mul3A_211 : f32 to vector<16xf32>
        %mul3A_213 = arith.mulf %mul3A_210, %mul3A_212 : vector<16xf32>
        %get3A_214 = arith.constant 112 : index
        %get3A_215 = tpu.vector_load %arg20[%get3A_214] {strides = array<i32>} : memref<128xf32, #tpu.memory_space<vmem>>, vector<16xf32>,
        %mul3A_216 = arith.mulf %mul3A_153, %get3A_215 : vector<16xf32>
        %add3A_217 = arith.addf %mul3A_213, %mul3A_216 : vector<16xf32>
        %add3A_218 = arith.addf %add3A_161, %add3A_169 : vector<16xf32>
        %iota3A_219 = tpu.iota {dimensions = array<i32: 0>} : vector<16xi32>
        %xor3A = arith.constant 8 : i32
        %xor3A_220 = vector.broadcast %xor3A : i32 to vector<16xi32>
        %xor3A_221 = arith.xori %iota3A_219, %xor3A_220 : vector<16xi32>
        %lt3A = arith.constant 0 : i32
        %lt3A_222 = vector.broadcast %lt3A : i32 to vector<16xi32>
        %lt3A_223 = arith.cmpi slt, %xor3A_221, %lt3A_222 : vector<16xi32>
        %add3A_224 = arith.constant 16 : i32
        %add3A_225 = vector.broadcast %add3A_224 : i32 to vector<16xi32>
        %add3A_226 = arith.addi %xor3A_221, %add3A_225 : vector<16xi32>
        %select_n3A = arith.select %lt3A_223, %add3A_226, %xor3A_221 : vector<16xi1>, vector<16xi32>
        %reshape3A = vector.shape_cast %select_n3A : vector<16xi32> to vector<16x1xi32>
        %gather3A = vector.shape_cast %reshape3A : vector<16x1xi32> to vector<16xi32>
        %gather3A_227 = tpu.dynamic_gather %add3A_218[%gather3A] in [0] : vector<16xf32>, vector<16xi32> -> vector<16xf32>
        %add3A_228 = arith.addf %add3A_218, %gather3A_227 : vector<16xf32>
        %xor3A_229 = arith.constant 4 : i32
        %xor3A_230 = vector.broadcast %xor3A_229 : i32 to vector<16xi32>
        %xor3A_231 = arith.xori %iota3A_219, %xor3A_230 : vector<16xi32>
        %lt3A_232 = arith.constant 0 : i32
        %lt3A_233 = vector.broadcast %lt3A_232 : i32 to vector<16xi32>
        %lt3A_234 = arith.cmpi slt, %xor3A_231, %lt3A_233 : vector<16xi32>
        %add3A_235 = arith.constant 16 : i32
        %add3A_236 = vector.broadcast %add3A_235 : i32 to vector<16xi32>
        %add3A_237 = arith.addi %xor3A_231, %add3A_236 : vector<16xi32>
        %select_n3A_238 = arith.select %lt3A_234, %add3A_237, %xor3A_231 : vector<16xi1>, vector<16xi32>
        %reshape3A_239 = vector.shape_cast %select_n3A_238 : vector<16xi32> to vector<16x1xi32>
        %gather3A_240 = vector.shape_cast %reshape3A_239 : vector<16x1xi32> to vector<16xi32>
        %gather3A_241 = tpu.dynamic_gather %add3A_228[%gather3A_240] in [0] : vector<16xf32>, vector<16xi32> -> vector<16xf32>
        %add3A_242 = arith.addf %add3A_228, %gather3A_241 : vector<16xf32>
        %xor3A_243 = arith.constant 2 : i32
        %xor3A_244 = vector.broadcast %xor3A_243 : i32 to vector<16xi32>
        %xor3A_245 = arith.xori %iota3A_219, %xor3A_244 : vector<16xi32>
        %lt3A_246 = arith.constant 0 : i32
        %lt3A_247 = vector.broadcast %lt3A_246 : i32 to vector<16xi32>
        %lt3A_248 = arith.cmpi slt, %xor3A_245, %lt3A_247 : vector<16xi32>
        %add3A_249 = arith.constant 16 : i32
        %add3A_250 = vector.broadcast %add3A_249 : i32 to vector<16xi32>
        %add3A_251 = arith.addi %xor3A_245, %add3A_250 : vector<16xi32>
        %select_n3A_252 = arith.select %lt3A_248, %add3A_251, %xor3A_245 : vector<16xi1>, vector<16xi32>
        %reshape3A_253 = vector.shape_cast %select_n3A_252 : vector<16xi32> to vector<16x1xi32>
        %gather3A_254 = vector.shape_cast %reshape3A_253 : vector<16x1xi32> to vector<16xi32>
        %gather3A_255 = tpu.dynamic_gather %add3A_242[%gather3A_254] in [0] : vector<16xf32>, vector<16xi32> -> vector<16xf32>
        %add3A_256 = arith.addf %add3A_242, %gather3A_255 : vector<16xf32>
        %xor3A_257 = arith.constant 1 : i32
        %xor3A_258 = vector.broadcast %xor3A_257 : i32 to vector<16xi32>
        %xor3A_259 = arith.xori %iota3A_219, %xor3A_258 : vector<16xi32>
        %lt3A_260 = arith.constant 0 : i32
        %lt3A_261 = vector.broadcast %lt3A_260 : i32 to vector<16xi32>
        %lt3A_262 = arith.cmpi slt, %xor3A_259, %lt3A_261 : vector<16xi32>
        %add3A_263 = arith.constant 16 : i32
        %add3A_264 = vector.broadcast %add3A_263 : i32 to vector<16xi32>
        %add3A_265 = arith.addi %xor3A_259, %add3A_264 : vector<16xi32>
        %select_n3A_266 = arith.select %lt3A_262, %add3A_265, %xor3A_259 : vector<16xi1>, vector<16xi32>
        %reshape3A_267 = vector.shape_cast %select_n3A_266 : vector<16xi32> to vector<16x1xi32>
        %gather3A_268 = vector.shape_cast %reshape3A_267 : vector<16x1xi32> to vector<16xi32>
        %gather3A_269 = tpu.dynamic_gather %add3A_256[%gather3A_268] in [0] : vector<16xf32>, vector<16xi32> -> vector<16xf32>
        %add3A_270 = arith.addf %add3A_256, %gather3A_269 : vector<16xf32>
        %exp3A = math.exp %add3A_270 : vector<16xf32>
        %add3A_271 = arith.addf %add3A_177, %add3A_185 : vector<16xf32>
        %iota3A_272 = tpu.iota {dimensions = array<i32: 0>} : vector<16xi32>
        %xor3A_273 = arith.constant 8 : i32
        %xor3A_274 = vector.broadcast %xor3A_273 : i32 to vector<16xi32>
        %xor3A_275 = arith.xori %iota3A_272, %xor3A_274 : vector<16xi32>
        %lt3A_276 = arith.constant 0 : i32
        %lt3A_277 = vector.broadcast %lt3A_276 : i32 to vector<16xi32>
        %lt3A_278 = arith.cmpi slt, %xor3A_275, %lt3A_277 : vector<16xi32>
        %add3A_279 = arith.constant 16 : i32
        %add3A_280 = vector.broadcast %add3A_279 : i32 to vector<16xi32>
        %add3A_281 = arith.addi %xor3A_275, %add3A_280 : vector<16xi32>
        %select_n3A_282 = arith.select %lt3A_278, %add3A_281, %xor3A_275 : vector<16xi1>, vector<16xi32>
        %reshape3A_283 = vector.shape_cast %select_n3A_282 : vector<16xi32> to vector<16x1xi32>
        %gather3A_284 = vector.shape_cast %reshape3A_283 : vector<16x1xi32> to vector<16xi32>
        %gather3A_285 = tpu.dynamic_gather %add3A_271[%gather3A_284] in [0] : vector<16xf32>, vector<16xi32> -> vector<16xf32>
        %add3A_286 = arith.addf %add3A_271, %gather3A_285 : vector<16xf32>
        %xor3A_287 = arith.constant 4 : i32
        %xor3A_288 = vector.broadcast %xor3A_287 : i32 to vector<16xi32>
        %xor3A_289 = arith.xori %iota3A_272, %xor3A_288 : vector<16xi32>
        %lt3A_290 = arith.constant 0 : i32
        %lt3A_291 = vector.broadcast %lt3A_290 : i32 to vector<16xi32>
        %lt3A_292 = arith.cmpi slt, %xor3A_289, %lt3A_291 : vector<16xi32>
        %add3A_293 = arith.constant 16 : i32
        %add3A_294 = vector.broadcast %add3A_293 : i32 to vector<16xi32>
        %add3A_295 = arith.addi %xor3A_289, %add3A_294 : vector<16xi32>
        %select_n3A_296 = arith.select %lt3A_292, %add3A_295, %xor3A_289 : vector<16xi1>, vector<16xi32>
        %reshape3A_297 = vector.shape_cast %select_n3A_296 : vector<16xi32> to vector<16x1xi32>
        %gather3A_298 = vector.shape_cast %reshape3A_297 : vector<16x1xi32> to vector<16xi32>
        %gather3A_299 = tpu.dynamic_gather %add3A_286[%gather3A_298] in [0] : vector<16xf32>, vector<16xi32> -> vector<16xf32>
        %add3A_300 = arith.addf %add3A_286, %gather3A_299 : vector<16xf32>
        %xor3A_301 = arith.constant 2 : i32
        %xor3A_302 = vector.broadcast %xor3A_301 : i32 to vector<16xi32>
        %xor3A_303 = arith.xori %iota3A_272, %xor3A_302 : vector<16xi32>
        %lt3A_304 = arith.constant 0 : i32
        %lt3A_305 = vector.broadcast %lt3A_304 : i32 to vector<16xi32>
        %lt3A_306 = arith.cmpi slt, %xor3A_303, %lt3A_305 : vector<16xi32>
        %add3A_307 = arith.constant 16 : i32
        %add3A_308 = vector.broadcast %add3A_307 : i32 to vector<16xi32>
        %add3A_309 = arith.addi %xor3A_303, %add3A_308 : vector<16xi32>
        %select_n3A_310 = arith.select %lt3A_306, %add3A_309, %xor3A_303 : vector<16xi1>, vector<16xi32>
        %reshape3A_311 = vector.shape_cast %select_n3A_310 : vector<16xi32> to vector<16x1xi32>
        %gather3A_312 = vector.shape_cast %reshape3A_311 : vector<16x1xi32> to vector<16xi32>
        %gather3A_313 = tpu.dynamic_gather %add3A_300[%gather3A_312] in [0] : vector<16xf32>, vector<16xi32> -> vector<16xf32>
        %add3A_314 = arith.addf %add3A_300, %gather3A_313 : vector<16xf32>
        %xor3A_315 = arith.constant 1 : i32
        %xor3A_316 = vector.broadcast %xor3A_315 : i32 to vector<16xi32>
        %xor3A_317 = arith.xori %iota3A_272, %xor3A_316 : vector<16xi32>
        %lt3A_318 = arith.constant 0 : i32
        %lt3A_319 = vector.broadcast %lt3A_318 : i32 to vector<16xi32>
        %lt3A_320 = arith.cmpi slt, %xor3A_317, %lt3A_319 : vector<16xi32>
        %add3A_321 = arith.constant 16 : i32
        %add3A_322 = vector.broadcast %add3A_321 : i32 to vector<16xi32>
        %add3A_323 = arith.addi %xor3A_317, %add3A_322 : vector<16xi32>
        %select_n3A_324 = arith.select %lt3A_320, %add3A_323, %xor3A_317 : vector<16xi1>, vector<16xi32>
        %reshape3A_325 = vector.shape_cast %select_n3A_324 : vector<16xi32> to vector<16x1xi32>
        %gather3A_326 = vector.shape_cast %reshape3A_325 : vector<16x1xi32> to vector<16xi32>
        %gather3A_327 = tpu.dynamic_gather %add3A_314[%gather3A_326] in [0] : vector<16xf32>, vector<16xi32> -> vector<16xf32>
        %add3A_328 = arith.addf %add3A_314, %gather3A_327 : vector<16xf32>
        %exp3A_329 = math.exp %add3A_328 : vector<16xf32>
        %add3A_330 = arith.addf %add3A_193, %add3A_201 : vector<16xf32>
        %iota3A_331 = tpu.iota {dimensions = array<i32: 0>} : vector<16xi32>
        %xor3A_332 = arith.constant 8 : i32
        %xor3A_333 = vector.broadcast %xor3A_332 : i32 to vector<16xi32>
        %xor3A_334 = arith.xori %iota3A_331, %xor3A_333 : vector<16xi32>
        %lt3A_335 = arith.constant 0 : i32
        %lt3A_336 = vector.broadcast %lt3A_335 : i32 to vector<16xi32>
        %lt3A_337 = arith.cmpi slt, %xor3A_334, %lt3A_336 : vector<16xi32>
        %add3A_338 = arith.constant 16 : i32
        %add3A_339 = vector.broadcast %add3A_338 : i32 to vector<16xi32>
        %add3A_340 = arith.addi %xor3A_334, %add3A_339 : vector<16xi32>
        %select_n3A_341 = arith.select %lt3A_337, %add3A_340, %xor3A_334 : vector<16xi1>, vector<16xi32>
        %reshape3A_342 = vector.shape_cast %select_n3A_341 : vector<16xi32> to vector<16x1xi32>
        %gather3A_343 = vector.shape_cast %reshape3A_342 : vector<16x1xi32> to vector<16xi32>
        %gather3A_344 = tpu.dynamic_gather %add3A_330[%gather3A_343] in [0] : vector<16xf32>, vector<16xi32> -> vector<16xf32>
        %add3A_345 = arith.addf %add3A_330, %gather3A_344 : vector<16xf32>
        %xor3A_346 = arith.constant 4 : i32
        %xor3A_347 = vector.broadcast %xor3A_346 : i32 to vector<16xi32>
        %xor3A_348 = arith.xori %iota3A_331, %xor3A_347 : vector<16xi32>
        %lt3A_349 = arith.constant 0 : i32
        %lt3A_350 = vector.broadcast %lt3A_349 : i32 to vector<16xi32>
        %lt3A_351 = arith.cmpi slt, %xor3A_348, %lt3A_350 : vector<16xi32>
        %add3A_352 = arith.constant 16 : i32
        %add3A_353 = vector.broadcast %add3A_352 : i32 to vector<16xi32>
        %add3A_354 = arith.addi %xor3A_348, %add3A_353 : vector<16xi32>
        %select_n3A_355 = arith.select %lt3A_351, %add3A_354, %xor3A_348 : vector<16xi1>, vector<16xi32>
        %reshape3A_356 = vector.shape_cast %select_n3A_355 : vector<16xi32> to vector<16x1xi32>
        %gather3A_357 = vector.shape_cast %reshape3A_356 : vector<16x1xi32> to vector<16xi32>
        %gather3A_358 = tpu.dynamic_gather %add3A_345[%gather3A_357] in [0] : vector<16xf32>, vector<16xi32> -> vector<16xf32>
        %add3A_359 = arith.addf %add3A_345, %gather3A_358 : vector<16xf32>
        %xor3A_360 = arith.constant 2 : i32
        %xor3A_361 = vector.broadcast %xor3A_360 : i32 to vector<16xi32>
        %xor3A_362 = arith.xori %iota3A_331, %xor3A_361 : vector<16xi32>
        %lt3A_363 = arith.constant 0 : i32
        %lt3A_364 = vector.broadcast %lt3A_363 : i32 to vector<16xi32>
        %lt3A_365 = arith.cmpi slt, %xor3A_362, %lt3A_364 : vector<16xi32>
        %add3A_366 = arith.constant 16 : i32
        %add3A_367 = vector.broadcast %add3A_366 : i32 to vector<16xi32>
        %add3A_368 = arith.addi %xor3A_362, %add3A_367 : vector<16xi32>
        %select_n3A_369 = arith.select %lt3A_365, %add3A_368, %xor3A_362 : vector<16xi1>, vector<16xi32>
        %reshape3A_370 = vector.shape_cast %select_n3A_369 : vector<16xi32> to vector<16x1xi32>
        %gather3A_371 = vector.shape_cast %reshape3A_370 : vector<16x1xi32> to vector<16xi32>
        %gather3A_372 = tpu.dynamic_gather %add3A_359[%gather3A_371] in [0] : vector<16xf32>, vector<16xi32> -> vector<16xf32>
        %add3A_373 = arith.addf %add3A_359, %gather3A_372 : vector<16xf32>
        %xor3A_374 = arith.constant 1 : i32
        %xor3A_375 = vector.broadcast %xor3A_374 : i32 to vector<16xi32>
        %xor3A_376 = arith.xori %iota3A_331, %xor3A_375 : vector<16xi32>
        %lt3A_377 = arith.constant 0 : i32
        %lt3A_378 = vector.broadcast %lt3A_377 : i32 to vector<16xi32>
        %lt3A_379 = arith.cmpi slt, %xor3A_376, %lt3A_378 : vector<16xi32>
        %add3A_380 = arith.constant 16 : i32
        %add3A_381 = vector.broadcast %add3A_380 : i32 to vector<16xi32>
        %add3A_382 = arith.addi %xor3A_376, %add3A_381 : vector<16xi32>
        %select_n3A_383 = arith.select %lt3A_379, %add3A_382, %xor3A_376 : vector<16xi1>, vector<16xi32>
        %reshape3A_384 = vector.shape_cast %select_n3A_383 : vector<16xi32> to vector<16x1xi32>
        %gather3A_385 = vector.shape_cast %reshape3A_384 : vector<16x1xi32> to vector<16xi32>
        %gather3A_386 = tpu.dynamic_gather %add3A_373[%gather3A_385] in [0] : vector<16xf32>, vector<16xi32> -> vector<16xf32>
        %add3A_387 = arith.addf %add3A_373, %gather3A_386 : vector<16xf32>
        %exp3A_388 = math.exp %add3A_387 : vector<16xf32>
        %add3A_389 = arith.addf %add3A_209, %add3A_217 : vector<16xf32>
        %iota3A_390 = tpu.iota {dimensions = array<i32: 0>} : vector<16xi32>
        %xor3A_391 = arith.constant 8 : i32
        %xor3A_392 = vector.broadcast %xor3A_391 : i32 to vector<16xi32>
        %xor3A_393 = arith.xori %iota3A_390, %xor3A_392 : vector<16xi32>
        %lt3A_394 = arith.constant 0 : i32
        %lt3A_395 = vector.broadcast %lt3A_394 : i32 to vector<16xi32>
        %lt3A_396 = arith.cmpi slt, %xor3A_393, %lt3A_395 : vector<16xi32>
        %add3A_397 = arith.constant 16 : i32
        %add3A_398 = vector.broadcast %add3A_397 : i32 to vector<16xi32>
        %add3A_399 = arith.addi %xor3A_393, %add3A_398 : vector<16xi32>
        %select_n3A_400 = arith.select %lt3A_396, %add3A_399, %xor3A_393 : vector<16xi1>, vector<16xi32>
        %reshape3A_401 = vector.shape_cast %select_n3A_400 : vector<16xi32> to vector<16x1xi32>
        %gather3A_402 = vector.shape_cast %reshape3A_401 : vector<16x1xi32> to vector<16xi32>
        %gather3A_403 = tpu.dynamic_gather %add3A_389[%gather3A_402] in [0] : vector<16xf32>, vector<16xi32> -> vector<16xf32>
        %add3A_404 = arith.addf %add3A_389, %gather3A_403 : vector<16xf32>
        %xor3A_405 = arith.constant 4 : i32
        %xor3A_406 = vector.broadcast %xor3A_405 : i32 to vector<16xi32>
        %xor3A_407 = arith.xori %iota3A_390, %xor3A_406 : vector<16xi32>
        %lt3A_408 = arith.constant 0 : i32
        %lt3A_409 = vector.broadcast %lt3A_408 : i32 to vector<16xi32>
        %lt3A_410 = arith.cmpi slt, %xor3A_407, %lt3A_409 : vector<16xi32>
        %add3A_411 = arith.constant 16 : i32
        %add3A_412 = vector.broadcast %add3A_411 : i32 to vector<16xi32>
        %add3A_413 = arith.addi %xor3A_407, %add3A_412 : vector<16xi32>
        %select_n3A_414 = arith.select %lt3A_410, %add3A_413, %xor3A_407 : vector<16xi1>, vector<16xi32>
        %reshape3A_415 = vector.shape_cast %select_n3A_414 : vector<16xi32> to vector<16x1xi32>
        %gather3A_416 = vector.shape_cast %reshape3A_415 : vector<16x1xi32> to vector<16xi32>
        %gather3A_417 = tpu.dynamic_gather %add3A_404[%gather3A_416] in [0] : vector<16xf32>, vector<16xi32> -> vector<16xf32>
        %add3A_418 = arith.addf %add3A_404, %gather3A_417 : vector<16xf32>
        %xor3A_419 = arith.constant 2 : i32
        %xor3A_420 = vector.broadcast %xor3A_419 : i32 to vector<16xi32>
        %xor3A_421 = arith.xori %iota3A_390, %xor3A_420 : vector<16xi32>
        %lt3A_422 = arith.constant 0 : i32
        %lt3A_423 = vector.broadcast %lt3A_422 : i32 to vector<16xi32>
        %lt3A_424 = arith.cmpi slt, %xor3A_421, %lt3A_423 : vector<16xi32>
        %add3A_425 = arith.constant 16 : i32
        %add3A_426 = vector.broadcast %add3A_425 : i32 to vector<16xi32>
        %add3A_427 = arith.addi %xor3A_421, %add3A_426 : vector<16xi32>
        %select_n3A_428 = arith.select %lt3A_424, %add3A_427, %xor3A_421 : vector<16xi1>, vector<16xi32>
        %reshape3A_429 = vector.shape_cast %select_n3A_428 : vector<16xi32> to vector<16x1xi32>
        %gather3A_430 = vector.shape_cast %reshape3A_429 : vector<16x1xi32> to vector<16xi32>
        %gather3A_431 = tpu.dynamic_gather %add3A_418[%gather3A_430] in [0] : vector<16xf32>, vector<16xi32> -> vector<16xf32>
        %add3A_432 = arith.addf %add3A_418, %gather3A_431 : vector<16xf32>
        %xor3A_433 = arith.constant 1 : i32
        %xor3A_434 = vector.broadcast %xor3A_433 : i32 to vector<16xi32>
        %xor3A_435 = arith.xori %iota3A_390, %xor3A_434 : vector<16xi32>
        %lt3A_436 = arith.constant 0 : i32
        %lt3A_437 = vector.broadcast %lt3A_436 : i32 to vector<16xi32>
        %lt3A_438 = arith.cmpi slt, %xor3A_435, %lt3A_437 : vector<16xi32>
        %add3A_439 = arith.constant 16 : i32
        %add3A_440 = vector.broadcast %add3A_439 : i32 to vector<16xi32>
        %add3A_441 = arith.addi %xor3A_435, %add3A_440 : vector<16xi32>
        %select_n3A_442 = arith.select %lt3A_438, %add3A_441, %xor3A_435 : vector<16xi1>, vector<16xi32>
        %reshape3A_443 = vector.shape_cast %select_n3A_442 : vector<16xi32> to vector<16x1xi32>
        %gather3A_444 = vector.shape_cast %reshape3A_443 : vector<16x1xi32> to vector<16xi32>
        %gather3A_445 = tpu.dynamic_gather %add3A_432[%gather3A_444] in [0] : vector<16xf32>, vector<16xi32> -> vector<16xf32>
        %add3A_446 = arith.addf %add3A_432, %gather3A_445 : vector<16xf32>
        %exp3A_447 = math.exp %add3A_446 : vector<16xf32>
        %mul3A_448 = arith.mulf %mul3A_139, %exp3A : vector<16xf32>
        %swap3A = arith.index_cast %scan3A_66 : i32 to index
        %swap3A_449 = arith.constant 0 : index
        %swap3A_450 = tpu.vector_load %arg14[%swap3A, %swap3A_449] {strides = array<i32>} : memref<64x128xf32, #tpu.memory_space<vmem>>, vector<16xf32>,
        tpu.vector_store %arg14[%swap3A, %swap3A_449], %mul3A_448 {strides = array<i32>} : memref<64x128xf32, #tpu.memory_space<vmem>>, vector<16xf32>,
        %swap3A_451 = arith.index_cast %scan3A_66 : i32 to index
        %swap3A_452 = arith.constant 0 : index
        %swap3A_453 = tpu.vector_load %arg15[%swap3A_451, %swap3A_452] {strides = array<i32>} : memref<64x128xf32, #tpu.memory_space<vmem>>, vector<16xf32>,
        tpu.vector_store %arg15[%swap3A_451, %swap3A_452], %broadcast_in_dim3A_5 {strides = array<i32>} : memref<64x128xf32, #tpu.memory_space<vmem>>, vector<16xf32>,
        %mul3A_454 = arith.mulf %mul3A_141, %exp3A : vector<16xf32>
        %swap3A_455 = arith.index_cast %scan3A_66 : i32 to index
        %swap3A_456 = arith.constant 16 : index
        %swap3A_457 = tpu.vector_load %arg14[%swap3A_455, %swap3A_456] {strides = array<i32>} : memref<64x128xf32, #tpu.memory_space<vmem>>, vector<16xf32>,
        tpu.vector_store %arg14[%swap3A_455, %swap3A_456], %mul3A_454 {strides = array<i32>} : memref<64x128xf32, #tpu.memory_space<vmem>>, vector<16xf32>,
        %swap3A_458 = arith.index_cast %scan3A_66 : i32 to index
        %swap3A_459 = arith.constant 16 : index
        %swap3A_460 = tpu.vector_load %arg15[%swap3A_458, %swap3A_459] {strides = array<i32>} : memref<64x128xf32, #tpu.memory_space<vmem>>, vector<16xf32>,
        tpu.vector_store %arg15[%swap3A_458, %swap3A_459], %broadcast_in_dim3A_5 {strides = array<i32>} : memref<64x128xf32, #tpu.memory_space<vmem>>, vector<16xf32>,
        %mul3A_461 = arith.mulf %mul3A_143, %exp3A_329 : vector<16xf32>
        %swap3A_462 = arith.index_cast %scan3A_66 : i32 to index
        %swap3A_463 = arith.constant 32 : index
        %swap3A_464 = tpu.vector_load %arg14[%swap3A_462, %swap3A_463] {strides = array<i32>} : memref<64x128xf32, #tpu.memory_space<vmem>>, vector<16xf32>,
        tpu.vector_store %arg14[%swap3A_462, %swap3A_463], %mul3A_461 {strides = array<i32>} : memref<64x128xf32, #tpu.memory_space<vmem>>, vector<16xf32>,
        %swap3A_465 = arith.index_cast %scan3A_66 : i32 to index
        %swap3A_466 = arith.constant 32 : index
        %swap3A_467 = tpu.vector_load %arg15[%swap3A_465, %swap3A_466] {strides = array<i32>} : memref<64x128xf32, #tpu.memory_space<vmem>>, vector<16xf32>,
        tpu.vector_store %arg15[%swap3A_465, %swap3A_466], %broadcast_in_dim3A_5 {strides = array<i32>} : memref<64x128xf32, #tpu.memory_space<vmem>>, vector<16xf32>,
        %mul3A_468 = arith.mulf %mul3A_145, %exp3A_329 : vector<16xf32>
        %swap3A_469 = arith.index_cast %scan3A_66 : i32 to index
        %swap3A_470 = arith.constant 48 : index
        %swap3A_471 = tpu.vector_load %arg14[%swap3A_469, %swap3A_470] {strides = array<i32>} : memref<64x128xf32, #tpu.memory_space<vmem>>, vector<16xf32>,
        tpu.vector_store %arg14[%swap3A_469, %swap3A_470], %mul3A_468 {strides = array<i32>} : memref<64x128xf32, #tpu.memory_space<vmem>>, vector<16xf32>,
        %swap3A_472 = arith.index_cast %scan3A_66 : i32 to index
        %swap3A_473 = arith.constant 48 : index
        %swap3A_474 = tpu.vector_load %arg15[%swap3A_472, %swap3A_473] {strides = array<i32>} : memref<64x128xf32, #tpu.memory_space<vmem>>, vector<16xf32>,
        tpu.vector_store %arg15[%swap3A_472, %swap3A_473], %broadcast_in_dim3A_5 {strides = array<i32>} : memref<64x128xf32, #tpu.memory_space<vmem>>, vector<16xf32>,
        %mul3A_475 = arith.mulf %mul3A_147, %exp3A_388 : vector<16xf32>
        %swap3A_476 = arith.index_cast %scan3A_66 : i32 to index
        %swap3A_477 = arith.constant 64 : index
        %swap3A_478 = tpu.vector_load %arg14[%swap3A_476, %swap3A_477] {strides = array<i32>} : memref<64x128xf32, #tpu.memory_space<vmem>>, vector<16xf32>,
        tpu.vector_store %arg14[%swap3A_476, %swap3A_477], %mul3A_475 {strides = array<i32>} : memref<64x128xf32, #tpu.memory_space<vmem>>, vector<16xf32>,
        %swap3A_479 = arith.index_cast %scan3A_66 : i32 to index
        %swap3A_480 = arith.constant 64 : index
        %swap3A_481 = tpu.vector_load %arg15[%swap3A_479, %swap3A_480] {strides = array<i32>} : memref<64x128xf32, #tpu.memory_space<vmem>>, vector<16xf32>,
        tpu.vector_store %arg15[%swap3A_479, %swap3A_480], %broadcast_in_dim3A_5 {strides = array<i32>} : memref<64x128xf32, #tpu.memory_space<vmem>>, vector<16xf32>,
        %mul3A_482 = arith.mulf %mul3A_149, %exp3A_388 : vector<16xf32>
        %swap3A_483 = arith.index_cast %scan3A_66 : i32 to index
        %swap3A_484 = arith.constant 80 : index
        %swap3A_485 = tpu.vector_load %arg14[%swap3A_483, %swap3A_484] {strides = array<i32>} : memref<64x128xf32, #tpu.memory_space<vmem>>, vector<16xf32>,
        tpu.vector_store %arg14[%swap3A_483, %swap3A_484], %mul3A_482 {strides = array<i32>} : memref<64x128xf32, #tpu.memory_space<vmem>>, vector<16xf32>,
        %swap3A_486 = arith.index_cast %scan3A_66 : i32 to index
        %swap3A_487 = arith.constant 80 : index
        %swap3A_488 = tpu.vector_load %arg15[%swap3A_486, %swap3A_487] {strides = array<i32>} : memref<64x128xf32, #tpu.memory_space<vmem>>, vector<16xf32>,
        tpu.vector_store %arg15[%swap3A_486, %swap3A_487], %broadcast_in_dim3A_5 {strides = array<i32>} : memref<64x128xf32, #tpu.memory_space<vmem>>, vector<16xf32>,
        %mul3A_489 = arith.mulf %mul3A_151, %exp3A_447 : vector<16xf32>
        %swap3A_490 = arith.index_cast %scan3A_66 : i32 to index
        %swap3A_491 = arith.constant 96 : index
        %swap3A_492 = tpu.vector_load %arg14[%swap3A_490, %swap3A_491] {strides = array<i32>} : memref<64x128xf32, #tpu.memory_space<vmem>>, vector<16xf32>,
        tpu.vector_store %arg14[%swap3A_490, %swap3A_491], %mul3A_489 {strides = array<i32>} : memref<64x128xf32, #tpu.memory_space<vmem>>, vector<16xf32>,
        %swap3A_493 = arith.index_cast %scan3A_66 : i32 to index
        %swap3A_494 = arith.constant 96 : index
        %swap3A_495 = tpu.vector_load %arg15[%swap3A_493, %swap3A_494] {strides = array<i32>} : memref<64x128xf32, #tpu.memory_space<vmem>>, vector<16xf32>,
        tpu.vector_store %arg15[%swap3A_493, %swap3A_494], %broadcast_in_dim3A_5 {strides = array<i32>} : memref<64x128xf32, #tpu.memory_space<vmem>>, vector<16xf32>,
        %mul3A_496 = arith.mulf %mul3A_153, %exp3A_447 : vector<16xf32>
        %swap3A_497 = arith.index_cast %scan3A_66 : i32 to index
        %swap3A_498 = arith.constant 112 : index
        %swap3A_499 = tpu.vector_load %arg14[%swap3A_497, %swap3A_498] {strides = array<i32>} : memref<64x128xf32, #tpu.memory_space<vmem>>, vector<16xf32>,
        tpu.vector_store %arg14[%swap3A_497, %swap3A_498], %mul3A_496 {strides = array<i32>} : memref<64x128xf32, #tpu.memory_space<vmem>>, vector<16xf32>,
        %swap3A_500 = arith.index_cast %scan3A_66 : i32 to index
        %swap3A_501 = arith.constant 112 : index
        %swap3A_502 = tpu.vector_load %arg15[%swap3A_500, %swap3A_501] {strides = array<i32>} : memref<64x128xf32, #tpu.memory_space<vmem>>, vector<16xf32>,
        tpu.vector_store %arg15[%swap3A_500, %swap3A_501], %broadcast_in_dim3A_5 {strides = array<i32>} : memref<64x128xf32, #tpu.memory_space<vmem>>, vector<16xf32>,
        %eq3A = arith.constant 0 : i32
        %eq3A_503 = vector.broadcast %eq3A : i32 to vector<16xi32>
        %eq3A_504 = arith.cmpi eq, %iota3A, %eq3A_503 : vector<16xi32>
        %jit3A = arith.constant 0.000000e+00 : f32
        %broadcast_in_dim3A_505 = vector.broadcast %jit3A : f32 to vector<16xf32>
        %select_n3A_506 = arith.select %eq3A_504, %exp3A, %broadcast_in_dim3A_505 : vector<16xi1>, vector<16xf32>
        %eq3A_507 = arith.constant 1 : i32
        %eq3A_508 = vector.broadcast %eq3A_507 : i32 to vector<16xi32>
        %eq3A_509 = arith.cmpi eq, %iota3A, %eq3A_508 : vector<16xi32>
        %select_n3A_510 = arith.select %eq3A_509, %exp3A_329, %select_n3A_506 : vector<16xi1>, vector<16xf32>
        %eq3A_511 = arith.constant 2 : i32
        %eq3A_512 = vector.broadcast %eq3A_511 : i32 to vector<16xi32>
        %eq3A_513 = arith.cmpi eq, %iota3A, %eq3A_512 : vector<16xi32>
        %select_n3A_514 = arith.select %eq3A_513, %exp3A_388, %select_n3A_510 : vector<16xi1>, vector<16xf32>
        %eq3A_515 = arith.constant 3 : i32
        %eq3A_516 = vector.broadcast %eq3A_515 : i32 to vector<16xi32>
        %eq3A_517 = arith.cmpi eq, %iota3A, %eq3A_516 : vector<16xi32>
        %select_n3A_518 = arith.select %eq3A_517, %exp3A_447, %select_n3A_514 : vector<16xi1>, vector<16xf32>
        %broadcast_in_dim3A_519 = vector.broadcast %scan3A_66 : i32 to vector<16xi32>
        %gather3A_520 = tpu.vector_load_idx %arg17[%broadcast_in_dim3A_519] : memref<64xi32, #tpu.memory_space<vmem>>[vector<16xi32>], vector<16xi32>,
        %and3A = arith.constant 31 : i32
        %and3A_521 = vector.broadcast %and3A : i32 to vector<16xi32>
        %and3A_522 = arith.andi %gather3A_520, %and3A_521 : vector<16xi32>
        %shift_left3A = arith.constant 2 : i32
        %shift_left3A_523 = vector.broadcast %shift_left3A : i32 to vector<16xi32>
        %shift_left3A_524 = arith.shli %and3A_522, %shift_left3A_523 : vector<16xi32>
        %add3A_525 = arith.addi %shift_left3A_524, %iota3A : vector<16xi32>
        %lt3A_526 = arith.constant 4 : i32
        %lt3A_527 = vector.broadcast %lt3A_526 : i32 to vector<16xi32>
        %lt3A_528 = arith.cmpi slt, %iota3A, %lt3A_527 : vector<16xi32>
        tpu.vector_store_idx %arg15[%broadcast_in_dim3A_519, %add3A_525], %select_n3A_518 masked %lt3A_528 : memref<64x128xf32, #tpu.memory_space<vmem>>[vector<16xi32>, vector<16xi32>], vector<16xf32>, vector<16xi1>
      }
      %scan3A_65 = arith.constant 64 : i32
      "tpu.region"() ({
        %run_scoped3A = tpu.sem_alloc : memref<!tpu.dma_semaphore, #tpu.memory_space<semaphore_mem>>
        %dma_start3A_66 = arith.constant 0 : i32
        %dma_start3A_67 = arith.constant 0 : i32
        %dma_start3A_68 = tpu.memref_slice %arg22[%dma_start3A_66, %dma_start3A_67] : memref<10752x128xf32, #tpu.memory_space<vmem_shared>> -> memref<10752x128xf32, #tpu.memory_space<vmem_shared>>
        tpu.enqueue_indirect_dma source(%arg14 : memref<64x128xf32, #tpu.memory_space<vmem>>) target(%dma_start3A_68 : memref<10752x128xf32, #tpu.memory_space<vmem_shared>>) offsets(%arg17 : memref<64xi32, #tpu.memory_space<vmem>>) semaphore(%run_scoped3A : memref<!tpu.dma_semaphore, #tpu.memory_space<semaphore_mem>>) {add = true}
        %dma_wait3A_69 = arith.constant 0 : i32
        %dma_wait3A_70 = arith.constant 0 : i32
        %dma_wait3A_71 = tpu.memref_slice %arg22[%dma_wait3A_69, %dma_wait3A_70] : memref<10752x128xf32, #tpu.memory_space<vmem_shared>> -> memref<10752x128xf32, #tpu.memory_space<vmem_shared>>
        tpu.wait_indirect_dma semaphore(%run_scoped3A : memref<!tpu.dma_semaphore, #tpu.memory_space<semaphore_mem>>) src(%arg14 : memref<64x128xf32, #tpu.memory_space<vmem>>) dst(%dma_wait3A_71 : memref<10752x128xf32, #tpu.memory_space<vmem_shared>>)
        tpu.yield
      }) : () -> ()
      "tpu.region"() ({
        %run_scoped3A = tpu.sem_alloc : memref<!tpu.dma_semaphore, #tpu.memory_space<semaphore_mem>>
        %dma_start3A_66 = arith.constant 0 : i32
        %dma_start3A_67 = arith.constant 0 : i32
        %dma_start3A_68 = tpu.memref_slice %arg22[%dma_start3A_66, %dma_start3A_67] : memref<10752x128xf32, #tpu.memory_space<vmem_shared>> -> memref<10752x128xf32, #tpu.memory_space<vmem_shared>>
        tpu.enqueue_indirect_dma source(%arg15 : memref<64x128xf32, #tpu.memory_space<vmem>>) target(%dma_start3A_68 : memref<10752x128xf32, #tpu.memory_space<vmem_shared>>) offsets(%arg19 : memref<64xi32, #tpu.memory_space<vmem>>) semaphore(%run_scoped3A : memref<!tpu.dma_semaphore, #tpu.memory_space<semaphore_mem>>) {add = true}
        %dma_wait3A_69 = arith.constant 0 : i32
        %dma_wait3A_70 = arith.constant 0 : i32
        %dma_wait3A_71 = tpu.memref_slice %arg22[%dma_wait3A_69, %dma_wait3A_70] : memref<10752x128xf32, #tpu.memory_space<vmem_shared>> -> memref<10752x128xf32, #tpu.memory_space<vmem_shared>>
        tpu.wait_indirect_dma semaphore(%run_scoped3A : memref<!tpu.dma_semaphore, #tpu.memory_space<semaphore_mem>>) src(%arg15 : memref<64x128xf32, #tpu.memory_space<vmem>>) dst(%dma_wait3A_71 : memref<10752x128xf32, #tpu.memory_space<vmem_shared>>)
        tpu.yield
      }) : () -> ()
    }
    %scan3A_22 = arith.constant 80 : i32
    %barrier3A_23 = arith.constant 0 : index
    tpu.barrier barrier_id(%barrier3A_23)
    %mul3A_24 = arith.constant 640 : i32
    %mul3A_25 = arith.muli %arg1, %mul3A_24 : i32
    %mul3A_26 = arith.constant 640 : i32
    %mul3A_27 = arith.muli %arg1, %mul3A_26 : i32
    "tpu.region"() ({
      %run_scoped3A = tpu.sem_alloc : memref<!tpu.dma_semaphore, #tpu.memory_space<semaphore_mem>>
      %dma_start3A = arith.constant 0 : i32
      %dma_start3A_34 = tpu.memref_slice %arg9[%arg0, %mul3A_27, %dma_start3A] : memref<2x10240x128xf32, #tpu.memory_space<hbm>> -> memref<1x640x128xf32, #tpu.memory_space<hbm>>
      %dma_start3A_35 = tpu.memref_squeeze %dma_start3A_34 : memref<1x640x128xf32, #tpu.memory_space<hbm>> -> memref<640x128xf32, #tpu.memory_space<hbm>>
      %dma_start3A_36 = arith.constant 0 : i32
      %dma_start3A_37 = tpu.memref_slice %arg22[%mul3A_25, %dma_start3A_36] : memref<10752x128xf32, #tpu.memory_space<vmem_shared>> -> memref<640x128xf32, #tpu.memory_space<vmem_shared>>
      tpu.enqueue_dma source(%dma_start3A_37 : memref<640x128xf32, #tpu.memory_space<vmem_shared>>) target(%dma_start3A_35 : memref<640x128xf32, #tpu.memory_space<hbm>>) target_semaphore(%run_scoped3A : memref<!tpu.dma_semaphore, #tpu.memory_space<semaphore_mem>>)
      %dma_wait3A = arith.constant 0 : i32
      %dma_wait3A_38 = tpu.memref_slice %arg9[%arg0, %mul3A_27, %dma_wait3A] : memref<2x10240x128xf32, #tpu.memory_space<hbm>> -> memref<1x640x128xf32, #tpu.memory_space<hbm>>
      %dma_wait3A_39 = tpu.memref_squeeze %dma_wait3A_38 : memref<1x640x128xf32, #tpu.memory_space<hbm>> -> memref<640x128xf32, #tpu.memory_space<hbm>>
      %dma_wait3A_40 = arith.constant 0 : i32
      %dma_wait3A_41 = tpu.memref_slice %arg22[%mul3A_25, %dma_wait3A_40] : memref<10752x128xf32, #tpu.memory_space<vmem_shared>> -> memref<640x128xf32, #tpu.memory_space<vmem_shared>>
      tpu.wait_dma2 semaphore(%run_scoped3A : memref<!tpu.dma_semaphore, #tpu.memory_space<semaphore_mem>>) src(%dma_wait3A_41 : memref<640x128xf32, #tpu.memory_space<vmem_shared>>) dst(%dma_wait3A_39 : memref<640x128xf32, #tpu.memory_space<hbm>>)
      tpu.yield
    }) : () -> ()
    %mul3A_28 = arith.constant 32 : i32
    %mul3A_29 = arith.muli %arg1, %mul3A_28 : i32
    %add3A_30 = arith.constant 10240 : i32
    %add3A_31 = arith.addi %add3A_30, %mul3A_29 : i32
    %mul3A_32 = arith.constant 32 : i32
    %mul3A_33 = arith.muli %arg1, %mul3A_32 : i32
    "tpu.region"() ({
      %run_scoped3A = tpu.sem_alloc : memref<!tpu.dma_semaphore, #tpu.memory_space<semaphore_mem>>
      %dma_start3A = arith.constant 0 : i32
      %dma_start3A_34 = tpu.memref_slice %arg10[%arg0, %mul3A_33, %dma_start3A] : memref<2x512x128xf32, #tpu.memory_space<hbm>> -> memref<1x32x128xf32, #tpu.memory_space<hbm>>
      %dma_start3A_35 = tpu.memref_squeeze %dma_start3A_34 : memref<1x32x128xf32, #tpu.memory_space<hbm>> -> memref<32x128xf32, #tpu.memory_space<hbm>>
      %dma_start3A_36 = arith.constant 0 : i32
      %dma_start3A_37 = tpu.memref_slice %arg22[%add3A_31, %dma_start3A_36] : memref<10752x128xf32, #tpu.memory_space<vmem_shared>> -> memref<32x128xf32, #tpu.memory_space<vmem_shared>>
      tpu.enqueue_dma source(%dma_start3A_37 : memref<32x128xf32, #tpu.memory_space<vmem_shared>>) target(%dma_start3A_35 : memref<32x128xf32, #tpu.memory_space<hbm>>) target_semaphore(%run_scoped3A : memref<!tpu.dma_semaphore, #tpu.memory_space<semaphore_mem>>)
      %dma_wait3A = arith.constant 0 : i32
      %dma_wait3A_38 = tpu.memref_slice %arg10[%arg0, %mul3A_33, %dma_wait3A] : memref<2x512x128xf32, #tpu.memory_space<hbm>> -> memref<1x32x128xf32, #tpu.memory_space<hbm>>
      %dma_wait3A_39 = tpu.memref_squeeze %dma_wait3A_38 : memref<1x32x128xf32, #tpu.memory_space<hbm>> -> memref<32x128xf32, #tpu.memory_space<hbm>>
      %dma_wait3A_40 = arith.constant 0 : i32
      %dma_wait3A_41 = tpu.memref_slice %arg22[%add3A_31, %dma_wait3A_40] : memref<10752x128xf32, #tpu.memory_space<vmem_shared>> -> memref<32x128xf32, #tpu.memory_space<vmem_shared>>
      tpu.wait_dma2 semaphore(%run_scoped3A : memref<!tpu.dma_semaphore, #tpu.memory_space<semaphore_mem>>) src(%dma_wait3A_41 : memref<32x128xf32, #tpu.memory_space<vmem_shared>>) dst(%dma_wait3A_39 : memref<32x128xf32, #tpu.memory_space<hbm>>)
      tpu.yield
    }) : () -> ()
    return
  }
}

#map = affine_map<(d0, d1) -> (0, 0)>
#map1 = affine_map<(d0, d1) -> (0)>
#map2 = affine_map<(d0, d1) -> (0, 0, 0)>
module attributes {stable_mosaic.version = 14 : i64} {
  func.func @k(%arg0: i32, %arg1: i32, %arg2: memref<10000x128xf32, #tpu.memory_space<hbm>>, %arg3: memref<10000x128xf32, #tpu.memory_space<hbm>>, %arg4: memref<32x128xf32, #tpu.memory_space<hbm>>, %arg5: memref<128xf32, #tpu.memory_space<hbm>>, %arg6: memref<163840xi32, #tpu.memory_space<hbm>>, %arg7: memref<163840xi32, #tpu.memory_space<hbm>>, %arg8: memref<163840xi32, #tpu.memory_space<hbm>>, %arg9: memref<2x10240x128xf32, #tpu.memory_space<hbm>>, %arg10: memref<2x512x128xf32, #tpu.memory_space<hbm>>, %arg11: memref<64x128xf32, #tpu.memory_space<vmem>>, %arg12: memref<64x128xf32, #tpu.memory_space<vmem>>, %arg13: memref<64x128xf32, #tpu.memory_space<vmem>>, %arg14: memref<64x128xf32, #tpu.memory_space<vmem>>, %arg15: memref<64x128xf32, #tpu.memory_space<vmem>>, %arg16: memref<64xi32, #tpu.memory_space<vmem>>, %arg17: memref<64xi32, #tpu.memory_space<vmem>>, %arg18: memref<64xi32, #tpu.memory_space<vmem>>, %arg19: memref<64xi32, #tpu.memory_space<vmem>>, %arg20: memref<128xf32, #tpu.memory_space<vmem>>, %arg21: memref<16x128xf32, #tpu.memory_space<vmem>>, %arg22: memref<10752x128xf32, #tpu.memory_space<vmem_shared>>, %arg23: memref<!tpu.dma_semaphore, #tpu.memory_space<semaphore_mem>>, %arg24: memref<!tpu.dma_semaphore, #tpu.memory_space<semaphore_mem>>, %arg25: memref<!tpu.dma_semaphore, #tpu.memory_space<semaphore_mem>>) attributes {dimension_semantics = [#tpu.dimension_semantics<core_parallel>, #tpu.dimension_semantics<subcore_parallel>], iteration_bounds = array<i64: 2, 16>, scalar_prefetch = 0 : i64, scratch_operands = 15 : i64, tpu.core_type = #tpu.core_type<sc_vector_subcore>, window_params = [{transform_indices = #map}, {transform_indices = #map}, {transform_indices = #map}, {transform_indices = #map1}, {transform_indices = #map1}, {transform_indices = #map1}, {transform_indices = #map1}, {transform_indices = #map2}, {transform_indices = #map2}]} {
    %mul3A = arith.constant 2 : i32
    %mul3A_0 = arith.muli %arg1, %mul3A : i32
    %add3A = arith.addi %mul3A_0, %arg0 : i32
    %mul3A_1 = arith.constant 5120 : i32
    %mul3A_2 = arith.muli %add3A, %mul3A_1 : i32
    %mul3A_3 = arith.constant 672 : i32
    %mul3A_4 = arith.muli %arg1, %mul3A_3 : i32
    %iota3A = tpu.iota {dimensions = array<i32: 0>} : vector<16xi32>
    %broadcast_in_dim3A = arith.constant 0.000000e+00 : f32
    %broadcast_in_dim3A_5 = vector.broadcast %broadcast_in_dim3A : f32 to vector<16xf32>
    "tpu.region"() ({
      %run_scoped3A = tpu.sem_alloc : memref<!tpu.dma_semaphore, #tpu.memory_space<semaphore_mem>>
      tpu.enqueue_dma source(%arg5 : memref<128xf32, #tpu.memory_space<hbm>>) target(%arg20 : memref<128xf32, #tpu.memory_space<vmem>>) target_semaphore(%run_scoped3A : memref<!tpu.dma_semaphore, #tpu.memory_space<semaphore_mem>>)
      tpu.wait_dma2 semaphore(%run_scoped3A : memref<!tpu.dma_semaphore, #tpu.memory_space<semaphore_mem>>) src(%arg5 : memref<128xf32, #tpu.memory_space<hbm>>) dst(%arg20 : memref<128xf32, #tpu.memory_space<vmem>>)
      tpu.yield
    }) : () -> ()
    %scan3A = arith.constant 0 : i32
    %scan3A_6 = arith.constant 0 : i32
    %scan3A_7 = arith.constant 16 : i32
    %scan3A_8 = arith.addi %scan3A_6, %scan3A_7 : i32
    %scan3A_9 = arith.constant 1 : i32
    scf.for %scan3A_34 = %scan3A_6 to %scan3A_8 step %scan3A_9  : i32 {
      %swap3A = arith.index_cast %scan3A_34 : i32 to index
      %swap3A_35 = arith.constant 0 : index
      %swap3A_36 = tpu.vector_load %arg21[%swap3A, %swap3A_35] {strides = array<i32>} : memref<16x128xf32, #tpu.memory_space<vmem>>, vector<16xf32>,
      tpu.vector_store %arg21[%swap3A, %swap3A_35], %broadcast_in_dim3A_5 {strides = array<i32>} : memref<16x128xf32, #tpu.memory_space<vmem>>, vector<16xf32>,
      %swap3A_37 = arith.index_cast %scan3A_34 : i32 to index
      %swap3A_38 = arith.constant 16 : index
      %swap3A_39 = tpu.vector_load %arg21[%swap3A_37, %swap3A_38] {strides = array<i32>} : memref<16x128xf32, #tpu.memory_space<vmem>>, vector<16xf32>,
      tpu.vector_store %arg21[%swap3A_37, %swap3A_38], %broadcast_in_dim3A_5 {strides = array<i32>} : memref<16x128xf32, #tpu.memory_space<vmem>>, vector<16xf32>,
      %swap3A_40 = arith.index_cast %scan3A_34 : i32 to index
      %swap3A_41 = arith.constant 32 : index
      %swap3A_42 = tpu.vector_load %arg21[%swap3A_40, %swap3A_41] {strides = array<i32>} : memref<16x128xf32, #tpu.memory_space<vmem>>, vector<16xf32>,
      tpu.vector_store %arg21[%swap3A_40, %swap3A_41], %broadcast_in_dim3A_5 {strides = array<i32>} : memref<16x128xf32, #tpu.memory_space<vmem>>, vector<16xf32>,
      %swap3A_43 = arith.index_cast %scan3A_34 : i32 to index
      %swap3A_44 = arith.constant 48 : index
      %swap3A_45 = tpu.vector_load %arg21[%swap3A_43, %swap3A_44] {strides = array<i32>} : memref<16x128xf32, #tpu.memory_space<vmem>>, vector<16xf32>,
      tpu.vector_store %arg21[%swap3A_43, %swap3A_44], %broadcast_in_dim3A_5 {strides = array<i32>} : memref<16x128xf32, #tpu.memory_space<vmem>>, vector<16xf32>,
      %swap3A_46 = arith.index_cast %scan3A_34 : i32 to index
      %swap3A_47 = arith.constant 64 : index
      %swap3A_48 = tpu.vector_load %arg21[%swap3A_46, %swap3A_47] {strides = array<i32>} : memref<16x128xf32, #tpu.memory_space<vmem>>, vector<16xf32>,
      tpu.vector_store %arg21[%swap3A_46, %swap3A_47], %broadcast_in_dim3A_5 {strides = array<i32>} : memref<16x128xf32, #tpu.memory_space<vmem>>, vector<16xf32>,
      %swap3A_49 = arith.index_cast %scan3A_34 : i32 to index
      %swap3A_50 = arith.constant 80 : index
      %swap3A_51 = tpu.vector_load %arg21[%swap3A_49, %swap3A_50] {strides = array<i32>} : memref<16x128xf32, #tpu.memory_space<vmem>>, vector<16xf32>,
      tpu.vector_store %arg21[%swap3A_49, %swap3A_50], %broadcast_in_dim3A_5 {strides = array<i32>} : memref<16x128xf32, #tpu.memory_space<vmem>>, vector<16xf32>,
      %swap3A_52 = arith.index_cast %scan3A_34 : i32 to index
      %swap3A_53 = arith.constant 96 : index
      %swap3A_54 = tpu.vector_load %arg21[%swap3A_52, %swap3A_53] {strides = array<i32>} : memref<16x128xf32, #tpu.memory_space<vmem>>, vector<16xf32>,
      tpu.vector_store %arg21[%swap3A_52, %swap3A_53], %broadcast_in_dim3A_5 {strides = array<i32>} : memref<16x128xf32, #tpu.memory_space<vmem>>, vector<16xf32>,
      %swap3A_55 = arith.index_cast %scan3A_34 : i32 to index
      %swap3A_56 = arith.constant 112 : index
      %swap3A_57 = tpu.vector_load %arg21[%swap3A_55, %swap3A_56] {strides = array<i32>} : memref<16x128xf32, #tpu.memory_space<vmem>>, vector<16xf32>,
      tpu.vector_store %arg21[%swap3A_55, %swap3A_56], %broadcast_in_dim3A_5 {strides = array<i32>} : memref<16x128xf32, #tpu.memory_space<vmem>>, vector<16xf32>,
    }
    %scan3A_10 = arith.constant 16 : i32
    %scan3A_11 = arith.constant 0 : i32
    %scan3A_12 = arith.constant 0 : i32
    %scan3A_13 = arith.constant 42 : i32
    %scan3A_14 = arith.addi %scan3A_12, %scan3A_13 : i32
    %scan3A_15 = arith.constant 1 : i32
    scf.for %scan3A_34 = %scan3A_12 to %scan3A_14 step %scan3A_15  : i32 {
      %mul3A_35 = arith.constant 16 : i32
      %mul3A_36 = arith.muli %scan3A_34, %mul3A_35 : i32
      %add3A_37 = arith.addi %mul3A_4, %mul3A_36 : i32
      "tpu.region"() ({
        %run_scoped3A = tpu.sem_alloc : memref<!tpu.dma_semaphore, #tpu.memory_space<semaphore_mem>>
        %dma_start3A = arith.constant 0 : i32
        %dma_start3A_38 = tpu.memref_slice %arg22[%add3A_37, %dma_start3A] : memref<10752x128xf32, #tpu.memory_space<vmem_shared>> -> memref<16x128xf32, #tpu.memory_space<vmem_shared>>
        %dma_start3A_39 = arith.constant 0 : i32
        %dma_start3A_40 = tpu.memref_slice %arg22[%add3A_37, %dma_start3A_39] : memref<10752x128xf32, #tpu.memory_space<vmem_shared>> -> memref<16x128xf32, #tpu.memory_space<vmem_shared>>
        tpu.enqueue_dma source(%arg21 : memref<16x128xf32, #tpu.memory_space<vmem>>) target(%dma_start3A_40 : memref<16x128xf32, #tpu.memory_space<vmem_shared>>) target_semaphore(%run_scoped3A : memref<!tpu.dma_semaphore, #tpu.memory_space<semaphore_mem>>)
        %dma_wait3A = arith.constant 0 : i32
        %dma_wait3A_41 = tpu.memref_slice %arg22[%add3A_37, %dma_wait3A] : memref<10752x128xf32, #tpu.memory_space<vmem_shared>> -> memref<16x128xf32, #tpu.memory_space<vmem_shared>>
        %dma_wait3A_42 = arith.constant 0 : i32
        %dma_wait3A_43 = tpu.memref_slice %arg22[%add3A_37, %dma_wait3A_42] : memref<10752x128xf32, #tpu.memory_space<vmem_shared>> -> memref<16x128xf32, #tpu.memory_space<vmem_shared>>
        tpu.wait_dma2 semaphore(%run_scoped3A : memref<!tpu.dma_semaphore, #tpu.memory_space<semaphore_mem>>) src(%arg21 : memref<16x128xf32, #tpu.memory_space<vmem>>) dst(%dma_wait3A_43 : memref<16x128xf32, #tpu.memory_space<vmem_shared>>)
        tpu.yield
      }) : () -> ()
    }
    %scan3A_16 = arith.constant 42 : i32
    %barrier3A = arith.constant 0 : index
    tpu.barrier barrier_id(%barrier3A)
    %scan3A_17 = arith.constant 0 : i32
    %scan3A_18 = arith.constant 0 : i32
    %scan3A_19 = arith.constant 80 : i32
    %scan3A_20 = arith.addi %scan3A_18, %scan3A_19 : i32
    %scan3A_21 = arith.constant 1 : i32
    scf.for %scan3A_34 = %scan3A_18 to %scan3A_20 step %scan3A_21  : i32 {
      %mul3A_35 = arith.constant 64 : i32
      %mul3A_36 = arith.muli %scan3A_34, %mul3A_35 : i32
      %add3A_37 = arith.addi %mul3A_2, %mul3A_36 : i32
      "tpu.region"() ({
        %run_scoped3A = tpu.sem_alloc : memref<!tpu.dma_semaphore, #tpu.memory_space<semaphore_mem>>
        %dma_start3A_66 = tpu.memref_slice %arg6[%add3A_37] : memref<163840xi32, #tpu.memory_space<hbm>> -> memref<64xi32, #tpu.memory_space<hbm>>
        %dma_start3A_67 = tpu.memref_slice %arg6[%add3A_37] : memref<163840xi32, #tpu.memory_space<hbm>> -> memref<64xi32, #tpu.memory_space<hbm>>
        tpu.enqueue_dma source(%dma_start3A_67 : memref<64xi32, #tpu.memory_space<hbm>>) target(%arg16 : memref<64xi32, #tpu.memory_space<vmem>>) target_semaphore(%run_scoped3A : memref<!tpu.dma_semaphore, #tpu.memory_space<semaphore_mem>>)
        %dma_wait3A_68 = tpu.memref_slice %arg6[%add3A_37] : memref<163840xi32, #tpu.memory_space<hbm>> -> memref<64xi32, #tpu.memory_space<hbm>>
        %dma_wait3A_69 = tpu.memref_slice %arg6[%add3A_37] : memref<163840xi32, #tpu.memory_space<hbm>> -> memref<64xi32, #tpu.memory_space<hbm>>
        tpu.wait_dma2 semaphore(%run_scoped3A : memref<!tpu.dma_semaphore, #tpu.memory_space<semaphore_mem>>) src(%dma_wait3A_69 : memref<64xi32, #tpu.memory_space<hbm>>) dst(%arg16 : memref<64xi32, #tpu.memory_space<vmem>>)
        tpu.yield
      }) : () -> ()
      "tpu.region"() ({
        %run_scoped3A = tpu.sem_alloc : memref<!tpu.dma_semaphore, #tpu.memory_space<semaphore_mem>>
        %dma_start3A_66 = tpu.memref_slice %arg7[%add3A_37] : memref<163840xi32, #tpu.memory_space<hbm>> -> memref<64xi32, #tpu.memory_space<hbm>>
        %dma_start3A_67 = tpu.memref_slice %arg7[%add3A_37] : memref<163840xi32, #tpu.memory_space<hbm>> -> memref<64xi32, #tpu.memory_space<hbm>>
        tpu.enqueue_dma source(%dma_start3A_67 : memref<64xi32, #tpu.memory_space<hbm>>) target(%arg17 : memref<64xi32, #tpu.memory_space<vmem>>) target_semaphore(%run_scoped3A : memref<!tpu.dma_semaphore, #tpu.memory_space<semaphore_mem>>)
        %dma_wait3A_68 = tpu.memref_slice %arg7[%add3A_37] : memref<163840xi32, #tpu.memory_space<hbm>> -> memref<64xi32, #tpu.memory_space<hbm>>
        %dma_wait3A_69 = tpu.memref_slice %arg7[%add3A_37] : memref<163840xi32, #tpu.memory_space<hbm>> -> memref<64xi32, #tpu.memory_space<hbm>>
        tpu.wait_dma2 semaphore(%run_scoped3A : memref<!tpu.dma_semaphore, #tpu.memory_space<semaphore_mem>>) src(%dma_wait3A_69 : memref<64xi32, #tpu.memory_space<hbm>>) dst(%arg17 : memref<64xi32, #tpu.memory_space<vmem>>)
        tpu.yield
      }) : () -> ()
      "tpu.region"() ({
        %run_scoped3A = tpu.sem_alloc : memref<!tpu.dma_semaphore, #tpu.memory_space<semaphore_mem>>
        %dma_start3A_66 = tpu.memref_slice %arg8[%add3A_37] : memref<163840xi32, #tpu.memory_space<hbm>> -> memref<64xi32, #tpu.memory_space<hbm>>
        %dma_start3A_67 = tpu.memref_slice %arg8[%add3A_37] : memref<163840xi32, #tpu.memory_space<hbm>> -> memref<64xi32, #tpu.memory_space<hbm>>
        tpu.enqueue_dma source(%dma_start3A_67 : memref<64xi32, #tpu.memory_space<hbm>>) target(%arg18 : memref<64xi32, #tpu.memory_space<vmem>>) target_semaphore(%run_scoped3A : memref<!tpu.dma_semaphore, #tpu.memory_space<semaphore_mem>>)
        %dma_wait3A_68 = tpu.memref_slice %arg8[%add3A_37] : memref<163840xi32, #tpu.memory_space<hbm>> -> memref<64xi32, #tpu.memory_space<hbm>>
        %dma_wait3A_69 = tpu.memref_slice %arg8[%add3A_37] : memref<163840xi32, #tpu.memory_space<hbm>> -> memref<64xi32, #tpu.memory_space<hbm>>
        tpu.wait_dma2 semaphore(%run_scoped3A : memref<!tpu.dma_semaphore, #tpu.memory_space<semaphore_mem>>) src(%dma_wait3A_69 : memref<64xi32, #tpu.memory_space<hbm>>) dst(%arg18 : memref<64xi32, #tpu.memory_space<vmem>>)
        tpu.yield
      }) : () -> ()
      %dma_start3A = arith.constant 0 : i32
      %dma_start3A_38 = arith.constant 0 : i32
      %dma_start3A_39 = tpu.memref_slice %arg2[%dma_start3A, %dma_start3A_38] : memref<10000x128xf32, #tpu.memory_space<hbm>> -> memref<10000x128xf32, #tpu.memory_space<hbm>>
      tpu.enqueue_indirect_dma source(%dma_start3A_39 : memref<10000x128xf32, #tpu.memory_space<hbm>>) target(%arg11 : memref<64x128xf32, #tpu.memory_space<vmem>>) offsets(%arg16 : memref<64xi32, #tpu.memory_space<vmem>>) semaphore(%arg23 : memref<!tpu.dma_semaphore, #tpu.memory_space<semaphore_mem>>)
      %dma_start3A_40 = arith.constant 0 : i32
      %dma_start3A_41 = arith.constant 0 : i32
      %dma_start3A_42 = tpu.memref_slice %arg3[%dma_start3A_40, %dma_start3A_41] : memref<10000x128xf32, #tpu.memory_space<hbm>> -> memref<10000x128xf32, #tpu.memory_space<hbm>>
      tpu.enqueue_indirect_dma source(%dma_start3A_42 : memref<10000x128xf32, #tpu.memory_space<hbm>>) target(%arg12 : memref<64x128xf32, #tpu.memory_space<vmem>>) offsets(%arg17 : memref<64xi32, #tpu.memory_space<vmem>>) semaphore(%arg24 : memref<!tpu.dma_semaphore, #tpu.memory_space<semaphore_mem>>)
      %dma_start3A_43 = arith.constant 0 : i32
      %dma_start3A_44 = arith.constant 0 : i32
      %dma_start3A_45 = tpu.memref_slice %arg4[%dma_start3A_43, %dma_start3A_44] : memref<32x128xf32, #tpu.memory_space<hbm>> -> memref<32x128xf32, #tpu.memory_space<hbm>>
      tpu.enqueue_indirect_dma source(%dma_start3A_45 : memref<32x128xf32, #tpu.memory_space<hbm>>) target(%arg13 : memref<64x128xf32, #tpu.memory_space<vmem>>) offsets(%arg18 : memref<64xi32, #tpu.memory_space<vmem>>) semaphore(%arg25 : memref<!tpu.dma_semaphore, #tpu.memory_space<semaphore_mem>>)
      %scan3A_46 = arith.constant 0 : i32
      %scan3A_47 = arith.constant 0 : i32
      %scan3A_48 = arith.constant 4 : i32
      %scan3A_49 = arith.addi %scan3A_47, %scan3A_48 : i32
      %scan3A_50 = arith.constant 1 : i32
      scf.for %scan3A_66 = %scan3A_47 to %scan3A_49 step %scan3A_50  : i32 {
        %mul3A_67 = arith.constant 16 : i32
        %mul3A_68 = arith.muli %mul3A_67, %scan3A_66 : i32
        %get3A = arith.index_cast %mul3A_68 : i32 to index
        %get3A_69 = tpu.vector_load %arg17[%get3A] {strides = array<i32>} : memref<64xi32, #tpu.memory_space<vmem>>, vector<16xi32>,
        %shift_right_logical3A = arith.constant 5 : i32
        %shift_right_logical3A_70 = vector.broadcast %shift_right_logical3A : i32 to vector<16xi32>
        %shift_right_logical3A_71 = arith.shrui %get3A_69, %shift_right_logical3A_70 : vector<16xi32>
        %add3A_72 = arith.constant 10240 : i32
        %add3A_73 = vector.broadcast %add3A_72 : i32 to vector<16xi32>
        %add3A_74 = arith.addi %add3A_73, %shift_right_logical3A_71 : vector<16xi32>
        %mul3A_75 = arith.constant 16 : i32
        %mul3A_76 = arith.muli %mul3A_75, %scan3A_66 : i32
        %swap3A = arith.index_cast %mul3A_76 : i32 to index
        %swap3A_77 = tpu.vector_load %arg19[%swap3A] {strides = array<i32>} : memref<64xi32, #tpu.memory_space<vmem>>, vector<16xi32>,
        tpu.vector_store %arg19[%swap3A], %add3A_74 {strides = array<i32>} : memref<64xi32, #tpu.memory_space<vmem>>, vector<16xi32>,
      }
      %scan3A_51 = arith.constant 4 : i32
      %dma_wait3A = arith.constant 0 : i32
      %dma_wait3A_52 = arith.constant 0 : i32
      %dma_wait3A_53 = tpu.memref_slice %arg2[%dma_wait3A, %dma_wait3A_52] : memref<10000x128xf32, #tpu.memory_space<hbm>> -> memref<10000x128xf32, #tpu.memory_space<hbm>>
      tpu.wait_indirect_dma semaphore(%arg23 : memref<!tpu.dma_semaphore, #tpu.memory_space<semaphore_mem>>) src(%dma_wait3A_53 : memref<10000x128xf32, #tpu.memory_space<hbm>>) dst(%arg11 : memref<64x128xf32, #tpu.memory_space<vmem>>)
      %dma_wait3A_54 = arith.constant 0 : i32
      %dma_wait3A_55 = arith.constant 0 : i32
      %dma_wait3A_56 = tpu.memref_slice %arg3[%dma_wait3A_54, %dma_wait3A_55] : memref<10000x128xf32, #tpu.memory_space<hbm>> -> memref<10000x128xf32, #tpu.memory_space<hbm>>
      tpu.wait_indirect_dma semaphore(%arg24 : memref<!tpu.dma_semaphore, #tpu.memory_space<semaphore_mem>>) src(%dma_wait3A_56 : memref<10000x128xf32, #tpu.memory_space<hbm>>) dst(%arg12 : memref<64x128xf32, #tpu.memory_space<vmem>>)
      %dma_wait3A_57 = arith.constant 0 : i32
      %dma_wait3A_58 = arith.constant 0 : i32
      %dma_wait3A_59 = tpu.memref_slice %arg4[%dma_wait3A_57, %dma_wait3A_58] : memref<32x128xf32, #tpu.memory_space<hbm>> -> memref<32x128xf32, #tpu.memory_space<hbm>>
      tpu.wait_indirect_dma semaphore(%arg25 : memref<!tpu.dma_semaphore, #tpu.memory_space<semaphore_mem>>) src(%dma_wait3A_59 : memref<32x128xf32, #tpu.memory_space<hbm>>) dst(%arg13 : memref<64x128xf32, #tpu.memory_space<vmem>>)
      %scan3A_60 = arith.constant 0 : i32
      %scan3A_61 = arith.constant 0 : i32
      %scan3A_62 = arith.constant 64 : i32
      %scan3A_63 = arith.addi %scan3A_61, %scan3A_62 : i32
      %scan3A_64 = arith.constant 1 : i32
      scf.for %scan3A_66 = %scan3A_61 to %scan3A_63 step %scan3A_64  : i32 {
        %get3A = arith.index_cast %scan3A_66 : i32 to index
        %get3A_67 = arith.constant 0 : index
        %get3A_68 = tpu.vector_load %arg11[%get3A, %get3A_67] {strides = array<i32>} : memref<64x128xf32, #tpu.memory_space<vmem>>, vector<16xf32>,
        %get3A_69 = arith.index_cast %scan3A_66 : i32 to index
        %get3A_70 = arith.constant 16 : index
        %get3A_71 = tpu.vector_load %arg11[%get3A_69, %get3A_70] {strides = array<i32>} : memref<64x128xf32, #tpu.memory_space<vmem>>, vector<16xf32>,
        %get3A_72 = arith.index_cast %scan3A_66 : i32 to index
        %get3A_73 = arith.constant 32 : index
        %get3A_74 = tpu.vector_load %arg11[%get3A_72, %get3A_73] {strides = array<i32>} : memref<64x128xf32, #tpu.memory_space<vmem>>, vector<16xf32>,
        %get3A_75 = arith.index_cast %scan3A_66 : i32 to index
        %get3A_76 = arith.constant 48 : index
        %get3A_77 = tpu.vector_load %arg11[%get3A_75, %get3A_76] {strides = array<i32>} : memref<64x128xf32, #tpu.memory_space<vmem>>, vector<16xf32>,
        %get3A_78 = arith.index_cast %scan3A_66 : i32 to index
        %get3A_79 = arith.constant 64 : index
        %get3A_80 = tpu.vector_load %arg11[%get3A_78, %get3A_79] {strides = array<i32>} : memref<64x128xf32, #tpu.memory_space<vmem>>, vector<16xf32>,
        %get3A_81 = arith.index_cast %scan3A_66 : i32 to index
        %get3A_82 = arith.constant 80 : index
        %get3A_83 = tpu.vector_load %arg11[%get3A_81, %get3A_82] {strides = array<i32>} : memref<64x128xf32, #tpu.memory_space<vmem>>, vector<16xf32>,
        %get3A_84 = arith.index_cast %scan3A_66 : i32 to index
        %get3A_85 = arith.constant 96 : index
        %get3A_86 = tpu.vector_load %arg11[%get3A_84, %get3A_85] {strides = array<i32>} : memref<64x128xf32, #tpu.memory_space<vmem>>, vector<16xf32>,
        %get3A_87 = arith.index_cast %scan3A_66 : i32 to index
        %get3A_88 = arith.constant 112 : index
        %get3A_89 = tpu.vector_load %arg11[%get3A_87, %get3A_88] {strides = array<i32>} : memref<64x128xf32, #tpu.memory_space<vmem>>, vector<16xf32>,
        %get3A_90 = arith.index_cast %scan3A_66 : i32 to index
        %get3A_91 = arith.constant 0 : index
        %get3A_92 = tpu.vector_load %arg12[%get3A_90, %get3A_91] {strides = array<i32>} : memref<64x128xf32, #tpu.memory_space<vmem>>, vector<16xf32>,
        %get3A_93 = arith.index_cast %scan3A_66 : i32 to index
        %get3A_94 = arith.constant 16 : index
        %get3A_95 = tpu.vector_load %arg12[%get3A_93, %get3A_94] {strides = array<i32>} : memref<64x128xf32, #tpu.memory_space<vmem>>, vector<16xf32>,
        %get3A_96 = arith.index_cast %scan3A_66 : i32 to index
        %get3A_97 = arith.constant 32 : index
        %get3A_98 = tpu.vector_load %arg12[%get3A_96, %get3A_97] {strides = array<i32>} : memref<64x128xf32, #tpu.memory_space<vmem>>, vector<16xf32>,
        %get3A_99 = arith.index_cast %scan3A_66 : i32 to index
        %get3A_100 = arith.constant 48 : index
        %get3A_101 = tpu.vector_load %arg12[%get3A_99, %get3A_100] {strides = array<i32>} : memref<64x128xf32, #tpu.memory_space<vmem>>, vector<16xf32>,
        %get3A_102 = arith.index_cast %scan3A_66 : i32 to index
        %get3A_103 = arith.constant 64 : index
        %get3A_104 = tpu.vector_load %arg12[%get3A_102, %get3A_103] {strides = array<i32>} : memref<64x128xf32, #tpu.memory_space<vmem>>, vector<16xf32>,
        %get3A_105 = arith.index_cast %scan3A_66 : i32 to index
        %get3A_106 = arith.constant 80 : index
        %get3A_107 = tpu.vector_load %arg12[%get3A_105, %get3A_106] {strides = array<i32>} : memref<64x128xf32, #tpu.memory_space<vmem>>, vector<16xf32>,
        %get3A_108 = arith.index_cast %scan3A_66 : i32 to index
        %get3A_109 = arith.constant 96 : index
        %get3A_110 = tpu.vector_load %arg12[%get3A_108, %get3A_109] {strides = array<i32>} : memref<64x128xf32, #tpu.memory_space<vmem>>, vector<16xf32>,
        %get3A_111 = arith.index_cast %scan3A_66 : i32 to index
        %get3A_112 = arith.constant 112 : index
        %get3A_113 = tpu.vector_load %arg12[%get3A_111, %get3A_112] {strides = array<i32>} : memref<64x128xf32, #tpu.memory_space<vmem>>, vector<16xf32>,
        %get3A_114 = arith.index_cast %scan3A_66 : i32 to index
        %get3A_115 = arith.constant 0 : index
        %get3A_116 = tpu.vector_load %arg13[%get3A_114, %get3A_115] {strides = array<i32>} : memref<64x128xf32, #tpu.memory_space<vmem>>, vector<16xf32>,
        %get3A_117 = arith.index_cast %scan3A_66 : i32 to index
        %get3A_118 = arith.constant 16 : index
        %get3A_119 = tpu.vector_load %arg13[%get3A_117, %get3A_118] {strides = array<i32>} : memref<64x128xf32, #tpu.memory_space<vmem>>, vector<16xf32>,
        %get3A_120 = arith.index_cast %scan3A_66 : i32 to index
        %get3A_121 = arith.constant 32 : index
        %get3A_122 = tpu.vector_load %arg13[%get3A_120, %get3A_121] {strides = array<i32>} : memref<64x128xf32, #tpu.memory_space<vmem>>, vector<16xf32>,
        %get3A_123 = arith.index_cast %scan3A_66 : i32 to index
        %get3A_124 = arith.constant 48 : index
        %get3A_125 = tpu.vector_load %arg13[%get3A_123, %get3A_124] {strides = array<i32>} : memref<64x128xf32, #tpu.memory_space<vmem>>, vector<16xf32>,
        %get3A_126 = arith.index_cast %scan3A_66 : i32 to index
        %get3A_127 = arith.constant 64 : index
        %get3A_128 = tpu.vector_load %arg13[%get3A_126, %get3A_127] {strides = array<i32>} : memref<64x128xf32, #tpu.memory_space<vmem>>, vector<16xf32>,
        %get3A_129 = arith.index_cast %scan3A_66 : i32 to index
        %get3A_130 = arith.constant 80 : index
        %get3A_131 = tpu.vector_load %arg13[%get3A_129, %get3A_130] {strides = array<i32>} : memref<64x128xf32, #tpu.memory_space<vmem>>, vector<16xf32>,
        %get3A_132 = arith.index_cast %scan3A_66 : i32 to index
        %get3A_133 = arith.constant 96 : index
        %get3A_134 = tpu.vector_load %arg13[%get3A_132, %get3A_133] {strides = array<i32>} : memref<64x128xf32, #tpu.memory_space<vmem>>, vector<16xf32>,
        %get3A_135 = arith.index_cast %scan3A_66 : i32 to index
        %get3A_136 = arith.constant 112 : index
        %get3A_137 = tpu.vector_load %arg13[%get3A_135, %get3A_136] {strides = array<i32>} : memref<64x128xf32, #tpu.memory_space<vmem>>, vector<16xf32>,
        %add3A_138 = arith.addf %get3A_68, %get3A_92 : vector<16xf32>
        %mul3A_139 = arith.mulf %add3A_138, %get3A_116 : vector<16xf32>
        %add3A_140 = arith.addf %get3A_71, %get3A_95 : vector<16xf32>
        %mul3A_141 = arith.mulf %add3A_140, %get3A_119 : vector<16xf32>
        %add3A_142 = arith.addf %get3A_74, %get3A_98 : vector<16xf32>
        %mul3A_143 = arith.mulf %add3A_142, %get3A_122 : vector<16xf32>
        %add3A_144 = arith.addf %get3A_77, %get3A_101 : vector<16xf32>
        %mul3A_145 = arith.mulf %add3A_144, %get3A_125 : vector<16xf32>
        %add3A_146 = arith.addf %get3A_80, %get3A_104 : vector<16xf32>
        %mul3A_147 = arith.mulf %add3A_146, %get3A_128 : vector<16xf32>
        %add3A_148 = arith.addf %get3A_83, %get3A_107 : vector<16xf32>
        %mul3A_149 = arith.mulf %add3A_148, %get3A_131 : vector<16xf32>
        %add3A_150 = arith.addf %get3A_86, %get3A_110 : vector<16xf32>
        %mul3A_151 = arith.mulf %add3A_150, %get3A_134 : vector<16xf32>
        %add3A_152 = arith.addf %get3A_89, %get3A_113 : vector<16xf32>
        %mul3A_153 = arith.mulf %add3A_152, %get3A_137 : vector<16xf32>
        %mul3A_154 = arith.mulf %get3A_68, %get3A_92 : vector<16xf32>
        %mul3A_155 = arith.constant 0.176776692 : f32
        %mul3A_156 = vector.broadcast %mul3A_155 : f32 to vector<16xf32>
        %mul3A_157 = arith.mulf %mul3A_154, %mul3A_156 : vector<16xf32>
        %get3A_158 = arith.constant 0 : index
        %get3A_159 = tpu.vector_load %arg20[%get3A_158] {strides = array<i32>} : memref<128xf32, #tpu.memory_space<vmem>>, vector<16xf32>,
        %mul3A_160 = arith.mulf %mul3A_139, %get3A_159 : vector<16xf32>
        %add3A_161 = arith.addf %mul3A_157, %mul3A_160 : vector<16xf32>
        %mul3A_162 = arith.mulf %get3A_71, %get3A_95 : vector<16xf32>
        %mul3A_163 = arith.constant 0.176776692 : f32
        %mul3A_164 = vector.broadcast %mul3A_163 : f32 to vector<16xf32>
        %mul3A_165 = arith.mulf %mul3A_162, %mul3A_164 : vector<16xf32>
        %get3A_166 = arith.constant 16 : index
        %get3A_167 = tpu.vector_load %arg20[%get3A_166] {strides = array<i32>} : memref<128xf32, #tpu.memory_space<vmem>>, vector<16xf32>,
        %mul3A_168 = arith.mulf %mul3A_141, %get3A_167 : vector<16xf32>
        %add3A_169 = arith.addf %mul3A_165, %mul3A_168 : vector<16xf32>
        %mul3A_170 = arith.mulf %get3A_74, %get3A_98 : vector<16xf32>
        %mul3A_171 = arith.constant 0.176776692 : f32
        %mul3A_172 = vector.broadcast %mul3A_171 : f32 to vector<16xf32>
        %mul3A_173 = arith.mulf %mul3A_170, %mul3A_172 : vector<16xf32>
        %get3A_174 = arith.constant 32 : index
        %get3A_175 = tpu.vector_load %arg20[%get3A_174] {strides = array<i32>} : memref<128xf32, #tpu.memory_space<vmem>>, vector<16xf32>,
        %mul3A_176 = arith.mulf %mul3A_143, %get3A_175 : vector<16xf32>
        %add3A_177 = arith.addf %mul3A_173, %mul3A_176 : vector<16xf32>
        %mul3A_178 = arith.mulf %get3A_77, %get3A_101 : vector<16xf32>
        %mul3A_179 = arith.constant 0.176776692 : f32
        %mul3A_180 = vector.broadcast %mul3A_179 : f32 to vector<16xf32>
        %mul3A_181 = arith.mulf %mul3A_178, %mul3A_180 : vector<16xf32>
        %get3A_182 = arith.constant 48 : index
        %get3A_183 = tpu.vector_load %arg20[%get3A_182] {strides = array<i32>} : memref<128xf32, #tpu.memory_space<vmem>>, vector<16xf32>,
        %mul3A_184 = arith.mulf %mul3A_145, %get3A_183 : vector<16xf32>
        %add3A_185 = arith.addf %mul3A_181, %mul3A_184 : vector<16xf32>
        %mul3A_186 = arith.mulf %get3A_80, %get3A_104 : vector<16xf32>
        %mul3A_187 = arith.constant 0.176776692 : f32
        %mul3A_188 = vector.broadcast %mul3A_187 : f32 to vector<16xf32>
        %mul3A_189 = arith.mulf %mul3A_186, %mul3A_188 : vector<16xf32>
        %get3A_190 = arith.constant 64 : index
        %get3A_191 = tpu.vector_load %arg20[%get3A_190] {strides = array<i32>} : memref<128xf32, #tpu.memory_space<vmem>>, vector<16xf32>,
        %mul3A_192 = arith.mulf %mul3A_147, %get3A_191 : vector<16xf32>
        %add3A_193 = arith.addf %mul3A_189, %mul3A_192 : vector<16xf32>
        %mul3A_194 = arith.mulf %get3A_83, %get3A_107 : vector<16xf32>
        %mul3A_195 = arith.constant 0.176776692 : f32
        %mul3A_196 = vector.broadcast %mul3A_195 : f32 to vector<16xf32>
        %mul3A_197 = arith.mulf %mul3A_194, %mul3A_196 : vector<16xf32>
        %get3A_198 = arith.constant 80 : index
        %get3A_199 = tpu.vector_load %arg20[%get3A_198] {strides = array<i32>} : memref<128xf32, #tpu.memory_space<vmem>>, vector<16xf32>,
        %mul3A_200 = arith.mulf %mul3A_149, %get3A_199 : vector<16xf32>
        %add3A_201 = arith.addf %mul3A_197, %mul3A_200 : vector<16xf32>
        %mul3A_202 = arith.mulf %get3A_86, %get3A_110 : vector<16xf32>
        %mul3A_203 = arith.constant 0.176776692 : f32
        %mul3A_204 = vector.broadcast %mul3A_203 : f32 to vector<16xf32>
        %mul3A_205 = arith.mulf %mul3A_202, %mul3A_204 : vector<16xf32>
        %get3A_206 = arith.constant 96 : index
        %get3A_207 = tpu.vector_load %arg20[%get3A_206] {strides = array<i32>} : memref<128xf32, #tpu.memory_space<vmem>>, vector<16xf32>,
        %mul3A_208 = arith.mulf %mul3A_151, %get3A_207 : vector<16xf32>
        %add3A_209 = arith.addf %mul3A_205, %mul3A_208 : vector<16xf32>
        %mul3A_210 = arith.mulf %get3A_89, %get3A_113 : vector<16xf32>
        %mul3A_211 = arith.constant 0.176776692 : f32
        %mul3A_212 = vector.broadcast %mul3A_211 : f32 to vector<16xf32>
        %mul3A_213 = arith.mulf %mul3A_210, %mul3A_212 : vector<16xf32>
        %get3A_214 = arith.constant 112 : index
        %get3A_215 = tpu.vector_load %arg20[%get3A_214] {strides = array<i32>} : memref<128xf32, #tpu.memory_space<vmem>>, vector<16xf32>,
        %mul3A_216 = arith.mulf %mul3A_153, %get3A_215 : vector<16xf32>
        %add3A_217 = arith.addf %mul3A_213, %mul3A_216 : vector<16xf32>
        %add3A_218 = arith.addf %add3A_161, %add3A_169 : vector<16xf32>
        %iota3A_219 = tpu.iota {dimensions = array<i32: 0>} : vector<16xi32>
        %xor3A = arith.constant 8 : i32
        %xor3A_220 = vector.broadcast %xor3A : i32 to vector<16xi32>
        %xor3A_221 = arith.xori %iota3A_219, %xor3A_220 : vector<16xi32>
        %lt3A = arith.constant 0 : i32
        %lt3A_222 = vector.broadcast %lt3A : i32 to vector<16xi32>
        %lt3A_223 = arith.cmpi slt, %xor3A_221, %lt3A_222 : vector<16xi32>
        %add3A_224 = arith.constant 16 : i32
        %add3A_225 = vector.broadcast %add3A_224 : i32 to vector<16xi32>
        %add3A_226 = arith.addi %xor3A_221, %add3A_225 : vector<16xi32>
        %select_n3A = arith.select %lt3A_223, %add3A_226, %xor3A_221 : vector<16xi1>, vector<16xi32>
        %reshape3A = vector.shape_cast %select_n3A : vector<16xi32> to vector<16x1xi32>
        %gather3A = vector.shape_cast %reshape3A : vector<16x1xi32> to vector<16xi32>
        %gather3A_227 = tpu.dynamic_gather %add3A_218[%gather3A] in [0] : vector<16xf32>, vector<16xi32> -> vector<16xf32>
        %add3A_228 = arith.addf %add3A_218, %gather3A_227 : vector<16xf32>
        %xor3A_229 = arith.constant 4 : i32
        %xor3A_230 = vector.broadcast %xor3A_229 : i32 to vector<16xi32>
        %xor3A_231 = arith.xori %iota3A_219, %xor3A_230 : vector<16xi32>
        %lt3A_232 = arith.constant 0 : i32
        %lt3A_233 = vector.broadcast %lt3A_232 : i32 to vector<16xi32>
        %lt3A_234 = arith.cmpi slt, %xor3A_231, %lt3A_233 : vector<16xi32>
        %add3A_235 = arith.constant 16 : i32
        %add3A_236 = vector.broadcast %add3A_235 : i32 to vector<16xi32>
        %add3A_237 = arith.addi %xor3A_231, %add3A_236 : vector<16xi32>
        %select_n3A_238 = arith.select %lt3A_234, %add3A_237, %xor3A_231 : vector<16xi1>, vector<16xi32>
        %reshape3A_239 = vector.shape_cast %select_n3A_238 : vector<16xi32> to vector<16x1xi32>
        %gather3A_240 = vector.shape_cast %reshape3A_239 : vector<16x1xi32> to vector<16xi32>
        %gather3A_241 = tpu.dynamic_gather %add3A_228[%gather3A_240] in [0] : vector<16xf32>, vector<16xi32> -> vector<16xf32>
        %add3A_242 = arith.addf %add3A_228, %gather3A_241 : vector<16xf32>
        %xor3A_243 = arith.constant 2 : i32
        %xor3A_244 = vector.broadcast %xor3A_243 : i32 to vector<16xi32>
        %xor3A_245 = arith.xori %iota3A_219, %xor3A_244 : vector<16xi32>
        %lt3A_246 = arith.constant 0 : i32
        %lt3A_247 = vector.broadcast %lt3A_246 : i32 to vector<16xi32>
        %lt3A_248 = arith.cmpi slt, %xor3A_245, %lt3A_247 : vector<16xi32>
        %add3A_249 = arith.constant 16 : i32
        %add3A_250 = vector.broadcast %add3A_249 : i32 to vector<16xi32>
        %add3A_251 = arith.addi %xor3A_245, %add3A_250 : vector<16xi32>
        %select_n3A_252 = arith.select %lt3A_248, %add3A_251, %xor3A_245 : vector<16xi1>, vector<16xi32>
        %reshape3A_253 = vector.shape_cast %select_n3A_252 : vector<16xi32> to vector<16x1xi32>
        %gather3A_254 = vector.shape_cast %reshape3A_253 : vector<16x1xi32> to vector<16xi32>
        %gather3A_255 = tpu.dynamic_gather %add3A_242[%gather3A_254] in [0] : vector<16xf32>, vector<16xi32> -> vector<16xf32>
        %add3A_256 = arith.addf %add3A_242, %gather3A_255 : vector<16xf32>
        %xor3A_257 = arith.constant 1 : i32
        %xor3A_258 = vector.broadcast %xor3A_257 : i32 to vector<16xi32>
        %xor3A_259 = arith.xori %iota3A_219, %xor3A_258 : vector<16xi32>
        %lt3A_260 = arith.constant 0 : i32
        %lt3A_261 = vector.broadcast %lt3A_260 : i32 to vector<16xi32>
        %lt3A_262 = arith.cmpi slt, %xor3A_259, %lt3A_261 : vector<16xi32>
        %add3A_263 = arith.constant 16 : i32
        %add3A_264 = vector.broadcast %add3A_263 : i32 to vector<16xi32>
        %add3A_265 = arith.addi %xor3A_259, %add3A_264 : vector<16xi32>
        %select_n3A_266 = arith.select %lt3A_262, %add3A_265, %xor3A_259 : vector<16xi1>, vector<16xi32>
        %reshape3A_267 = vector.shape_cast %select_n3A_266 : vector<16xi32> to vector<16x1xi32>
        %gather3A_268 = vector.shape_cast %reshape3A_267 : vector<16x1xi32> to vector<16xi32>
        %gather3A_269 = tpu.dynamic_gather %add3A_256[%gather3A_268] in [0] : vector<16xf32>, vector<16xi32> -> vector<16xf32>
        %add3A_270 = arith.addf %add3A_256, %gather3A_269 : vector<16xf32>
        %exp3A = math.exp %add3A_270 : vector<16xf32>
        %add3A_271 = arith.addf %add3A_177, %add3A_185 : vector<16xf32>
        %iota3A_272 = tpu.iota {dimensions = array<i32: 0>} : vector<16xi32>
        %xor3A_273 = arith.constant 8 : i32
        %xor3A_274 = vector.broadcast %xor3A_273 : i32 to vector<16xi32>
        %xor3A_275 = arith.xori %iota3A_272, %xor3A_274 : vector<16xi32>
        %lt3A_276 = arith.constant 0 : i32
        %lt3A_277 = vector.broadcast %lt3A_276 : i32 to vector<16xi32>
        %lt3A_278 = arith.cmpi slt, %xor3A_275, %lt3A_277 : vector<16xi32>
        %add3A_279 = arith.constant 16 : i32
        %add3A_280 = vector.broadcast %add3A_279 : i32 to vector<16xi32>
        %add3A_281 = arith.addi %xor3A_275, %add3A_280 : vector<16xi32>
        %select_n3A_282 = arith.select %lt3A_278, %add3A_281, %xor3A_275 : vector<16xi1>, vector<16xi32>
        %reshape3A_283 = vector.shape_cast %select_n3A_282 : vector<16xi32> to vector<16x1xi32>
        %gather3A_284 = vector.shape_cast %reshape3A_283 : vector<16x1xi32> to vector<16xi32>
        %gather3A_285 = tpu.dynamic_gather %add3A_271[%gather3A_284] in [0] : vector<16xf32>, vector<16xi32> -> vector<16xf32>
        %add3A_286 = arith.addf %add3A_271, %gather3A_285 : vector<16xf32>
        %xor3A_287 = arith.constant 4 : i32
        %xor3A_288 = vector.broadcast %xor3A_287 : i32 to vector<16xi32>
        %xor3A_289 = arith.xori %iota3A_272, %xor3A_288 : vector<16xi32>
        %lt3A_290 = arith.constant 0 : i32
        %lt3A_291 = vector.broadcast %lt3A_290 : i32 to vector<16xi32>
        %lt3A_292 = arith.cmpi slt, %xor3A_289, %lt3A_291 : vector<16xi32>
        %add3A_293 = arith.constant 16 : i32
        %add3A_294 = vector.broadcast %add3A_293 : i32 to vector<16xi32>
        %add3A_295 = arith.addi %xor3A_289, %add3A_294 : vector<16xi32>
        %select_n3A_296 = arith.select %lt3A_292, %add3A_295, %xor3A_289 : vector<16xi1>, vector<16xi32>
        %reshape3A_297 = vector.shape_cast %select_n3A_296 : vector<16xi32> to vector<16x1xi32>
        %gather3A_298 = vector.shape_cast %reshape3A_297 : vector<16x1xi32> to vector<16xi32>
        %gather3A_299 = tpu.dynamic_gather %add3A_286[%gather3A_298] in [0] : vector<16xf32>, vector<16xi32> -> vector<16xf32>
        %add3A_300 = arith.addf %add3A_286, %gather3A_299 : vector<16xf32>
        %xor3A_301 = arith.constant 2 : i32
        %xor3A_302 = vector.broadcast %xor3A_301 : i32 to vector<16xi32>
        %xor3A_303 = arith.xori %iota3A_272, %xor3A_302 : vector<16xi32>
        %lt3A_304 = arith.constant 0 : i32
        %lt3A_305 = vector.broadcast %lt3A_304 : i32 to vector<16xi32>
        %lt3A_306 = arith.cmpi slt, %xor3A_303, %lt3A_305 : vector<16xi32>
        %add3A_307 = arith.constant 16 : i32
        %add3A_308 = vector.broadcast %add3A_307 : i32 to vector<16xi32>
        %add3A_309 = arith.addi %xor3A_303, %add3A_308 : vector<16xi32>
        %select_n3A_310 = arith.select %lt3A_306, %add3A_309, %xor3A_303 : vector<16xi1>, vector<16xi32>
        %reshape3A_311 = vector.shape_cast %select_n3A_310 : vector<16xi32> to vector<16x1xi32>
        %gather3A_312 = vector.shape_cast %reshape3A_311 : vector<16x1xi32> to vector<16xi32>
        %gather3A_313 = tpu.dynamic_gather %add3A_300[%gather3A_312] in [0] : vector<16xf32>, vector<16xi32> -> vector<16xf32>
        %add3A_314 = arith.addf %add3A_300, %gather3A_313 : vector<16xf32>
        %xor3A_315 = arith.constant 1 : i32
        %xor3A_316 = vector.broadcast %xor3A_315 : i32 to vector<16xi32>
        %xor3A_317 = arith.xori %iota3A_272, %xor3A_316 : vector<16xi32>
        %lt3A_318 = arith.constant 0 : i32
        %lt3A_319 = vector.broadcast %lt3A_318 : i32 to vector<16xi32>
        %lt3A_320 = arith.cmpi slt, %xor3A_317, %lt3A_319 : vector<16xi32>
        %add3A_321 = arith.constant 16 : i32
        %add3A_322 = vector.broadcast %add3A_321 : i32 to vector<16xi32>
        %add3A_323 = arith.addi %xor3A_317, %add3A_322 : vector<16xi32>
        %select_n3A_324 = arith.select %lt3A_320, %add3A_323, %xor3A_317 : vector<16xi1>, vector<16xi32>
        %reshape3A_325 = vector.shape_cast %select_n3A_324 : vector<16xi32> to vector<16x1xi32>
        %gather3A_326 = vector.shape_cast %reshape3A_325 : vector<16x1xi32> to vector<16xi32>
        %gather3A_327 = tpu.dynamic_gather %add3A_314[%gather3A_326] in [0] : vector<16xf32>, vector<16xi32> -> vector<16xf32>
        %add3A_328 = arith.addf %add3A_314, %gather3A_327 : vector<16xf32>
        %exp3A_329 = math.exp %add3A_328 : vector<16xf32>
        %add3A_330 = arith.addf %add3A_193, %add3A_201 : vector<16xf32>
        %iota3A_331 = tpu.iota {dimensions = array<i32: 0>} : vector<16xi32>
        %xor3A_332 = arith.constant 8 : i32
        %xor3A_333 = vector.broadcast %xor3A_332 : i32 to vector<16xi32>
        %xor3A_334 = arith.xori %iota3A_331, %xor3A_333 : vector<16xi32>
        %lt3A_335 = arith.constant 0 : i32
        %lt3A_336 = vector.broadcast %lt3A_335 : i32 to vector<16xi32>
        %lt3A_337 = arith.cmpi slt, %xor3A_334, %lt3A_336 : vector<16xi32>
        %add3A_338 = arith.constant 16 : i32
        %add3A_339 = vector.broadcast %add3A_338 : i32 to vector<16xi32>
        %add3A_340 = arith.addi %xor3A_334, %add3A_339 : vector<16xi32>
        %select_n3A_341 = arith.select %lt3A_337, %add3A_340, %xor3A_334 : vector<16xi1>, vector<16xi32>
        %reshape3A_342 = vector.shape_cast %select_n3A_341 : vector<16xi32> to vector<16x1xi32>
        %gather3A_343 = vector.shape_cast %reshape3A_342 : vector<16x1xi32> to vector<16xi32>
        %gather3A_344 = tpu.dynamic_gather %add3A_330[%gather3A_343] in [0] : vector<16xf32>, vector<16xi32> -> vector<16xf32>
        %add3A_345 = arith.addf %add3A_330, %gather3A_344 : vector<16xf32>
        %xor3A_346 = arith.constant 4 : i32
        %xor3A_347 = vector.broadcast %xor3A_346 : i32 to vector<16xi32>
        %xor3A_348 = arith.xori %iota3A_331, %xor3A_347 : vector<16xi32>
        %lt3A_349 = arith.constant 0 : i32
        %lt3A_350 = vector.broadcast %lt3A_349 : i32 to vector<16xi32>
        %lt3A_351 = arith.cmpi slt, %xor3A_348, %lt3A_350 : vector<16xi32>
        %add3A_352 = arith.constant 16 : i32
        %add3A_353 = vector.broadcast %add3A_352 : i32 to vector<16xi32>
        %add3A_354 = arith.addi %xor3A_348, %add3A_353 : vector<16xi32>
        %select_n3A_355 = arith.select %lt3A_351, %add3A_354, %xor3A_348 : vector<16xi1>, vector<16xi32>
        %reshape3A_356 = vector.shape_cast %select_n3A_355 : vector<16xi32> to vector<16x1xi32>
        %gather3A_357 = vector.shape_cast %reshape3A_356 : vector<16x1xi32> to vector<16xi32>
        %gather3A_358 = tpu.dynamic_gather %add3A_345[%gather3A_357] in [0] : vector<16xf32>, vector<16xi32> -> vector<16xf32>
        %add3A_359 = arith.addf %add3A_345, %gather3A_358 : vector<16xf32>
        %xor3A_360 = arith.constant 2 : i32
        %xor3A_361 = vector.broadcast %xor3A_360 : i32 to vector<16xi32>
        %xor3A_362 = arith.xori %iota3A_331, %xor3A_361 : vector<16xi32>
        %lt3A_363 = arith.constant 0 : i32
        %lt3A_364 = vector.broadcast %lt3A_363 : i32 to vector<16xi32>
        %lt3A_365 = arith.cmpi slt, %xor3A_362, %lt3A_364 : vector<16xi32>
        %add3A_366 = arith.constant 16 : i32
        %add3A_367 = vector.broadcast %add3A_366 : i32 to vector<16xi32>
        %add3A_368 = arith.addi %xor3A_362, %add3A_367 : vector<16xi32>
        %select_n3A_369 = arith.select %lt3A_365, %add3A_368, %xor3A_362 : vector<16xi1>, vector<16xi32>
        %reshape3A_370 = vector.shape_cast %select_n3A_369 : vector<16xi32> to vector<16x1xi32>
        %gather3A_371 = vector.shape_cast %reshape3A_370 : vector<16x1xi32> to vector<16xi32>
        %gather3A_372 = tpu.dynamic_gather %add3A_359[%gather3A_371] in [0] : vector<16xf32>, vector<16xi32> -> vector<16xf32>
        %add3A_373 = arith.addf %add3A_359, %gather3A_372 : vector<16xf32>
        %xor3A_374 = arith.constant 1 : i32
        %xor3A_375 = vector.broadcast %xor3A_374 : i32 to vector<16xi32>
        %xor3A_376 = arith.xori %iota3A_331, %xor3A_375 : vector<16xi32>
        %lt3A_377 = arith.constant 0 : i32
        %lt3A_378 = vector.broadcast %lt3A_377 : i32 to vector<16xi32>
        %lt3A_379 = arith.cmpi slt, %xor3A_376, %lt3A_378 : vector<16xi32>
        %add3A_380 = arith.constant 16 : i32
        %add3A_381 = vector.broadcast %add3A_380 : i32 to vector<16xi32>
        %add3A_382 = arith.addi %xor3A_376, %add3A_381 : vector<16xi32>
        %select_n3A_383 = arith.select %lt3A_379, %add3A_382, %xor3A_376 : vector<16xi1>, vector<16xi32>
        %reshape3A_384 = vector.shape_cast %select_n3A_383 : vector<16xi32> to vector<16x1xi32>
        %gather3A_385 = vector.shape_cast %reshape3A_384 : vector<16x1xi32> to vector<16xi32>
        %gather3A_386 = tpu.dynamic_gather %add3A_373[%gather3A_385] in [0] : vector<16xf32>, vector<16xi32> -> vector<16xf32>
        %add3A_387 = arith.addf %add3A_373, %gather3A_386 : vector<16xf32>
        %exp3A_388 = math.exp %add3A_387 : vector<16xf32>
        %add3A_389 = arith.addf %add3A_209, %add3A_217 : vector<16xf32>
        %iota3A_390 = tpu.iota {dimensions = array<i32: 0>} : vector<16xi32>
        %xor3A_391 = arith.constant 8 : i32
        %xor3A_392 = vector.broadcast %xor3A_391 : i32 to vector<16xi32>
        %xor3A_393 = arith.xori %iota3A_390, %xor3A_392 : vector<16xi32>
        %lt3A_394 = arith.constant 0 : i32
        %lt3A_395 = vector.broadcast %lt3A_394 : i32 to vector<16xi32>
        %lt3A_396 = arith.cmpi slt, %xor3A_393, %lt3A_395 : vector<16xi32>
        %add3A_397 = arith.constant 16 : i32
        %add3A_398 = vector.broadcast %add3A_397 : i32 to vector<16xi32>
        %add3A_399 = arith.addi %xor3A_393, %add3A_398 : vector<16xi32>
        %select_n3A_400 = arith.select %lt3A_396, %add3A_399, %xor3A_393 : vector<16xi1>, vector<16xi32>
        %reshape3A_401 = vector.shape_cast %select_n3A_400 : vector<16xi32> to vector<16x1xi32>
        %gather3A_402 = vector.shape_cast %reshape3A_401 : vector<16x1xi32> to vector<16xi32>
        %gather3A_403 = tpu.dynamic_gather %add3A_389[%gather3A_402] in [0] : vector<16xf32>, vector<16xi32> -> vector<16xf32>
        %add3A_404 = arith.addf %add3A_389, %gather3A_403 : vector<16xf32>
        %xor3A_405 = arith.constant 4 : i32
        %xor3A_406 = vector.broadcast %xor3A_405 : i32 to vector<16xi32>
        %xor3A_407 = arith.xori %iota3A_390, %xor3A_406 : vector<16xi32>
        %lt3A_408 = arith.constant 0 : i32
        %lt3A_409 = vector.broadcast %lt3A_408 : i32 to vector<16xi32>
        %lt3A_410 = arith.cmpi slt, %xor3A_407, %lt3A_409 : vector<16xi32>
        %add3A_411 = arith.constant 16 : i32
        %add3A_412 = vector.broadcast %add3A_411 : i32 to vector<16xi32>
        %add3A_413 = arith.addi %xor3A_407, %add3A_412 : vector<16xi32>
        %select_n3A_414 = arith.select %lt3A_410, %add3A_413, %xor3A_407 : vector<16xi1>, vector<16xi32>
        %reshape3A_415 = vector.shape_cast %select_n3A_414 : vector<16xi32> to vector<16x1xi32>
        %gather3A_416 = vector.shape_cast %reshape3A_415 : vector<16x1xi32> to vector<16xi32>
        %gather3A_417 = tpu.dynamic_gather %add3A_404[%gather3A_416] in [0] : vector<16xf32>, vector<16xi32> -> vector<16xf32>
        %add3A_418 = arith.addf %add3A_404, %gather3A_417 : vector<16xf32>
        %xor3A_419 = arith.constant 2 : i32
        %xor3A_420 = vector.broadcast %xor3A_419 : i32 to vector<16xi32>
        %xor3A_421 = arith.xori %iota3A_390, %xor3A_420 : vector<16xi32>
        %lt3A_422 = arith.constant 0 : i32
        %lt3A_423 = vector.broadcast %lt3A_422 : i32 to vector<16xi32>
        %lt3A_424 = arith.cmpi slt, %xor3A_421, %lt3A_423 : vector<16xi32>
        %add3A_425 = arith.constant 16 : i32
        %add3A_426 = vector.broadcast %add3A_425 : i32 to vector<16xi32>
        %add3A_427 = arith.addi %xor3A_421, %add3A_426 : vector<16xi32>
        %select_n3A_428 = arith.select %lt3A_424, %add3A_427, %xor3A_421 : vector<16xi1>, vector<16xi32>
        %reshape3A_429 = vector.shape_cast %select_n3A_428 : vector<16xi32> to vector<16x1xi32>
        %gather3A_430 = vector.shape_cast %reshape3A_429 : vector<16x1xi32> to vector<16xi32>
        %gather3A_431 = tpu.dynamic_gather %add3A_418[%gather3A_430] in [0] : vector<16xf32>, vector<16xi32> -> vector<16xf32>
        %add3A_432 = arith.addf %add3A_418, %gather3A_431 : vector<16xf32>
        %xor3A_433 = arith.constant 1 : i32
        %xor3A_434 = vector.broadcast %xor3A_433 : i32 to vector<16xi32>
        %xor3A_435 = arith.xori %iota3A_390, %xor3A_434 : vector<16xi32>
        %lt3A_436 = arith.constant 0 : i32
        %lt3A_437 = vector.broadcast %lt3A_436 : i32 to vector<16xi32>
        %lt3A_438 = arith.cmpi slt, %xor3A_435, %lt3A_437 : vector<16xi32>
        %add3A_439 = arith.constant 16 : i32
        %add3A_440 = vector.broadcast %add3A_439 : i32 to vector<16xi32>
        %add3A_441 = arith.addi %xor3A_435, %add3A_440 : vector<16xi32>
        %select_n3A_442 = arith.select %lt3A_438, %add3A_441, %xor3A_435 : vector<16xi1>, vector<16xi32>
        %reshape3A_443 = vector.shape_cast %select_n3A_442 : vector<16xi32> to vector<16x1xi32>
        %gather3A_444 = vector.shape_cast %reshape3A_443 : vector<16x1xi32> to vector<16xi32>
        %gather3A_445 = tpu.dynamic_gather %add3A_432[%gather3A_444] in [0] : vector<16xf32>, vector<16xi32> -> vector<16xf32>
        %add3A_446 = arith.addf %add3A_432, %gather3A_445 : vector<16xf32>
        %exp3A_447 = math.exp %add3A_446 : vector<16xf32>
        %mul3A_448 = arith.mulf %mul3A_139, %exp3A : vector<16xf32>
        %swap3A = arith.index_cast %scan3A_66 : i32 to index
        %swap3A_449 = arith.constant 0 : index
        %swap3A_450 = tpu.vector_load %arg14[%swap3A, %swap3A_449] {strides = array<i32>} : memref<64x128xf32, #tpu.memory_space<vmem>>, vector<16xf32>,
        tpu.vector_store %arg14[%swap3A, %swap3A_449], %mul3A_448 {strides = array<i32>} : memref<64x128xf32, #tpu.memory_space<vmem>>, vector<16xf32>,
        %swap3A_451 = arith.index_cast %scan3A_66 : i32 to index
        %swap3A_452 = arith.constant 0 : index
        %swap3A_453 = tpu.vector_load %arg15[%swap3A_451, %swap3A_452] {strides = array<i32>} : memref<64x128xf32, #tpu.memory_space<vmem>>, vector<16xf32>,
        tpu.vector_store %arg15[%swap3A_451, %swap3A_452], %broadcast_in_dim3A_5 {strides = array<i32>} : memref<64x128xf32, #tpu.memory_space<vmem>>, vector<16xf32>,
        %mul3A_454 = arith.mulf %mul3A_141, %exp3A : vector<16xf32>
        %swap3A_455 = arith.index_cast %scan3A_66 : i32 to index
        %swap3A_456 = arith.constant 16 : index
        %swap3A_457 = tpu.vector_load %arg14[%swap3A_455, %swap3A_456] {strides = array<i32>} : memref<64x128xf32, #tpu.memory_space<vmem>>, vector<16xf32>,
        tpu.vector_store %arg14[%swap3A_455, %swap3A_456], %mul3A_454 {strides = array<i32>} : memref<64x128xf32, #tpu.memory_space<vmem>>, vector<16xf32>,
        %swap3A_458 = arith.index_cast %scan3A_66 : i32 to index
        %swap3A_459 = arith.constant 16 : index
        %swap3A_460 = tpu.vector_load %arg15[%swap3A_458, %swap3A_459] {strides = array<i32>} : memref<64x128xf32, #tpu.memory_space<vmem>>, vector<16xf32>,
        tpu.vector_store %arg15[%swap3A_458, %swap3A_459], %broadcast_in_dim3A_5 {strides = array<i32>} : memref<64x128xf32, #tpu.memory_space<vmem>>, vector<16xf32>,
        %mul3A_461 = arith.mulf %mul3A_143, %exp3A_329 : vector<16xf32>
        %swap3A_462 = arith.index_cast %scan3A_66 : i32 to index
        %swap3A_463 = arith.constant 32 : index
        %swap3A_464 = tpu.vector_load %arg14[%swap3A_462, %swap3A_463] {strides = array<i32>} : memref<64x128xf32, #tpu.memory_space<vmem>>, vector<16xf32>,
        tpu.vector_store %arg14[%swap3A_462, %swap3A_463], %mul3A_461 {strides = array<i32>} : memref<64x128xf32, #tpu.memory_space<vmem>>, vector<16xf32>,
        %swap3A_465 = arith.index_cast %scan3A_66 : i32 to index
        %swap3A_466 = arith.constant 32 : index
        %swap3A_467 = tpu.vector_load %arg15[%swap3A_465, %swap3A_466] {strides = array<i32>} : memref<64x128xf32, #tpu.memory_space<vmem>>, vector<16xf32>,
        tpu.vector_store %arg15[%swap3A_465, %swap3A_466], %broadcast_in_dim3A_5 {strides = array<i32>} : memref<64x128xf32, #tpu.memory_space<vmem>>, vector<16xf32>,
        %mul3A_468 = arith.mulf %mul3A_145, %exp3A_329 : vector<16xf32>
        %swap3A_469 = arith.index_cast %scan3A_66 : i32 to index
        %swap3A_470 = arith.constant 48 : index
        %swap3A_471 = tpu.vector_load %arg14[%swap3A_469, %swap3A_470] {strides = array<i32>} : memref<64x128xf32, #tpu.memory_space<vmem>>, vector<16xf32>,
        tpu.vector_store %arg14[%swap3A_469, %swap3A_470], %mul3A_468 {strides = array<i32>} : memref<64x128xf32, #tpu.memory_space<vmem>>, vector<16xf32>,
        %swap3A_472 = arith.index_cast %scan3A_66 : i32 to index
        %swap3A_473 = arith.constant 48 : index
        %swap3A_474 = tpu.vector_load %arg15[%swap3A_472, %swap3A_473] {strides = array<i32>} : memref<64x128xf32, #tpu.memory_space<vmem>>, vector<16xf32>,
        tpu.vector_store %arg15[%swap3A_472, %swap3A_473], %broadcast_in_dim3A_5 {strides = array<i32>} : memref<64x128xf32, #tpu.memory_space<vmem>>, vector<16xf32>,
        %mul3A_475 = arith.mulf %mul3A_147, %exp3A_388 : vector<16xf32>
        %swap3A_476 = arith.index_cast %scan3A_66 : i32 to index
        %swap3A_477 = arith.constant 64 : index
        %swap3A_478 = tpu.vector_load %arg14[%swap3A_476, %swap3A_477] {strides = array<i32>} : memref<64x128xf32, #tpu.memory_space<vmem>>, vector<16xf32>,
        tpu.vector_store %arg14[%swap3A_476, %swap3A_477], %mul3A_475 {strides = array<i32>} : memref<64x128xf32, #tpu.memory_space<vmem>>, vector<16xf32>,
        %swap3A_479 = arith.index_cast %scan3A_66 : i32 to index
        %swap3A_480 = arith.constant 64 : index
        %swap3A_481 = tpu.vector_load %arg15[%swap3A_479, %swap3A_480] {strides = array<i32>} : memref<64x128xf32, #tpu.memory_space<vmem>>, vector<16xf32>,
        tpu.vector_store %arg15[%swap3A_479, %swap3A_480], %broadcast_in_dim3A_5 {strides = array<i32>} : memref<64x128xf32, #tpu.memory_space<vmem>>, vector<16xf32>,
        %mul3A_482 = arith.mulf %mul3A_149, %exp3A_388 : vector<16xf32>
        %swap3A_483 = arith.index_cast %scan3A_66 : i32 to index
        %swap3A_484 = arith.constant 80 : index
        %swap3A_485 = tpu.vector_load %arg14[%swap3A_483, %swap3A_484] {strides = array<i32>} : memref<64x128xf32, #tpu.memory_space<vmem>>, vector<16xf32>,
        tpu.vector_store %arg14[%swap3A_483, %swap3A_484], %mul3A_482 {strides = array<i32>} : memref<64x128xf32, #tpu.memory_space<vmem>>, vector<16xf32>,
        %swap3A_486 = arith.index_cast %scan3A_66 : i32 to index
        %swap3A_487 = arith.constant 80 : index
        %swap3A_488 = tpu.vector_load %arg15[%swap3A_486, %swap3A_487] {strides = array<i32>} : memref<64x128xf32, #tpu.memory_space<vmem>>, vector<16xf32>,
        tpu.vector_store %arg15[%swap3A_486, %swap3A_487], %broadcast_in_dim3A_5 {strides = array<i32>} : memref<64x128xf32, #tpu.memory_space<vmem>>, vector<16xf32>,
        %mul3A_489 = arith.mulf %mul3A_151, %exp3A_447 : vector<16xf32>
        %swap3A_490 = arith.index_cast %scan3A_66 : i32 to index
        %swap3A_491 = arith.constant 96 : index
        %swap3A_492 = tpu.vector_load %arg14[%swap3A_490, %swap3A_491] {strides = array<i32>} : memref<64x128xf32, #tpu.memory_space<vmem>>, vector<16xf32>,
        tpu.vector_store %arg14[%swap3A_490, %swap3A_491], %mul3A_489 {strides = array<i32>} : memref<64x128xf32, #tpu.memory_space<vmem>>, vector<16xf32>,
        %swap3A_493 = arith.index_cast %scan3A_66 : i32 to index
        %swap3A_494 = arith.constant 96 : index
        %swap3A_495 = tpu.vector_load %arg15[%swap3A_493, %swap3A_494] {strides = array<i32>} : memref<64x128xf32, #tpu.memory_space<vmem>>, vector<16xf32>,
        tpu.vector_store %arg15[%swap3A_493, %swap3A_494], %broadcast_in_dim3A_5 {strides = array<i32>} : memref<64x128xf32, #tpu.memory_space<vmem>>, vector<16xf32>,
        %mul3A_496 = arith.mulf %mul3A_153, %exp3A_447 : vector<16xf32>
        %swap3A_497 = arith.index_cast %scan3A_66 : i32 to index
        %swap3A_498 = arith.constant 112 : index
        %swap3A_499 = tpu.vector_load %arg14[%swap3A_497, %swap3A_498] {strides = array<i32>} : memref<64x128xf32, #tpu.memory_space<vmem>>, vector<16xf32>,
        tpu.vector_store %arg14[%swap3A_497, %swap3A_498], %mul3A_496 {strides = array<i32>} : memref<64x128xf32, #tpu.memory_space<vmem>>, vector<16xf32>,
        %swap3A_500 = arith.index_cast %scan3A_66 : i32 to index
        %swap3A_501 = arith.constant 112 : index
        %swap3A_502 = tpu.vector_load %arg15[%swap3A_500, %swap3A_501] {strides = array<i32>} : memref<64x128xf32, #tpu.memory_space<vmem>>, vector<16xf32>,
        tpu.vector_store %arg15[%swap3A_500, %swap3A_501], %broadcast_in_dim3A_5 {strides = array<i32>} : memref<64x128xf32, #tpu.memory_space<vmem>>, vector<16xf32>,
        %eq3A = arith.constant 0 : i32
        %eq3A_503 = vector.broadcast %eq3A : i32 to vector<16xi32>
        %eq3A_504 = arith.cmpi eq, %iota3A, %eq3A_503 : vector<16xi32>
        %jit3A = arith.constant 0.000000e+00 : f32
        %broadcast_in_dim3A_505 = vector.broadcast %jit3A : f32 to vector<16xf32>
        %select_n3A_506 = arith.select %eq3A_504, %exp3A, %broadcast_in_dim3A_505 : vector<16xi1>, vector<16xf32>
        %eq3A_507 = arith.constant 1 : i32
        %eq3A_508 = vector.broadcast %eq3A_507 : i32 to vector<16xi32>
        %eq3A_509 = arith.cmpi eq, %iota3A, %eq3A_508 : vector<16xi32>
        %select_n3A_510 = arith.select %eq3A_509, %exp3A_329, %select_n3A_506 : vector<16xi1>, vector<16xf32>
        %eq3A_511 = arith.constant 2 : i32
        %eq3A_512 = vector.broadcast %eq3A_511 : i32 to vector<16xi32>
        %eq3A_513 = arith.cmpi eq, %iota3A, %eq3A_512 : vector<16xi32>
        %select_n3A_514 = arith.select %eq3A_513, %exp3A_388, %select_n3A_510 : vector<16xi1>, vector<16xf32>
        %eq3A_515 = arith.constant 3 : i32
        %eq3A_516 = vector.broadcast %eq3A_515 : i32 to vector<16xi32>
        %eq3A_517 = arith.cmpi eq, %iota3A, %eq3A_516 : vector<16xi32>
        %select_n3A_518 = arith.select %eq3A_517, %exp3A_447, %select_n3A_514 : vector<16xi1>, vector<16xf32>
        %broadcast_in_dim3A_519 = vector.broadcast %scan3A_66 : i32 to vector<16xi32>
        %gather3A_520 = tpu.vector_load_idx %arg17[%broadcast_in_dim3A_519] : memref<64xi32, #tpu.memory_space<vmem>>[vector<16xi32>], vector<16xi32>,
        %and3A = arith.constant 31 : i32
        %and3A_521 = vector.broadcast %and3A : i32 to vector<16xi32>
        %and3A_522 = arith.andi %gather3A_520, %and3A_521 : vector<16xi32>
        %shift_left3A = arith.constant 2 : i32
        %shift_left3A_523 = vector.broadcast %shift_left3A : i32 to vector<16xi32>
        %shift_left3A_524 = arith.shli %and3A_522, %shift_left3A_523 : vector<16xi32>
        %add3A_525 = arith.addi %shift_left3A_524, %iota3A : vector<16xi32>
        %lt3A_526 = arith.constant 4 : i32
        %lt3A_527 = vector.broadcast %lt3A_526 : i32 to vector<16xi32>
        %lt3A_528 = arith.cmpi slt, %iota3A, %lt3A_527 : vector<16xi32>
        tpu.vector_store_idx %arg15[%broadcast_in_dim3A_519, %add3A_525], %select_n3A_518 masked %lt3A_528 : memref<64x128xf32, #tpu.memory_space<vmem>>[vector<16xi32>, vector<16xi32>], vector<16xf32>, vector<16xi1>
      }
      %scan3A_65 = arith.constant 64 : i32
      "tpu.region"() ({
        %run_scoped3A = tpu.sem_alloc : memref<!tpu.dma_semaphore, #tpu.memory_space<semaphore_mem>>
        %dma_start3A_66 = arith.constant 0 : i32
        %dma_start3A_67 = arith.constant 0 : i32
        %dma_start3A_68 = tpu.memref_slice %arg22[%dma_start3A_66, %dma_start3A_67] : memref<10752x128xf32, #tpu.memory_space<vmem_shared>> -> memref<10752x128xf32, #tpu.memory_space<vmem_shared>>
        tpu.enqueue_indirect_dma source(%arg14 : memref<64x128xf32, #tpu.memory_space<vmem>>) target(%dma_start3A_68 : memref<10752x128xf32, #tpu.memory_space<vmem_shared>>) offsets(%arg17 : memref<64xi32, #tpu.memory_space<vmem>>) semaphore(%run_scoped3A : memref<!tpu.dma_semaphore, #tpu.memory_space<semaphore_mem>>) {add = true}
        %dma_wait3A_69 = arith.constant 0 : i32
        %dma_wait3A_70 = arith.constant 0 : i32
        %dma_wait3A_71 = tpu.memref_slice %arg22[%dma_wait3A_69, %dma_wait3A_70] : memref<10752x128xf32, #tpu.memory_space<vmem_shared>> -> memref<10752x128xf32, #tpu.memory_space<vmem_shared>>
        tpu.wait_indirect_dma semaphore(%run_scoped3A : memref<!tpu.dma_semaphore, #tpu.memory_space<semaphore_mem>>) src(%arg14 : memref<64x128xf32, #tpu.memory_space<vmem>>) dst(%dma_wait3A_71 : memref<10752x128xf32, #tpu.memory_space<vmem_shared>>)
        tpu.yield
      }) : () -> ()
      "tpu.region"() ({
        %run_scoped3A = tpu.sem_alloc : memref<!tpu.dma_semaphore, #tpu.memory_space<semaphore_mem>>
        %dma_start3A_66 = arith.constant 0 : i32
        %dma_start3A_67 = arith.constant 0 : i32
        %dma_start3A_68 = tpu.memref_slice %arg22[%dma_start3A_66, %dma_start3A_67] : memref<10752x128xf32, #tpu.memory_space<vmem_shared>> -> memref<10752x128xf32, #tpu.memory_space<vmem_shared>>
        tpu.enqueue_indirect_dma source(%arg15 : memref<64x128xf32, #tpu.memory_space<vmem>>) target(%dma_start3A_68 : memref<10752x128xf32, #tpu.memory_space<vmem_shared>>) offsets(%arg19 : memref<64xi32, #tpu.memory_space<vmem>>) semaphore(%run_scoped3A : memref<!tpu.dma_semaphore, #tpu.memory_space<semaphore_mem>>) {add = true}
        %dma_wait3A_69 = arith.constant 0 : i32
        %dma_wait3A_70 = arith.constant 0 : i32
        %dma_wait3A_71 = tpu.memref_slice %arg22[%dma_wait3A_69, %dma_wait3A_70] : memref<10752x128xf32, #tpu.memory_space<vmem_shared>> -> memref<10752x128xf32, #tpu.memory_space<vmem_shared>>
        tpu.wait_indirect_dma semaphore(%run_scoped3A : memref<!tpu.dma_semaphore, #tpu.memory_space<semaphore_mem>>) src(%arg15 : memref<64x128xf32, #tpu.memory_space<vmem>>) dst(%dma_wait3A_71 : memref<10752x128xf32, #tpu.memory_space<vmem_shared>>)
        tpu.yield
      }) : () -> ()
    }
    %scan3A_22 = arith.constant 80 : i32
    %barrier3A_23 = arith.constant 0 : index
    tpu.barrier barrier_id(%barrier3A_23)
    %mul3A_24 = arith.constant 640 : i32
    %mul3A_25 = arith.muli %arg1, %mul3A_24 : i32
    %mul3A_26 = arith.constant 640 : i32
    %mul3A_27 = arith.muli %arg1, %mul3A_26 : i32
    "tpu.region"() ({
      %run_scoped3A = tpu.sem_alloc : memref<!tpu.dma_semaphore, #tpu.memory_space<semaphore_mem>>
      %dma_start3A = arith.constant 0 : i32
      %dma_start3A_34 = tpu.memref_slice %arg9[%arg0, %mul3A_27, %dma_start3A] : memref<2x10240x128xf32, #tpu.memory_space<hbm>> -> memref<1x640x128xf32, #tpu.memory_space<hbm>>
      %dma_start3A_35 = tpu.memref_squeeze %dma_start3A_34 : memref<1x640x128xf32, #tpu.memory_space<hbm>> -> memref<640x128xf32, #tpu.memory_space<hbm>>
      %dma_start3A_36 = arith.constant 0 : i32
      %dma_start3A_37 = tpu.memref_slice %arg22[%mul3A_25, %dma_start3A_36] : memref<10752x128xf32, #tpu.memory_space<vmem_shared>> -> memref<640x128xf32, #tpu.memory_space<vmem_shared>>
      tpu.enqueue_dma source(%dma_start3A_37 : memref<640x128xf32, #tpu.memory_space<vmem_shared>>) target(%dma_start3A_35 : memref<640x128xf32, #tpu.memory_space<hbm>>) target_semaphore(%run_scoped3A : memref<!tpu.dma_semaphore, #tpu.memory_space<semaphore_mem>>)
      %dma_wait3A = arith.constant 0 : i32
      %dma_wait3A_38 = tpu.memref_slice %arg9[%arg0, %mul3A_27, %dma_wait3A] : memref<2x10240x128xf32, #tpu.memory_space<hbm>> -> memref<1x640x128xf32, #tpu.memory_space<hbm>>
      %dma_wait3A_39 = tpu.memref_squeeze %dma_wait3A_38 : memref<1x640x128xf32, #tpu.memory_space<hbm>> -> memref<640x128xf32, #tpu.memory_space<hbm>>
      %dma_wait3A_40 = arith.constant 0 : i32
      %dma_wait3A_41 = tpu.memref_slice %arg22[%mul3A_25, %dma_wait3A_40] : memref<10752x128xf32, #tpu.memory_space<vmem_shared>> -> memref<640x128xf32, #tpu.memory_space<vmem_shared>>
      tpu.wait_dma2 semaphore(%run_scoped3A : memref<!tpu.dma_semaphore, #tpu.memory_space<semaphore_mem>>) src(%dma_wait3A_41 : memref<640x128xf32, #tpu.memory_space<vmem_shared>>) dst(%dma_wait3A_39 : memref<640x128xf32, #tpu.memory_space<hbm>>)
      tpu.yield
    }) : () -> ()
    %mul3A_28 = arith.constant 32 : i32
    %mul3A_29 = arith.muli %arg1, %mul3A_28 : i32
    %add3A_30 = arith.constant 10240 : i32
    %add3A_31 = arith.addi %add3A_30, %mul3A_29 : i32
    %mul3A_32 = arith.constant 32 : i32
    %mul3A_33 = arith.muli %arg1, %mul3A_32 : i32
    "tpu.region"() ({
      %run_scoped3A = tpu.sem_alloc : memref<!tpu.dma_semaphore, #tpu.memory_space<semaphore_mem>>
      %dma_start3A = arith.constant 0 : i32
      %dma_start3A_34 = tpu.memref_slice %arg10[%arg0, %mul3A_33, %dma_start3A] : memref<2x512x128xf32, #tpu.memory_space<hbm>> -> memref<1x32x128xf32, #tpu.memory_space<hbm>>
      %dma_start3A_35 = tpu.memref_squeeze %dma_start3A_34 : memref<1x32x128xf32, #tpu.memory_space<hbm>> -> memref<32x128xf32, #tpu.memory_space<hbm>>
      %dma_start3A_36 = arith.constant 0 : i32
      %dma_start3A_37 = tpu.memref_slice %arg22[%add3A_31, %dma_start3A_36] : memref<10752x128xf32, #tpu.memory_space<vmem_shared>> -> memref<32x128xf32, #tpu.memory_space<vmem_shared>>
      tpu.enqueue_dma source(%dma_start3A_37 : memref<32x128xf32, #tpu.memory_space<vmem_shared>>) target(%dma_start3A_35 : memref<32x128xf32, #tpu.memory_space<hbm>>) target_semaphore(%run_scoped3A : memref<!tpu.dma_semaphore, #tpu.memory_space<semaphore_mem>>)
      %dma_wait3A = arith.constant 0 : i32
      %dma_wait3A_38 = tpu.memref_slice %arg10[%arg0, %mul3A_33, %dma_wait3A] : memref<2x512x128xf32, #tpu.memory_space<hbm>> -> memref<1x32x128xf32, #tpu.memory_space<hbm>>
      %dma_wait3A_39 = tpu.memref_squeeze %dma_wait3A_38 : memref<1x32x128xf32, #tpu.memory_space<hbm>> -> memref<32x128xf32, #tpu.memory_space<hbm>>
      %dma_wait3A_40 = arith.constant 0 : i32
      %dma_wait3A_41 = tpu.memref_slice %arg22[%add3A_31, %dma_wait3A_40] : memref<10752x128xf32, #tpu.memory_space<vmem_shared>> -> memref<32x128xf32, #tpu.memory_space<vmem_shared>>
      tpu.wait_dma2 semaphore(%run_scoped3A : memref<!tpu.dma_semaphore, #tpu.memory_space<semaphore_mem>>) src(%dma_wait3A_41 : memref<32x128xf32, #tpu.memory_space<vmem_shared>>) dst(%dma_wait3A_39 : memref<32x128xf32, #tpu.memory_space<hbm>>)
      tpu.yield
    }) : () -> ()
    return
  }
}

module attributes {stable_mosaic.version = 14 : i64} {
  func.func @body(%arg0: memref<32x64xf32, #tpu.memory_space<vmem>>, %arg1: memref<64x128xf32, #tpu.memory_space<vmem>>, %arg2: memref<1x128xf32, #tpu.memory_space<vmem>>, %arg3: memref<64x128xf32, #tpu.memory_space<vmem>>, %arg4: memref<1x128xf32, #tpu.memory_space<vmem>>, %arg5: memref<32x128xf32, #tpu.memory_space<vmem>>, %arg6: memref<32x128xf32, #tpu.memory_space<vmem>>) attributes {dimension_semantics = [], scalar_prefetch = 0 : i64, scratch_operands = 0 : i64, tpu.core_type = #tpu.core_type<tc>} {
    %get3A = arith.constant 0 : index
    %get3A_0 = arith.constant 0 : index
    %get3A_1 = vector.load %arg0[%get3A, %get3A_0] : memref<32x64xf32, #tpu.memory_space<vmem>>, vector<32x64xf32>
    %get3A_2 = arith.constant 0 : index
    %get3A_3 = arith.constant 0 : index
    %get3A_4 = vector.load %arg1[%get3A_2, %get3A_3] : memref<64x128xf32, #tpu.memory_space<vmem>>, vector<64x128xf32>
    %dot_general3A = arith.constant dense<0.000000e+00> : vector<32x128xf32>
    %dot_general3A_5 = tpu.matmul %get3A_1, %get3A_4, %dot_general3A {dimension_numbers = #tpu.dot_dimension_numbers<[1], [0], [0], [1], [0, 0, 1, 1], [], []>, transpose_lhs_hint = false} : vector<32x64xf32>, vector<64x128xf32>, vector<32x128xf32> -> vector<32x128xf32>
    %get3A_6 = arith.constant 0 : index
    %get3A_7 = arith.constant 0 : index
    %get3A_8 = vector.load %arg2[%get3A_6, %get3A_7] : memref<1x128xf32, #tpu.memory_space<vmem>>, vector<1x128xf32>
    %add3A = vector.broadcast %get3A_8 : vector<1x128xf32> to vector<32x128xf32>
    %add3A_9 = arith.addf %dot_general3A_5, %add3A : vector<32x128xf32>
    %logistic3A = arith.negf %add3A_9 : vector<32x128xf32>
    %logistic3A_10 = math.exp %logistic3A : vector<32x128xf32>
    %logistic3A_11 = arith.constant 1.000000e+00 : f32
    %logistic3A_12 = vector.broadcast %logistic3A_11 : f32 to vector<32x128xf32>
    %logistic3A_13 = arith.addf %logistic3A_12, %logistic3A_10 : vector<32x128xf32>
    %logistic3A_14 = arith.divf %logistic3A_12, %logistic3A_13 : vector<32x128xf32>
    %swap3A = arith.constant 0 : index
    %swap3A_15 = arith.constant 0 : index
    %swap3A_16 = vector.load %arg5[%swap3A, %swap3A_15] : memref<32x128xf32, #tpu.memory_space<vmem>>, vector<32x128xf32>
    tpu.vector_store %arg5[%swap3A, %swap3A_15], %logistic3A_14 {strides = array<i32>} : memref<32x128xf32, #tpu.memory_space<vmem>>, vector<32x128xf32>,
    %get3A_17 = arith.constant 0 : index
    %get3A_18 = arith.constant 0 : index
    %get3A_19 = vector.load %arg3[%get3A_17, %get3A_18] : memref<64x128xf32, #tpu.memory_space<vmem>>, vector<64x128xf32>
    %dot_general3A_20 = arith.constant dense<0.000000e+00> : vector<32x128xf32>
    %dot_general3A_21 = tpu.matmul %get3A_1, %get3A_19, %dot_general3A_20 {dimension_numbers = #tpu.dot_dimension_numbers<[1], [0], [0], [1], [0, 0, 1, 1], [], []>, transpose_lhs_hint = false} : vector<32x64xf32>, vector<64x128xf32>, vector<32x128xf32> -> vector<32x128xf32>
    %get3A_22 = arith.constant 0 : index
    %get3A_23 = arith.constant 0 : index
    %get3A_24 = vector.load %arg4[%get3A_22, %get3A_23] : memref<1x128xf32, #tpu.memory_space<vmem>>, vector<1x128xf32>
    %add3A_25 = vector.broadcast %get3A_24 : vector<1x128xf32> to vector<32x128xf32>
    %add3A_26 = arith.addf %dot_general3A_21, %add3A_25 : vector<32x128xf32>
    %logistic3A_27 = arith.negf %add3A_26 : vector<32x128xf32>
    %logistic3A_28 = math.exp %logistic3A_27 : vector<32x128xf32>
    %logistic3A_29 = arith.constant 1.000000e+00 : f32
    %logistic3A_30 = vector.broadcast %logistic3A_29 : f32 to vector<32x128xf32>
    %logistic3A_31 = arith.addf %logistic3A_30, %logistic3A_28 : vector<32x128xf32>
    %logistic3A_32 = arith.divf %logistic3A_30, %logistic3A_31 : vector<32x128xf32>
    %swap3A_33 = arith.constant 0 : index
    %swap3A_34 = arith.constant 0 : index
    %swap3A_35 = vector.load %arg6[%swap3A_33, %swap3A_34] : memref<32x128xf32, #tpu.memory_space<vmem>>, vector<32x128xf32>
    tpu.vector_store %arg6[%swap3A_33, %swap3A_34], %logistic3A_32 {strides = array<i32>} : memref<32x128xf32, #tpu.memory_space<vmem>>, vector<32x128xf32>,
    return
  }
}

module attributes {stable_mosaic.version = 14 : i64} {
  func.func @body(%arg0: i32, %arg1: memref<1000x128xf32, #tpu.memory_space<vmem>>, %arg2: memref<1000x128xf32, #tpu.memory_space<vmem>>, %arg3: memref<128x128xf32, #tpu.memory_space<vmem>>, %arg4: memref<1x128xf32, #tpu.memory_space<vmem>>, %arg5: memref<128x128xf32, #tpu.memory_space<vmem>>, %arg6: memref<1x128xf32, #tpu.memory_space<vmem>>, %arg7: memref<128x128xf32, #tpu.memory_space<vmem>>, %arg8: memref<1x128xf32, #tpu.memory_space<vmem>>, %arg9: memref<128x128xf32, #tpu.memory_space<vmem>>, %arg10: memref<1x128xf32, #tpu.memory_space<vmem>>, %arg11: memref<1000x128xf32, #tpu.memory_space<vmem>>, %arg12: memref<1000x128xf32, #tpu.memory_space<vmem>>, %arg13: memref<1000x128xf32, #tpu.memory_space<vmem>>, %arg14: memref<1000x128xf32, #tpu.memory_space<vmem>>) attributes {dimension_semantics = [#tpu.dimension_semantics<arbitrary>], iteration_bounds = array<i64: 10>, scalar_prefetch = 0 : i64, scratch_operands = 0 : i64, tpu.core_type = #tpu.core_type<tc>, window_params = [{transform_indices = @transform_0, window_bounds = array<i64: 1000, 128>}, {transform_indices = @transform_1, window_bounds = array<i64: 1000, 128>}, {pipeline_mode = #tpu.pipeline_mode<synchronous>, transform_indices = @transform_2, window_bounds = array<i64: 128, 128>}, {pipeline_mode = #tpu.pipeline_mode<synchronous>, transform_indices = @transform_3, window_bounds = array<i64: 1, 128>}, {pipeline_mode = #tpu.pipeline_mode<synchronous>, transform_indices = @transform_4, window_bounds = array<i64: 128, 128>}, {pipeline_mode = #tpu.pipeline_mode<synchronous>, transform_indices = @transform_5, window_bounds = array<i64: 1, 128>}, {pipeline_mode = #tpu.pipeline_mode<synchronous>, transform_indices = @transform_6, window_bounds = array<i64: 128, 128>}, {pipeline_mode = #tpu.pipeline_mode<synchronous>, transform_indices = @transform_7, window_bounds = array<i64: 1, 128>}, {pipeline_mode = #tpu.pipeline_mode<synchronous>, transform_indices = @transform_8, window_bounds = array<i64: 128, 128>}, {pipeline_mode = #tpu.pipeline_mode<synchronous>, transform_indices = @transform_9, window_bounds = array<i64: 1, 128>}, {transform_indices = @transform_10, window_bounds = array<i64: 1000, 128>}, {transform_indices = @transform_11, window_bounds = array<i64: 1000, 128>}, {transform_indices = @transform_12, window_bounds = array<i64: 1000, 128>}, {transform_indices = @transform_13, window_bounds = array<i64: 1000, 128>}]} {
    %get3A = arith.constant 0 : index
    %get3A_0 = arith.constant 0 : index
    %get3A_1 = vector.load %arg1[%get3A, %get3A_0] : memref<1000x128xf32, #tpu.memory_space<vmem>>, vector<1000x128xf32>
    %get3A_2 = arith.constant 0 : index
    %get3A_3 = arith.constant 0 : index
    %get3A_4 = vector.load %arg2[%get3A_2, %get3A_3] : memref<1000x128xf32, #tpu.memory_space<vmem>>, vector<1000x128xf32>
    %get3A_5 = arith.constant 0 : index
    %get3A_6 = arith.constant 0 : index
    %get3A_7 = vector.load %arg3[%get3A_5, %get3A_6] : memref<128x128xf32, #tpu.memory_space<vmem>>, vector<128x128xf32>
    %dot_general3A = arith.constant dense<0.000000e+00> : vector<1000x128xf32>
    %dot_general3A_8 = tpu.matmul %get3A_1, %get3A_7, %dot_general3A {dimension_numbers = #tpu.dot_dimension_numbers<[1], [0], [0], [1], [0, 0, 1, 1], [], []>, transpose_lhs_hint = false} : vector<1000x128xf32>, vector<128x128xf32>, vector<1000x128xf32> -> vector<1000x128xf32>
    %get3A_9 = arith.constant 0 : index
    %get3A_10 = arith.constant 0 : index
    %get3A_11 = vector.load %arg4[%get3A_9, %get3A_10] : memref<1x128xf32, #tpu.memory_space<vmem>>, vector<1x128xf32>
    %add3A = vector.broadcast %get3A_11 : vector<1x128xf32> to vector<1000x128xf32>
    %add3A_12 = arith.addf %dot_general3A_8, %add3A : vector<1000x128xf32>
    %swap3A = arith.constant 0 : index
    %swap3A_13 = arith.constant 0 : index
    %swap3A_14 = vector.load %arg11[%swap3A, %swap3A_13] : memref<1000x128xf32, #tpu.memory_space<vmem>>, vector<1000x128xf32>
    tpu.vector_store %arg11[%swap3A, %swap3A_13], %add3A_12 {strides = array<i32>} : memref<1000x128xf32, #tpu.memory_space<vmem>>, vector<1000x128xf32>,
    %get3A_15 = arith.constant 0 : index
    %get3A_16 = arith.constant 0 : index
    %get3A_17 = vector.load %arg5[%get3A_15, %get3A_16] : memref<128x128xf32, #tpu.memory_space<vmem>>, vector<128x128xf32>
    %dot_general3A_18 = arith.constant dense<0.000000e+00> : vector<1000x128xf32>
    %dot_general3A_19 = tpu.matmul %get3A_4, %get3A_17, %dot_general3A_18 {dimension_numbers = #tpu.dot_dimension_numbers<[1], [0], [0], [1], [0, 0, 1, 1], [], []>, transpose_lhs_hint = false} : vector<1000x128xf32>, vector<128x128xf32>, vector<1000x128xf32> -> vector<1000x128xf32>
    %get3A_20 = arith.constant 0 : index
    %get3A_21 = arith.constant 0 : index
    %get3A_22 = vector.load %arg6[%get3A_20, %get3A_21] : memref<1x128xf32, #tpu.memory_space<vmem>>, vector<1x128xf32>
    %add3A_23 = vector.broadcast %get3A_22 : vector<1x128xf32> to vector<1000x128xf32>
    %add3A_24 = arith.addf %dot_general3A_19, %add3A_23 : vector<1000x128xf32>
    %swap3A_25 = arith.constant 0 : index
    %swap3A_26 = arith.constant 0 : index
    %swap3A_27 = vector.load %arg12[%swap3A_25, %swap3A_26] : memref<1000x128xf32, #tpu.memory_space<vmem>>, vector<1000x128xf32>
    tpu.vector_store %arg12[%swap3A_25, %swap3A_26], %add3A_24 {strides = array<i32>} : memref<1000x128xf32, #tpu.memory_space<vmem>>, vector<1000x128xf32>,
    %get3A_28 = arith.constant 0 : index
    %get3A_29 = arith.constant 0 : index
    %get3A_30 = vector.load %arg7[%get3A_28, %get3A_29] : memref<128x128xf32, #tpu.memory_space<vmem>>, vector<128x128xf32>
    %dot_general3A_31 = arith.constant dense<0.000000e+00> : vector<1000x128xf32>
    %dot_general3A_32 = tpu.matmul %get3A_4, %get3A_30, %dot_general3A_31 {dimension_numbers = #tpu.dot_dimension_numbers<[1], [0], [0], [1], [0, 0, 1, 1], [], []>, transpose_lhs_hint = false} : vector<1000x128xf32>, vector<128x128xf32>, vector<1000x128xf32> -> vector<1000x128xf32>
    %get3A_33 = arith.constant 0 : index
    %get3A_34 = arith.constant 0 : index
    %get3A_35 = vector.load %arg8[%get3A_33, %get3A_34] : memref<1x128xf32, #tpu.memory_space<vmem>>, vector<1x128xf32>
    %add3A_36 = vector.broadcast %get3A_35 : vector<1x128xf32> to vector<1000x128xf32>
    %add3A_37 = arith.addf %dot_general3A_32, %add3A_36 : vector<1000x128xf32>
    %swap3A_38 = arith.constant 0 : index
    %swap3A_39 = arith.constant 0 : index
    %swap3A_40 = vector.load %arg13[%swap3A_38, %swap3A_39] : memref<1000x128xf32, #tpu.memory_space<vmem>>, vector<1000x128xf32>
    tpu.vector_store %arg13[%swap3A_38, %swap3A_39], %add3A_37 {strides = array<i32>} : memref<1000x128xf32, #tpu.memory_space<vmem>>, vector<1000x128xf32>,
    %get3A_41 = arith.constant 0 : index
    %get3A_42 = arith.constant 0 : index
    %get3A_43 = vector.load %arg9[%get3A_41, %get3A_42] : memref<128x128xf32, #tpu.memory_space<vmem>>, vector<128x128xf32>
    %dot_general3A_44 = arith.constant dense<0.000000e+00> : vector<1000x128xf32>
    %dot_general3A_45 = tpu.matmul %get3A_1, %get3A_43, %dot_general3A_44 {dimension_numbers = #tpu.dot_dimension_numbers<[1], [0], [0], [1], [0, 0, 1, 1], [], []>, transpose_lhs_hint = false} : vector<1000x128xf32>, vector<128x128xf32>, vector<1000x128xf32> -> vector<1000x128xf32>
    %get3A_46 = arith.constant 0 : index
    %get3A_47 = arith.constant 0 : index
    %get3A_48 = vector.load %arg10[%get3A_46, %get3A_47] : memref<1x128xf32, #tpu.memory_space<vmem>>, vector<1x128xf32>
    %add3A_49 = vector.broadcast %get3A_48 : vector<1x128xf32> to vector<1000x128xf32>
    %add3A_50 = arith.addf %dot_general3A_45, %add3A_49 : vector<1000x128xf32>
    %swap3A_51 = arith.constant 0 : index
    %swap3A_52 = arith.constant 0 : index
    %swap3A_53 = vector.load %arg14[%swap3A_51, %swap3A_52] : memref<1000x128xf32, #tpu.memory_space<vmem>>, vector<1000x128xf32>
    tpu.vector_store %arg14[%swap3A_51, %swap3A_52], %add3A_50 {strides = array<i32>} : memref<1000x128xf32, #tpu.memory_space<vmem>>, vector<1000x128xf32>,
    return
  }
  func.func @transform_0(%arg0: i32) -> (i32, i32) {
    %c0_i32 = arith.constant 0 : i32
    %c0_i32_0 = arith.constant 0 : i32
    return %arg0, %c0_i32 : i32, i32
  }
  func.func @transform_1(%arg0: i32) -> (i32, i32) {
    %c0_i32 = arith.constant 0 : i32
    %c0_i32_0 = arith.constant 0 : i32
    return %arg0, %c0_i32 : i32, i32
  }
  func.func @transform_2(%arg0: i32) -> (i32, i32) {
    %c0_i32 = arith.constant 0 : i32
    %c0_i32_0 = arith.constant 0 : i32
    %c0_i32_1 = arith.constant 0 : i32
    return %c0_i32, %c0_i32_0 : i32, i32
  }
  func.func @transform_3(%arg0: i32) -> (i32, i32) {
    %c0_i32 = arith.constant 0 : i32
    %c0_i32_0 = arith.constant 0 : i32
    %c0_i32_1 = arith.constant 0 : i32
    return %c0_i32, %c0_i32_0 : i32, i32
  }
  func.func @transform_4(%arg0: i32) -> (i32, i32) {
    %c0_i32 = arith.constant 0 : i32
    %c0_i32_0 = arith.constant 0 : i32
    %c0_i32_1 = arith.constant 0 : i32
    return %c0_i32, %c0_i32_0 : i32, i32
  }
  func.func @transform_5(%arg0: i32) -> (i32, i32) {
    %c0_i32 = arith.constant 0 : i32
    %c0_i32_0 = arith.constant 0 : i32
    %c0_i32_1 = arith.constant 0 : i32
    return %c0_i32, %c0_i32_0 : i32, i32
  }
  func.func @transform_6(%arg0: i32) -> (i32, i32) {
    %c0_i32 = arith.constant 0 : i32
    %c0_i32_0 = arith.constant 0 : i32
    %c0_i32_1 = arith.constant 0 : i32
    return %c0_i32, %c0_i32_0 : i32, i32
  }
  func.func @transform_7(%arg0: i32) -> (i32, i32) {
    %c0_i32 = arith.constant 0 : i32
    %c0_i32_0 = arith.constant 0 : i32
    %c0_i32_1 = arith.constant 0 : i32
    return %c0_i32, %c0_i32_0 : i32, i32
  }
  func.func @transform_8(%arg0: i32) -> (i32, i32) {
    %c0_i32 = arith.constant 0 : i32
    %c0_i32_0 = arith.constant 0 : i32
    %c0_i32_1 = arith.constant 0 : i32
    return %c0_i32, %c0_i32_0 : i32, i32
  }
  func.func @transform_9(%arg0: i32) -> (i32, i32) {
    %c0_i32 = arith.constant 0 : i32
    %c0_i32_0 = arith.constant 0 : i32
    %c0_i32_1 = arith.constant 0 : i32
    return %c0_i32, %c0_i32_0 : i32, i32
  }
  func.func @transform_10(%arg0: i32) -> (i32, i32) {
    %c0_i32 = arith.constant 0 : i32
    %c0_i32_0 = arith.constant 0 : i32
    return %arg0, %c0_i32 : i32, i32
  }
  func.func @transform_11(%arg0: i32) -> (i32, i32) {
    %c0_i32 = arith.constant 0 : i32
    %c0_i32_0 = arith.constant 0 : i32
    return %arg0, %c0_i32 : i32, i32
  }
  func.func @transform_12(%arg0: i32) -> (i32, i32) {
    %c0_i32 = arith.constant 0 : i32
    %c0_i32_0 = arith.constant 0 : i32
    return %arg0, %c0_i32 : i32, i32
  }
  func.func @transform_13(%arg0: i32) -> (i32, i32) {
    %c0_i32 = arith.constant 0 : i32
    %c0_i32_0 = arith.constant 0 : i32
    return %arg0, %c0_i32 : i32, i32
  }
}

module attributes {stable_mosaic.version = 14 : i64} {
  func.func @body(%arg0: i32, %arg1: memref<2x1000x128xf32, #tpu.memory_space<vmem>>, %arg2: memref<2x1000x4xf32, #tpu.memory_space<vmem>>, %arg3: memref<2x1000x128xf32, #tpu.memory_space<vmem>>, %arg4: memref<2x1000x4xf32, #tpu.memory_space<vmem>>, %arg5: memref<128x128xf32, #tpu.memory_space<vmem>>, %arg6: memref<1x128xf32, #tpu.memory_space<vmem>>, %arg7: memref<128x128xf32, #tpu.memory_space<vmem>>, %arg8: memref<1x128xf32, #tpu.memory_space<vmem>>, %arg9: memref<1000x128xf32, #tpu.memory_space<vmem>>, %arg10: memref<1000x128xf32, #tpu.memory_space<vmem>>) attributes {dimension_semantics = [#tpu.dimension_semantics<arbitrary>], iteration_bounds = array<i64: 10>, scalar_prefetch = 0 : i64, scratch_operands = 0 : i64, tpu.core_type = #tpu.core_type<tc>, window_params = [{transform_indices = @transform_0, window_bounds = array<i64: 2, 1000, 128>}, {transform_indices = @transform_1, window_bounds = array<i64: 2, 1000, 4>}, {transform_indices = @transform_2, window_bounds = array<i64: 2, 1000, 128>}, {transform_indices = @transform_3, window_bounds = array<i64: 2, 1000, 4>}, {pipeline_mode = #tpu.pipeline_mode<synchronous>, transform_indices = @transform_4, window_bounds = array<i64: 128, 128>}, {pipeline_mode = #tpu.pipeline_mode<synchronous>, transform_indices = @transform_5, window_bounds = array<i64: 1, 128>}, {pipeline_mode = #tpu.pipeline_mode<synchronous>, transform_indices = @transform_6, window_bounds = array<i64: 128, 128>}, {pipeline_mode = #tpu.pipeline_mode<synchronous>, transform_indices = @transform_7, window_bounds = array<i64: 1, 128>}, {transform_indices = @transform_8, window_bounds = array<i64: 1000, 128>}, {transform_indices = @transform_9, window_bounds = array<i64: 1000, 128>}]} {
    %get3A = arith.constant 0 : index
    %get3A_0 = arith.constant 0 : index
    %get3A_1 = arith.constant 0 : index
    %get3A_2 = vector.load %arg1[%get3A, %get3A_0, %get3A_1] : memref<2x1000x128xf32, #tpu.memory_space<vmem>>, vector<2x1000x128xf32>
    %get3A_3 = arith.constant 0 : index
    %get3A_4 = arith.constant 0 : index
    %get3A_5 = arith.constant 0 : index
    %get3A_6 = vector.load %arg2[%get3A_3, %get3A_4, %get3A_5] : memref<2x1000x4xf32, #tpu.memory_space<vmem>>, vector<2x1000x4xf32>
    %slice3A = vector.extract_strided_slice %get3A_2 {offsets = [0, 0, 0], sizes = [1, 1000, 128], strides = [1, 1, 1]} : vector<2x1000x128xf32> to vector<1x1000x128xf32>
    %squeeze3A = vector.shape_cast %slice3A : vector<1x1000x128xf32> to vector<1000x128xf32>
    %slice3A_7 = vector.extract_strided_slice %get3A_2 {offsets = [1, 0, 0], sizes = [1, 1000, 128], strides = [1, 1, 1]} : vector<2x1000x128xf32> to vector<1x1000x128xf32>
    %squeeze3A_8 = vector.shape_cast %slice3A_7 : vector<1x1000x128xf32> to vector<1000x128xf32>
    %add3A = arith.addf %squeeze3A, %squeeze3A_8 : vector<1000x128xf32>
    %slice3A_9 = vector.extract_strided_slice %get3A_6 {offsets = [0, 0, 0], sizes = [1, 1000, 4], strides = [1, 1, 1]} : vector<2x1000x4xf32> to vector<1x1000x4xf32>
    %squeeze3A_10 = vector.shape_cast %slice3A_9 : vector<1x1000x4xf32> to vector<1000x4xf32>
    %slice3A_11 = vector.extract_strided_slice %get3A_6 {offsets = [1, 0, 0], sizes = [1, 1000, 4], strides = [1, 1, 1]} : vector<2x1000x4xf32> to vector<1x1000x4xf32>
    %squeeze3A_12 = vector.shape_cast %slice3A_11 : vector<1x1000x4xf32> to vector<1000x4xf32>
    %add3A_13 = arith.addf %squeeze3A_10, %squeeze3A_12 : vector<1000x4xf32>
    %add3A_14 = arith.constant 1.000000e-16 : f32
    %add3A_15 = vector.broadcast %add3A_14 : f32 to vector<1000x4xf32>
    %add3A_16 = arith.addf %add3A_13, %add3A_15 : vector<1000x4xf32>
    %slice3A_17 = vector.extract_strided_slice %add3A_16 {offsets = [0, 0], sizes = [1000, 1], strides = [1, 1]} : vector<1000x4xf32> to vector<1000x1xf32>
    %broadcast_in_dim3A = vector.shape_cast %slice3A_17 : vector<1000x1xf32> to vector<1000x1xf32>
    %broadcast_in_dim3A_18 = vector.broadcast %broadcast_in_dim3A : vector<1000x1xf32> to vector<1000x32xf32>
    %slice3A_19 = vector.extract_strided_slice %add3A_16 {offsets = [0, 1], sizes = [1000, 1], strides = [1, 1]} : vector<1000x4xf32> to vector<1000x1xf32>
    %broadcast_in_dim3A_20 = vector.shape_cast %slice3A_19 : vector<1000x1xf32> to vector<1000x1xf32>
    %broadcast_in_dim3A_21 = vector.broadcast %broadcast_in_dim3A_20 : vector<1000x1xf32> to vector<1000x32xf32>
    %slice3A_22 = vector.extract_strided_slice %add3A_16 {offsets = [0, 2], sizes = [1000, 1], strides = [1, 1]} : vector<1000x4xf32> to vector<1000x1xf32>
    %broadcast_in_dim3A_23 = vector.shape_cast %slice3A_22 : vector<1000x1xf32> to vector<1000x1xf32>
    %broadcast_in_dim3A_24 = vector.broadcast %broadcast_in_dim3A_23 : vector<1000x1xf32> to vector<1000x32xf32>
    %slice3A_25 = vector.extract_strided_slice %add3A_16 {offsets = [0, 3], sizes = [1000, 1], strides = [1, 1]} : vector<1000x4xf32> to vector<1000x1xf32>
    %broadcast_in_dim3A_26 = vector.shape_cast %slice3A_25 : vector<1000x1xf32> to vector<1000x1xf32>
    %broadcast_in_dim3A_27 = vector.broadcast %broadcast_in_dim3A_26 : vector<1000x1xf32> to vector<1000x32xf32>
    %concatenate3A = tpu.concatenate %broadcast_in_dim3A_18, %broadcast_in_dim3A_21, %broadcast_in_dim3A_24, %broadcast_in_dim3A_27 in 1 : vector<1000x32xf32>, vector<1000x32xf32>, vector<1000x32xf32>, vector<1000x32xf32> -> vector<1000x128xf32>
    %div3A = arith.divf %add3A, %concatenate3A : vector<1000x128xf32>
    %get3A_28 = arith.constant 0 : index
    %get3A_29 = arith.constant 0 : index
    %get3A_30 = arith.constant 0 : index
    %get3A_31 = vector.load %arg3[%get3A_28, %get3A_29, %get3A_30] : memref<2x1000x128xf32, #tpu.memory_space<vmem>>, vector<2x1000x128xf32>
    %get3A_32 = arith.constant 0 : index
    %get3A_33 = arith.constant 0 : index
    %get3A_34 = arith.constant 0 : index
    %get3A_35 = vector.load %arg4[%get3A_32, %get3A_33, %get3A_34] : memref<2x1000x4xf32, #tpu.memory_space<vmem>>, vector<2x1000x4xf32>
    %slice3A_36 = vector.extract_strided_slice %get3A_31 {offsets = [0, 0, 0], sizes = [1, 1000, 128], strides = [1, 1, 1]} : vector<2x1000x128xf32> to vector<1x1000x128xf32>
    %squeeze3A_37 = vector.shape_cast %slice3A_36 : vector<1x1000x128xf32> to vector<1000x128xf32>
    %slice3A_38 = vector.extract_strided_slice %get3A_31 {offsets = [1, 0, 0], sizes = [1, 1000, 128], strides = [1, 1, 1]} : vector<2x1000x128xf32> to vector<1x1000x128xf32>
    %squeeze3A_39 = vector.shape_cast %slice3A_38 : vector<1x1000x128xf32> to vector<1000x128xf32>
    %add3A_40 = arith.addf %squeeze3A_37, %squeeze3A_39 : vector<1000x128xf32>
    %slice3A_41 = vector.extract_strided_slice %get3A_35 {offsets = [0, 0, 0], sizes = [1, 1000, 4], strides = [1, 1, 1]} : vector<2x1000x4xf32> to vector<1x1000x4xf32>
    %squeeze3A_42 = vector.shape_cast %slice3A_41 : vector<1x1000x4xf32> to vector<1000x4xf32>
    %slice3A_43 = vector.extract_strided_slice %get3A_35 {offsets = [1, 0, 0], sizes = [1, 1000, 4], strides = [1, 1, 1]} : vector<2x1000x4xf32> to vector<1x1000x4xf32>
    %squeeze3A_44 = vector.shape_cast %slice3A_43 : vector<1x1000x4xf32> to vector<1000x4xf32>
    %add3A_45 = arith.addf %squeeze3A_42, %squeeze3A_44 : vector<1000x4xf32>
    %add3A_46 = arith.constant 1.000000e-16 : f32
    %add3A_47 = vector.broadcast %add3A_46 : f32 to vector<1000x4xf32>
    %add3A_48 = arith.addf %add3A_45, %add3A_47 : vector<1000x4xf32>
    %slice3A_49 = vector.extract_strided_slice %add3A_48 {offsets = [0, 0], sizes = [1000, 1], strides = [1, 1]} : vector<1000x4xf32> to vector<1000x1xf32>
    %broadcast_in_dim3A_50 = vector.shape_cast %slice3A_49 : vector<1000x1xf32> to vector<1000x1xf32>
    %broadcast_in_dim3A_51 = vector.broadcast %broadcast_in_dim3A_50 : vector<1000x1xf32> to vector<1000x32xf32>
    %slice3A_52 = vector.extract_strided_slice %add3A_48 {offsets = [0, 1], sizes = [1000, 1], strides = [1, 1]} : vector<1000x4xf32> to vector<1000x1xf32>
    %broadcast_in_dim3A_53 = vector.shape_cast %slice3A_52 : vector<1000x1xf32> to vector<1000x1xf32>
    %broadcast_in_dim3A_54 = vector.broadcast %broadcast_in_dim3A_53 : vector<1000x1xf32> to vector<1000x32xf32>
    %slice3A_55 = vector.extract_strided_slice %add3A_48 {offsets = [0, 2], sizes = [1000, 1], strides = [1, 1]} : vector<1000x4xf32> to vector<1000x1xf32>
    %broadcast_in_dim3A_56 = vector.shape_cast %slice3A_55 : vector<1000x1xf32> to vector<1000x1xf32>
    %broadcast_in_dim3A_57 = vector.broadcast %broadcast_in_dim3A_56 : vector<1000x1xf32> to vector<1000x32xf32>
    %slice3A_58 = vector.extract_strided_slice %add3A_48 {offsets = [0, 3], sizes = [1000, 1], strides = [1, 1]} : vector<1000x4xf32> to vector<1000x1xf32>
    %broadcast_in_dim3A_59 = vector.shape_cast %slice3A_58 : vector<1000x1xf32> to vector<1000x1xf32>
    %broadcast_in_dim3A_60 = vector.broadcast %broadcast_in_dim3A_59 : vector<1000x1xf32> to vector<1000x32xf32>
    %concatenate3A_61 = tpu.concatenate %broadcast_in_dim3A_51, %broadcast_in_dim3A_54, %broadcast_in_dim3A_57, %broadcast_in_dim3A_60 in 1 : vector<1000x32xf32>, vector<1000x32xf32>, vector<1000x32xf32>, vector<1000x32xf32> -> vector<1000x128xf32>
    %div3A_62 = arith.divf %add3A_40, %concatenate3A_61 : vector<1000x128xf32>
    %get3A_63 = arith.constant 0 : index
    %get3A_64 = arith.constant 0 : index
    %get3A_65 = vector.load %arg5[%get3A_63, %get3A_64] : memref<128x128xf32, #tpu.memory_space<vmem>>, vector<128x128xf32>
    %dot_general3A = arith.constant dense<0.000000e+00> : vector<1000x128xf32>
    %dot_general3A_66 = tpu.matmul %div3A, %get3A_65, %dot_general3A {dimension_numbers = #tpu.dot_dimension_numbers<[1], [0], [0], [1], [0, 0, 1, 1], [], []>, transpose_lhs_hint = false} : vector<1000x128xf32>, vector<128x128xf32>, vector<1000x128xf32> -> vector<1000x128xf32>
    %get3A_67 = arith.constant 0 : index
    %get3A_68 = arith.constant 0 : index
    %get3A_69 = vector.load %arg6[%get3A_67, %get3A_68] : memref<1x128xf32, #tpu.memory_space<vmem>>, vector<1x128xf32>
    %add3A_70 = vector.broadcast %get3A_69 : vector<1x128xf32> to vector<1000x128xf32>
    %add3A_71 = arith.addf %dot_general3A_66, %add3A_70 : vector<1000x128xf32>
    %swap3A = arith.constant 0 : index
    %swap3A_72 = arith.constant 0 : index
    %swap3A_73 = vector.load %arg9[%swap3A, %swap3A_72] : memref<1000x128xf32, #tpu.memory_space<vmem>>, vector<1000x128xf32>
    tpu.vector_store %arg9[%swap3A, %swap3A_72], %add3A_71 {strides = array<i32>} : memref<1000x128xf32, #tpu.memory_space<vmem>>, vector<1000x128xf32>,
    %get3A_74 = arith.constant 0 : index
    %get3A_75 = arith.constant 0 : index
    %get3A_76 = vector.load %arg7[%get3A_74, %get3A_75] : memref<128x128xf32, #tpu.memory_space<vmem>>, vector<128x128xf32>
    %dot_general3A_77 = arith.constant dense<0.000000e+00> : vector<1000x128xf32>
    %dot_general3A_78 = tpu.matmul %div3A_62, %get3A_76, %dot_general3A_77 {dimension_numbers = #tpu.dot_dimension_numbers<[1], [0], [0], [1], [0, 0, 1, 1], [], []>, transpose_lhs_hint = false} : vector<1000x128xf32>, vector<128x128xf32>, vector<1000x128xf32> -> vector<1000x128xf32>
    %get3A_79 = arith.constant 0 : index
    %get3A_80 = arith.constant 0 : index
    %get3A_81 = vector.load %arg8[%get3A_79, %get3A_80] : memref<1x128xf32, #tpu.memory_space<vmem>>, vector<1x128xf32>
    %add3A_82 = vector.broadcast %get3A_81 : vector<1x128xf32> to vector<1000x128xf32>
    %add3A_83 = arith.addf %dot_general3A_78, %add3A_82 : vector<1000x128xf32>
    %swap3A_84 = arith.constant 0 : index
    %swap3A_85 = arith.constant 0 : index
    %swap3A_86 = vector.load %arg10[%swap3A_84, %swap3A_85] : memref<1000x128xf32, #tpu.memory_space<vmem>>, vector<1000x128xf32>
    tpu.vector_store %arg10[%swap3A_84, %swap3A_85], %add3A_83 {strides = array<i32>} : memref<1000x128xf32, #tpu.memory_space<vmem>>, vector<1000x128xf32>,
    return
  }
  func.func @transform_0(%arg0: i32) -> (i32, i32, i32) {
    %c0_i32 = arith.constant 0 : i32
    %c0_i32_0 = arith.constant 0 : i32
    %c0_i32_1 = arith.constant 0 : i32
    return %c0_i32, %arg0, %c0_i32_0 : i32, i32, i32
  }
  func.func @transform_1(%arg0: i32) -> (i32, i32, i32) {
    %c0_i32 = arith.constant 0 : i32
    %c0_i32_0 = arith.constant 0 : i32
    %c0_i32_1 = arith.constant 0 : i32
    return %c0_i32, %arg0, %c0_i32_0 : i32, i32, i32
  }
  func.func @transform_2(%arg0: i32) -> (i32, i32, i32) {
    %c0_i32 = arith.constant 0 : i32
    %c0_i32_0 = arith.constant 0 : i32
    %c0_i32_1 = arith.constant 0 : i32
    return %c0_i32, %arg0, %c0_i32_0 : i32, i32, i32
  }
  func.func @transform_3(%arg0: i32) -> (i32, i32, i32) {
    %c0_i32 = arith.constant 0 : i32
    %c0_i32_0 = arith.constant 0 : i32
    %c0_i32_1 = arith.constant 0 : i32
    return %c0_i32, %arg0, %c0_i32_0 : i32, i32, i32
  }
  func.func @transform_4(%arg0: i32) -> (i32, i32) {
    %c0_i32 = arith.constant 0 : i32
    %c0_i32_0 = arith.constant 0 : i32
    %c0_i32_1 = arith.constant 0 : i32
    return %c0_i32, %c0_i32_0 : i32, i32
  }
  func.func @transform_5(%arg0: i32) -> (i32, i32) {
    %c0_i32 = arith.constant 0 : i32
    %c0_i32_0 = arith.constant 0 : i32
    %c0_i32_1 = arith.constant 0 : i32
    return %c0_i32, %c0_i32_0 : i32, i32
  }
  func.func @transform_6(%arg0: i32) -> (i32, i32) {
    %c0_i32 = arith.constant 0 : i32
    %c0_i32_0 = arith.constant 0 : i32
    %c0_i32_1 = arith.constant 0 : i32
    return %c0_i32, %c0_i32_0 : i32, i32
  }
  func.func @transform_7(%arg0: i32) -> (i32, i32) {
    %c0_i32 = arith.constant 0 : i32
    %c0_i32_0 = arith.constant 0 : i32
    %c0_i32_1 = arith.constant 0 : i32
    return %c0_i32, %c0_i32_0 : i32, i32
  }
  func.func @transform_8(%arg0: i32) -> (i32, i32) {
    %c0_i32 = arith.constant 0 : i32
    %c0_i32_0 = arith.constant 0 : i32
    return %arg0, %c0_i32 : i32, i32
  }
  func.func @transform_9(%arg0: i32) -> (i32, i32) {
    %c0_i32 = arith.constant 0 : i32
    %c0_i32_0 = arith.constant 0 : i32
    return %arg0, %c0_i32 : i32, i32
  }
}

</mosaic_0001>

<sc_bundles>
// kernel: kernel.10.cloned.1.call-start
scs
__scs_entry_jumppad:
0x0: {  	(pc) =	sbr.rel $0x88, $3  }
0x1: {  	(tag) =	ssettag $0x0;
	lr =	simm.s32 $0x1  }
0x2: {  	[smem:$0x3F87] =	sst lr;
	_ =	strace $0xD0000000  }
0x3: {  	_ = 	snop  }
0x4: {  	_ = 	snop  }
0x5: {  	_ = 	snop  }
0x6: {  	_ = 	snop  }
0x7: {  	_ = 	snop  }
__scs_overlays_trampoline_lowered:
0x8: {  	[smem:$0x3F96] =	sst s0  }
0x9: {  	[smem:$0x3F97] =	sst s1  }
0xa: {  	[smem:$0x3F98] =	sst s2  }
0xb: {  	[smem:$0x3F99] =	sst s3  }
0xc: {  	[smem:$0x3F9A] =	sst s4  }
0xd: {  	[smem:$0x3F9B] =	sst s5  }
0xe: {  	[smem:$0x3F9C] =	sst s6  }
0xf: {  	[smem:$0x3F9D] =	sst s7  }
0x10: {  	[smem:$0x3F9E] =	sst s8  }
0x11: {  	[smem:$0x3F9F] =	sst s9;
	s0 =	simm.s32 @!p0 $0x0  }
0x12: {  	s1 =	sld [smem:$0x3F85];
	s0 =	simm.s32 @p0 $0x1  }
0x13: {  	[smem:$0x3FA0] =	sst s0;
	s0 =	simm.s32 @!p1 $0x0  }
0x14: {  	s2 =	sld [smem:$0x3F84];
	s0 =	simm.s32 @p1 $0x1  }
0x15: {  	[smem:$0x3FA1] =	sst s0;
	s0 =	simm.s32 @!p2 $0x0  }
0x16: {  	s3 =	sld [smem:$0x3FDB];
	s0 =	simm.s32 @p2 $0x1  }
0x17: {  	s4 =	simm.s32 $0x1BF5;
	[smem:$0x3FA3] =	sst s0  }
0x18: {  	s0 =	sld [smem:$0x3F86];
	_ =	swait.ge [sflag:s4], $0x0  }
0x19: {  	s7 =	sld [smem:$0x3F87]  }
0x1a: {  	s8 =	sadd.s32 $0xFFFFE003, lr  }
0x1b: {  	s9 =	sadd.s32 $0xFFFFFEF7, lr;
	s5 =	simm.s32 $0xFFFFFFFF;
	p2 =	slt.u32 s8, $0xFFFFF086  }
0x1c: {  	p1 =	slt.u32 s9, $0xF7A;
	s5 =	simm.s32 @!p2 $0x0  }
0x1d: {  	s5 =	simm.s32 @p1 $0x1;
	p0 =	seq.s32 s7, s2  }
0x1e: {  	s7 =	smul.u32 @!p0 $0xF7A, s2;
	p2 =	seq.s32 @!p0 s5, $0x0  }
0x1f: {  	s9 =	smul.u32 $0xF7A, s1;
	s8 =	simm.s32 @!p0 $0x1BF5;
	p2 =	por !p2, p0  }
0x20: {  	[sflag:s8] =	ssyncset.s32 @!p0 $0xFFFFF086;
	s6 =	sadd.s32 @!p0 s3, s7;
	s7 =	simm.s32 @!p0 $0x108  }
0x21: {  	s3 =	sadd.s32 s3, s9;
	s6 =	sadd.s32 @!p0 $0x88, s6;
	s7 =	simm.s32 @p2 $0x1082  }
0x22: {  	[simem:s7], [sflag:s8] =	dma.local @!p0 [hbm:s6], $0xF7A  }
0x23: {  	s9 =	sor.u32 $0xD0000000, s2;
	s6 =	simm.s32 $0x108;
	_ =	swait.ge @!p0 [sflag:s8], $0x0  }
0x24: {  	s3 =	sadd.s32 $0x88, s3;
	s6 =	simm.s32 @!p1 $0x1082;
	[sflag:s4] =	ssyncset.s32 $0xFFFFF086  }
0x25: {  	[simem:s6], [sflag:s4] =	dma.local [hbm:s3], $0xF7A  }
0x26: {  	[smem:$0x3F87] =	sst s1;
	(tag) =	ssettag s2;
	_ =	strace s9  }
0x27: {  	s1 =	sld [smem:$0x3F97]  }
0x28: {  	s2 =	sld [smem:$0x3F98]  }
0x29: {  	s4 =	sld [smem:$0x3F9A]  }
0x2a: {  	p0 =	seq.s32 s5, $0x0;
	s5 =	sld [smem:$0x3F9B]  }
0x2b: {  	s6 =	sld [smem:$0x3F9C]  }
0x2c: {  	s7 =	sld [smem:$0x3F9D]  }
0x2d: {  	s3 =	simm.s32 $0x108;
	s8 =	sld [smem:$0x3F9E]  }
0x2e: {  	s3 =	simm.s32 @!p0 $0x1082;
	s9 =	sld [smem:$0x3F9F]  }
0x2f: {  	lr =	sadd.s32 s0, s3;
	s0 =	sld [smem:$0x3F96]  }
0x30: {  	s3 =	sld [smem:$0x3F99]  }
0x31: {  	[smem:$0x3FA2] =	sst s10  }
0x32: {  	s10 =	sld [smem:$0x3FA0];
	_ =	sdelay $0x3  }
0x33: {  	p0 =	seq.s32 s10, $0x1;
	s10 =	sld [smem:$0x3FA2];
	_ =	sdelay $0x3  }
0x34: {  	[smem:$0x3FA2] =	sst s10  }
0x35: {  	s10 =	sld [smem:$0x3FA1];
	_ =	sdelay $0x3  }
0x36: {  	p1 =	seq.s32 s10, $0x1;
	s10 =	sld [smem:$0x3FA2];
	_ =	sdelay $0x3  }
0x37: {  	[smem:$0x3FA2] =	sst s10  }
0x38: {  	s10 =	sld [smem:$0x3FA3]  }
0x39: {  	_ = 	snop;
	(pc) =	sbr.ind lr, $3  }
0x3a: {  	_ = 	snop  }
0x3b: {  	_ = 	snop  }
0x3c: {  	p2 =	seq.s32 s10, $0x1;
	s10 =	sld [smem:$0x3FA2]  }
0x3d: {  	_ =	shalt  }
0x3e: {  	_ =	shalt  }
0x3f: {  	_ =	shalt  }
0x40: {  	_ =	shalt  }
0x41: {  	_ =	shalt  }
0x42: {  	_ =	shalt  }
0x43: {  	_ =	shalt  }
0x44: {  	_ =	shalt  }
0x45: {  	_ =	shalt  }
0x46: {  	_ =	shalt  }
0x47: {  	_ =	shalt  }
0x48: {  	_ =	shalt  }
0x49: {  	_ =	shalt  }
0x4a: {  	_ =	shalt  }
0x4b: {  	_ =	shalt  }
0x4c: {  	_ =	shalt  }
0x4d: {  	_ =	shalt  }
0x4e: {  	_ =	shalt  }
0x4f: {  	_ =	shalt  }
0x50: {  	_ =	shalt  }
0x51: {  	_ =	shalt  }
0x52: {  	_ =	shalt  }
0x53: {  	_ =	shalt  }
0x54: {  	_ =	shalt  }
0x55: {  	_ =	shalt  }
0x56: {  	_ =	shalt  }
0x57: {  	_ =	shalt  }
0x58: {  	_ =	shalt  }
0x59: {  	_ =	shalt  }
0x5a: {  	_ =	shalt  }
0x5b: {  	_ =	shalt  }
0x5c: {  	_ =	shalt  }
0x5d: {  	_ =	shalt  }
0x5e: {  	_ =	shalt  }
0x5f: {  	_ =	shalt  }
0x60: {  	_ =	shalt  }
0x61: {  	_ =	shalt  }
0x62: {  	_ =	shalt  }
0x63: {  	_ =	shalt  }
0x64: {  	_ =	shalt  }
0x65: {  	_ =	shalt  }
0x66: {  	_ =	shalt  }
0x67: {  	_ =	shalt  }
0x68: {  	_ =	shalt  }
0x69: {  	_ =	shalt  }
0x6a: {  	_ =	shalt  }
0x6b: {  	_ =	shalt  }
0x6c: {  	_ =	shalt  }
0x6d: {  	_ =	shalt  }
0x6e: {  	_ =	shalt  }
0x6f: {  	_ =	shalt  }
0x70: {  	_ =	shalt  }
0x71: {  	_ =	shalt  }
0x72: {  	_ =	shalt  }
0x73: {  	_ =	shalt  }
0x74: {  	_ =	shalt  }
0x75: {  	_ =	shalt  }
0x76: {  	_ =	shalt  }
0x77: {  	_ =	shalt  }
0x78: {  	_ =	shalt  }
0x79: {  	_ =	shalt  }
0x7a: {  	_ =	shalt  }
0x7b: {  	_ =	shalt  }
0x7c: {  	_ =	shalt  }
0x7d: {  	_ =	shalt  }
0x7e: {  	_ =	shalt  }
0x7f: {  	_ =	shalt  }
0x80: {  	_ =	shalt  }
0x81: {  	_ =	shalt  }
0x82: {  	_ =	shalt  }
0x83: {  	_ =	shalt  }
0x84: {  	_ =	shalt  }
0x85: {  	_ =	shalt  }
0x86: {  	_ =	shalt  }
0x87: {  	_ =	shalt  }
.Lfunc_end0:
.L_simem_size_0:
called_computation.1_lowered:
.L_overlay_start_0:
0x88: {  	s2 =	sld [smem:$0x3FD9]  }
0x89: {  	s3 =	sld [smem:$0x3FFE];
	_ =	sdelay $0x1  }
0x8a: {  	s1 =	srdreg.scid  }
0x8b: {  	s0 =	sand.u32 $0x1, s1  }
0x8c: {  	s15 =	sshll.u32 s0, $0xA;
	s2 =	sadd.s32 s3, s2  }
0x8d: {  	s2 =	sadd.s32 s2, s15  }
0x8e: {  	[smem:$0x3FAE] =	sst s2  }
0x8f: {  	_ = 	snop  }
0x90: {  	s2 =	sld [smem:$0x3FD0];
	_ =	sdelay $0x2  }
0x91: {  	s4 =	simm.s32 $0xB;
	s16 =	simm.s32 $0x10  }
0x92: {  	[smem:s16], [sflag:s4] =	dma.local [hbm:s2], $0x1  }
0x93: {  	_ =	swait.eq [sflag:s4], $0x1  }
0x94: {  	[sflag:s4] =	ssyncset.done $0x0  }
0x95: {  	s17 =	sld [smem:$0x10];
	[sflag:s4] =	ssyncadd.s32 $0xFFFFFFFF  }
0x96: {  	s18 =	sld [smem:$0x11];
	(tm) =	ssettm $0x1  }
0x97: {  	s19 =	sld [smem:$0x3FFB];
	_ =	sdelay $0x3  }
0x98: {  	_ =	strace s19  }
0x99: {  	s2 =	sld [smem:$0x3FFC];
	_ =	sdelay $0x3  }
0x9a: {  	_ =	strace s2  }
0x9b: {  	s2 =	sld [smem:$0x3FFD];
	_ =	sdelay $0x3  }
0x9c: {  	_ =	strace s2  }
0x9d: {  	_ =	strace $0x8FFFFFFF  }
0x9e: {  	s20 =	sld [smem:$0x3FDB];
	_ =	sdelay $0x1  }
0x9f: {  	s5 =	simm.s32 $_scs_section_size  }
0xa0: {  	s6 =	simm.s32 $_size__tile_overlayer_lowered;
	s7 =	simm.s32 $_tile_overlayer_lowered  }
0xa1: {  	s8 =	simm.s32 $0x1BFF;
	s21 =	sshll.u32 s7, $0x1;
	s5 =	sadd.s32 s5, s20  }
0xa2: {  	s22 =	simm.s32 $0x0;
	s6 =	sshll.u32 s6, $0x1;
	s7 =	sadd.s32 s21, s5  }
0xa3: {  	[timem:s22], [sflag:s8] =	dma.local [hbm:s7], s6  }
0xa4: {  	_ =	swait.ge [sflag:s8], s6  }
0xa5: {  	s6 =	ssub.s32 $0x0, s6;
	[sflag:s8] =	ssyncset.done $0x0  }
0xa6: {  	[sflag:s8] =	ssyncadd.s32 s6;
	_ =	sdelay $0x1  }
0xa7: {  	s23 =	simm.s32 $0x1B8B  }
0xa8: {  	_ =	swait.ge [sflag:s23], $0x1  }
0xa9: {  	[sflag:s23] =	ssyncset.done $0x0  }
0xaa: {  	[sflag:s23] =	ssyncadd.s32 $0xFFFFFFFF  }
0xab: {  	s6 =	sld [smem:$0x0]  }
0xac: {  	s7 =	sand.u32 $0xFFFFFFFE, s1  }
0xad: {  	p0 =	sne.s32 s1, s7  }
0xae: {  	s7 =	sshll.u32 @p0 s7, $0xE  }
0xaf: {  	s7 =	sadd.s32 @p0 $0x11B8D, s7;
	s8 =	sshll.u32 @p0 s6, $0x11  }
0xb0: {  	s7 =	sor.u32 @p0 s8, s7  }
0xb1: {  	[sflag:s7] =	ssyncadd.remote.s32 @p0 $0x1;
	_ =	sdelay $0x1  }
0xb2: {  	s7 =	simm.s32 @p0 $0x1B8D  }
0xb3: {  	_ =	swait.eq @p0 [sflag:s7], $0x1  }
0xb4: {  	[sflag:s7] =	ssyncadd.s32 @p0 $0xFFFFFFFF  }
0xb5: {  	s8 =	sshll.u32 @!p0 s1, $0xE  }
0xb6: {  	s8 =	sor.u32 @!p0 $0x4000, s8;
	s7 =	simm.s32 @!p0 $0x1B8D  }
0xb7: {  	s6 =	sshll.u32 @!p0 s6, $0x11;
	s8 =	sadd.s32 @!p0 $0x11B8D, s8;
	_ =	swait.eq @!p0 [sflag:s7], $0x1  }
0xb8: {  	s6 =	sor.u32 @!p0 s6, s8;
	[sflag:s7] =	ssyncadd.s32 @!p0 $0xFFFFFFFF  }
0xb9: {  	s25 =	simm.s32 $0x1B8E;
	s24 =	sld [smem:$0x3FFE];
	[sflag:s6] =	ssyncadd.remote.s32 @!p0 $0x1  }
0xba: {  	s26 =	simm.s32 $execute0_lowered;
	[smem:$0x3FD2] =	sst s25  }
0xbb: {  	s7 =	sshll.u32 s26, $0x1;
	_ =	strace $0x80000049;
	[dreg:$0x1] =	wrdreg $0xFFFFFFFF  }
0xbc: {  	s28 =	simm.s32 $_size_execute0_lowered;
	s5 =	sadd.s32 s5, s7;
	[dreg:$0x0] =	wrdreg $0x0  }
0xbd: {  	s7 =	sshll.u32 s28, $0x1;
	[dreg:$0x2] =	wrdreg s5  }
0xbe: {  	[dreg:$0x3] =	wrdreg s7  }
0xbf: {  	[dreg:$0x4] =	wrdreg $0xC0  }
0xc0: {  	_ =	task [dreg:s22], $0x5FFFF  }
0xc1: {  	[dreg:$0x1] =	wrdreg $0xFFFFFFFF  }
0xc2: {  	[dreg:$0x0] =	wrdreg $0x60  }
0xc3: {  	[dreg:$0x2] =	wrdreg s18  }
0xc4: {  	[dreg:$0x3] =	wrdreg s17  }
0xc5: {  	[dreg:$0x4] =	wrdreg s24  }
0xc6: {  	[dreg:$0x5] =	wrdreg $0xAA800  }
0xc7: {  	[dreg:$0x6] =	wrdreg $0xA  }
0xc8: {  	_ =	task.clear_ibuf [dreg:s22], $0x7FFFF;
	_ =	strace $0x90000049  }
0xc9: {  	s29 =	simm.s32 $0xA;
	_ =	strace $0x8000004B  }
0xca: {  	_ =	swait.ge [sflag:s29], $0x1  }
0xcb: {  	[sflag:s29] =	ssyncadd.s32 $0xFFFFFFFF  }
0xcc: {  	_ =	strace $0x9000004B  }
0xcd: {  	_ =	sfence  }
0xce: {  	s30 =	sld [smem:$0x0];
	_ =	sdelay $0x2  }
0xcf: {  	s31 =	sshll.u32 s1, $0xD;
	s1 =	sshrl.u32 s1, $0x2  }
0xd0: {  	s4 =	sand.u32 $0x4000, s31;
	s1 =	sadd.s32 s1, s30  }
0xd1: {  	s0 =	sor.u32 s4, s0;
	s1 =	sshll.u32 s1, $0x11  }
0xd2: {  	s0 =	sor.u32 s1, s0  }
0xd3: {  	s0 =	sadd.s32 $0x8F2B, s0  }
0xd4: {  	[sflag:s0] =	ssyncadd.remote.s32 $0x1  }
0xd5: {  	_ =	sfence.sel $0xFFFF  }
0xd6: {  	[dreg:$0x0] =	wrdreg $0xFFFFFFFF;
	(pc) =	sbr.abs _section_cstart, $3  }
0xd7: {  	[dreg:$0x1] =	wrdreg $0xFFFFFFFF  }
0xd8: {  	_ =	task.clear_ibuf [dreg:s22], $0x2FFFF;
	_ =	strace $0x9FFFFFFF  }
0xd9: {  	(tm) =	ssettm $0x7FFFFFFF  }
tec
execute0_lowered:
.L_overlay_start_1:
0x0: {  	(tag) =	ssettag $0x1  }
0x1: {  	s2 =	rddreg [dreg:$0x1]  }
0x2: {  	s0 =	rddreg [dreg:$0x2]  }
0x3: {  	s3 =	rddreg [dreg:$0x3];
	s1 =	srdreg.scid  }
0x4: {  	s5 =	simm.s32 $0x0;
	s14 =	stileid.u32;
	s28 =	simm.s32 $0x2  }
0x5: {  	s29 =	simm.s32 $0x3;
	s30 =	simm.s32 $0x8000;
	s31 =	simm.s32 $0x40  }
0x6: {  	s1 =	sand.u32 $0x1, s1;
	[smem:$0x7FF] =	sst s5;
	s17 =	smul.u32 $0x14000, s14  }
0x7: {  	s6 =	sadd.s32 $0x12C00, s0;
	s7 =	sadd.s32 $0xB5400, s0;
	s8 =	sadd.s32 $0xBF600, s0  }
0x8: {  	s9 =	sadd.s32 $0xBA600, s0;
	s10 =	sadd.s32 $0xB5600, s0;
	s12 =	smul.u32 $0x54000, s14  }
0x9: {  	s19 =	sshll.u32 s14, $0x9;
	s20 =	sshll.u32 s14, $0x1;
	s13 =	smul.u32 $0x50000, s14  }
0xa: {  	v0 =	vimm.s32 $0x76543210;
	s22 =	sshll.u32 s14, $0xC;
	s4 =	smul.u32 $0x140000, s1;
	_ =	strace $0x8000004A  }
0xb: {  	v1 =	vimm.s32 $0xFEDCBA98;
	v2 =	vimm.s32 $0xBA98FEDC;
	v3 =	vimm.s32 $0x32107654;
	[dreg:$0x5] =	wrdreg s7;
	s18 =	ssub.s32 $0x2, s1;
	s7 =	sor.u32 s1, s20  }
0xc: {  	v4 =	vimm.s32 $0xDCFE98BA;
	v5 =	vimm.s32 $0x54761032;
	s1 =	sshll.u32 s1, $0xD;
	s23 =	sadd.s32 s22, s3;
	s20 =	simm.s32 $0xA080  }
0xd: {  	v6 =	vimm.s32 $0xEFCDAB89;
	v7 =	vimm.s32 $0x67452301;
	s22 =	simm.s32 $0x2000;
	s11 =	sshrl.u32 s18, $0x1;
	s12 =	sshrl.u32 s12, $0x2  }
0xe: {  	vm0 =	vmmov $0x1;
	vm1 =	vcmask $0x310;
	vm2 =	vcmask $0x710;
	s21 =	sshrl.u32 s13, $0x2;
	s24 =	sadd.s32 $0x140000, s23;
	s23 =	simm.s32 $0x4000  }
0xf: {  	v0 =	vunpack.c.l.s4.s8 v0;
	v1 =	vunpack.c.l.s4.s8 v1;
	v2 =	vunpack.c.l.s4.s8 v2;
	s4 =	sadd.s32 s17, s4;
	s5 =	ssub.s32 s18, s11;
	s11 =	smul.u32 $0x1400, s7  }
0x10: {  	v3 =	vunpack.c.l.s4.s8 v3;
	v4 =	vunpack.c.l.s4.s8 v4;
	v5 =	vunpack.c.l.s4.s8 v5;
	s12 =	sadd.s32 s12, s3;
	s17 =	simm.s32 $0x4;
	s18 =	simm.s32 $0xA280  }
0x11: {  	v6 =	vunpack.c.l.s4.s8 v6;
	v7 =	vunpack.c.l.s4.s8 v7;
	v2 =	vunpack.c.0.s8.s32 v2;
	s4 =	sshrl.u32 s4, $0x3;
	s25 =	smax.u32 s5, $0x1;
	s5 =	simm.s32 $0xA180  }
0x12: {  	v3 =	vunpack.c.0.s8.s32 v3;
	v4 =	vunpack.c.0.s8.s32 v4;
	v5 =	vunpack.c.0.s8.s32 v5;
	s4 =	sadd.s32 s4, s0;
	s0 =	sadd.s32 s19, s0;
	[dreg:$0x8] =	wrdreg s25  }
0x13: {  	v1 =	vunpack.c.0.s8.s32 v1;
	v6 =	vunpack.c.0.s8.s32 v6;
	v7 =	vunpack.c.0.s8.s32 v7;
	s19 =	simm.s32 $0xA000;
	s4 =	sadd.s32 $0xC8600, s4;
	s0 =	sadd.s32 s1, s0  }
0x14: {  	v2 =	vcombine.low v3, v2;
	v3 =	vcombine.low v5, v4;
	v4 =	vunpack.c.0.s8.s32 v0;
	[dreg:$0x6] =	wrdreg s4;
	s4 =	sadd.s32 s21, s3;
	s0 =	sadd.s32 $0xC4600, s0  }
0x15: {  	vm3 =	vcmask $0xB10;
	v5 =	vcombine.low v7, v6;
	v1 =	vand.u32 $0xF, v1;
	s21 =	simm.s32 $0xA100;
	[dreg:$0x7] =	wrdreg s0;
	s26 =	sshrl.u32 s4, $0x3  }
0x16: {  	v0 =	vimm.f32 $0.0e+00;
	v1 =	vcombine.low v1, v4;
	v2 =	vand.u32 $0xF, v2;
	s0 =	sshrl.u32 s24, $0x3;
	s4 =	simm.s32 $0x0;
	[dreg:$0x9] =	wrdreg s26  }
0x17: {  	v3 =	vand.u32 $0xF, v3;
	v4 =	vand.u32 $0xF, v5;
	v5 =	vlaneseq.u32;
	[dreg:$0xa] =	wrdreg s0;
	s26 =	simm.s32 $0x1;
	s0 =	simm.s32 $0x6000  }
.LBB2_1:
0x18: {  	[dreg:$0xb] =	wrdreg s4  }
0x19: {  	s1 =	simm.s32 $0x0;
	s25 =	rddreg [dreg:$0x5];
	s7 =	simm.s32 $0xA200  }
0x1a: {  	[tilespmem:s7], [sflag:$0x4] =	stream.linear.gather [hbm4b:s25+s1], $0x80, $0x38;
	[tilespmem:$0x1FA80] =	vst v63  }
0x1b: {  	_ =	swait.ge [sflag:s17], $0x80  }
0x1c: {  	[sflag:s17] =	ssyncset.done $0x0  }
0x1d: {  	s4 =	simm.s32 $0x200;
	s1 =	simm.s32 $0x0;
	[sflag:s17] =	ssyncadd.s32 $0xFFFFFF80  }
.LBB2_2:
0x1e: {  	p0 =	sne.s32 s4, $0x1E00;
	[tilespmem:s1+$0xA2F0] =	vst v0  }
0x1f: {  	[tilespmem:s1+$0xA280] =	vst v0  }
0x20: {  	[tilespmem:s1+$0xA290] =	vst v0  }
.Ltmp0:
0x21: {  	[tilespmem:s1+$0xA2A0] =	vst v0;
	(pc) =	sbr.rel @p0 .LBB2_2-.Ltmp0, $4  }
0x22: {  	[tilespmem:s1+$0xA2B0] =	vst v0  }
0x23: {  	[tilespmem:s1+$0xA2C0] =	vst v0  }
0x24: {  	[tilespmem:s1+$0xA2D0] =	vst v0  }
0x25: {  	[tilespmem:s1+$0xA2E0] =	vst v0;
	s1 =	sshra.s32 s4, $0x2;
	s4 =	sadd.s32 $0x200, s4  }
0x26: {  	[tilespmem:s1+$0xA2F0] =	vst v0  }
0x27: {  	[tilespmem:s1+$0xA280] =	vst v0  }
0x28: {  	[tilespmem:s1+$0xA290] =	vst v0  }
0x29: {  	[tilespmem:s1+$0xA2A0] =	vst v0  }
0x2a: {  	[tilespmem:s1+$0xA2B0] =	vst v0  }
0x2b: {  	[tilespmem:s1+$0xA2C0] =	vst v0  }
0x2c: {  	[tilespmem:s1+$0xA2D0] =	vst v0  }
0x2d: {  	[tilespmem:s1+$0xA2E0] =	vst v0;
	s25 =	sadd.s32 $0x0, s12  }
0x2e: {  	[spmem:s25] =	stream.linear.scatter [tilespmem:s18], [sflag:$0x4], $0x800, $0x38;
	[tilespmem:$0x1FA80] =	vst v63  }
0x2f: {  	s1 =	simm.s32 $0x2000;
	_ =	swait.ge [sflag:s17], $0x800  }
.LBB2_4:
0x30: {  	s4 =	sshra.s32 s1, $0x2;
	[sflag:s17] =	ssyncset.done $0x0;
	p0 =	sne.s32 s1, $0x52000  }
.Ltmp1:
0x31: {  	s4 =	sadd.s32 s4, s12;
	[sflag:s17] =	ssyncadd.s32 $0xFFFFF800;
	(pc) =	sbr.rel @p0 .LBB2_4-.Ltmp1, $3  }
0x32: {  	[spmem:s4] =	stream.linear.scatter [tilespmem:s18], [sflag:$0x4], $0x800, $0x38;
	[tilespmem:$0x1FA80] =	vst v63  }
0x33: {  	s1 =	sadd.s32 $0x2000, s1;
	_ =	sdelay $0x1  }
0x34: {  	_ =	swait.ge [sflag:s17], $0x800  }
0x35: {  	[sflag:s17] =	ssyncset.done $0x0  }
0x36: {  	[sflag:s17] =	ssyncadd.s32 $0xFFFFF800  }
0x37: {  	s4 =	simm.s32 $0x0;
	s7 =	simm.s32 $0x0;
	[bflag:$0x0] =	sbarrier.arrive $0xFFFF  }
.LBB2_6:
0x38: {  	s1 =	sshll.u32 s7, $0x6  }
0x39: {  	s1 =	sadd.s32 s11, s1  }
0x3a: {  	s1 =	sshrl.u32 s1, $0x3  }
0x3b: {  	s13 =	sadd.s32 s8, s1  }
0x3c: {  	[tilespmem:s19], [sflag:$0x4] =	stream.linear.gather [hbm4b:s13+s4], $0x40, $0x38;
	[tilespmem:$0x1FA80] =	vst v63  }
0x3d: {  	_ =	swait.ge [sflag:s17], $0x40  }
0x3e: {  	[sflag:s17] =	ssyncset.done $0x0  }
0x3f: {  	s16 =	sadd.s32 s9, s1;
	[sflag:s17] =	ssyncadd.s32 $0xFFFFFFC0  }
0x40: {  	[tilespmem:s20], [sflag:$0x4] =	stream.linear.gather [hbm4b:s16+s4], $0x40, $0x38;
	[tilespmem:$0x1FA80] =	vst v63  }
0x41: {  	_ =	swait.ge [sflag:s17], $0x40  }
0x42: {  	[sflag:s17] =	ssyncset.done $0x0  }
0x43: {  	s1 =	sadd.s32 s10, s1;
	[sflag:s17] =	ssyncadd.s32 $0xFFFFFFC0  }
0x44: {  	[tilespmem:s21], [sflag:$0x4] =	stream.linear.gather [hbm4b:s1+s4], $0x40, $0x38;
	[tilespmem:$0x1FA80] =	vst v63  }
0x45: {  	_ =	swait.ge [sflag:s17], $0x40  }
0x46: {  	[sflag:s17] =	ssyncset.done $0x0  }
0x47: {  	[sflag:s17] =	ssyncadd.s32 $0xFFFFFFC0  }
0x48: {  	s13 =	simm.s32 $0x40;
	s24 =	rddreg [dreg:$0x0]  }
0x49: {  	[tilespmem:s4], [sflag:$0x1] =	stream.indirect.gather [hbm4b:s24+s13], $0x80, s19, s13, $0xb8;
	[tilespmem:$0x1FA80] =	vst v63  }
0x4a: {  	_ = 	snop  }
0x4b: {  	[tilespmem:s22], [sflag:$0x2] =	stream.indirect.gather [hbm4b:s2+s13], $0x80, s20, s13, $0xb8;
	[tilespmem:$0x1FA80] =	vst v63  }
0x4c: {  	_ = 	snop  }
0x4d: {  	[tilespmem:s23], [sflag:$0x3] =	stream.indirect.gather [hbm4b:s6+s13], $0x80, s21, s13, $0xb8;
	[tilespmem:$0x1FA80] =	vst v63  }
0x4e: {  	v6 =	vld [tilespmem:$0xA080]  }
0x4f: {  	v7 =	vld [tilespmem:$0xA090]  }
0x50: {  	v8 =	vld [tilespmem:$0xA0A0]  }
0x51: {  	v9 =	vld [tilespmem:$0xA0B0];
	_ =	sdelay $0x1  }
0x52: {  	v6 =	vshrl.u32 v6, $0x5  }
0x53: {  	v7 =	vshrl.u32 v7, $0x5;
	v6 =	vadd.s32 $0x2800, v6  }
0x54: {  	[tilespmem:$0xA180] =	vst v6;
	v6 =	vadd.s32 $0x2800, v7;
	v7 =	vshrl.u32 v8, $0x5  }
0x55: {  	[tilespmem:$0xA190] =	vst v6;
	v6 =	vadd.s32 $0x2800, v7;
	v7 =	vshrl.u32 v9, $0x5  }
0x56: {  	[tilespmem:$0xA1A0] =	vst v6;
	v6 =	vadd.s32 $0x2800, v7  }
0x57: {  	[tilespmem:$0xA1B0] =	vst v6  }
0x58: {  	_ =	swait.ge [sflag:s26], $0x2000  }
0x59: {  	[sflag:s26] =	ssyncset.done $0x0  }
0x5a: {  	[sflag:s26] =	ssyncadd.s32 $0xFFFFE000  }
0x5b: {  	_ =	swait.ge [sflag:s28], $0x2000  }
0x5c: {  	[sflag:s28] =	ssyncset.done $0x0  }
0x5d: {  	[sflag:s28] =	ssyncadd.s32 $0xFFFFE000  }
0x5e: {  	_ =	swait.ge [sflag:s29], $0x2000  }
0x5f: {  	[sflag:s29] =	ssyncset.done $0x0  }
0x60: {  	s14 =	simm.s32 $0x2040;
	[sflag:s29] =	ssyncadd.s32 $0xFFFFE000  }
0x61: {  	v6 =	vld [tilespmem:s14+$0xFFFFFFD0]  }
0x62: {  	v7 =	vld [tilespmem:s14+$0x30]  }
0x63: {  	v8 =	vld [tilespmem:s14+$0x20]  }
0x64: {  	v48 =	vld [tilespmem:s13+$0x30]  }
0x65: {  	v10 =	vld [tilespmem:$0xA220]  }
0x66: {  	v11 =	vld [tilespmem:s14+$0xFFFFFFC0]  }
0x67: {  	v12 =	vld [tilespmem:s14+$0x10]  }
0x68: {  	v13 =	vld [tilespmem:s13+$0x10]  }
0x69: {  	v14 =	vld [tilespmem:$0xA210]  }
0x6a: {  	v16 =	vld [tilespmem:s14+$0xFFFFFFF0]  }
0x6b: {  	v17 =	vld [tilespmem:s14+$0xFFFFFFE0]  }
0x6c: {  	v18 =	vld [tilespmem:s13+$0xFFFFFFC0]  }
0x6d: {  	v19 =	vld [tilespmem:s13+$0xFFFFFFD0]  }
0x6e: {  	v21 =	vld [tilespmem:s13+$0xFFFFFFF0]  }
0x6f: {  	v26 =	vld [tilespmem:s13+$0xFFFFFFE0]  }
0x70: {  	v49 =	vld [tilespmem:s14+$0x0]  }
0x71: {  	s15 =	simm.s32 $0x4040;
	v29 =	vld [tilespmem:s13+$0x0]  }
0x72: {  	v20 =	vld [tilespmem:s15+$0xFFFFFFC0]  }
0x73: {  	v22 =	vld [tilespmem:s15+$0xFFFFFFD0];
	v23 =	vmul.f32 v7, v48;
	v25 =	vmul.f32 v12, v13  }
0x74: {  	v24 =	vld [tilespmem:s15+$0xFFFFFFF0];
	v27 =	vadd.f32 v11, v18;
	v11 =	vmul.f32 v11, v18;
	v28 =	vadd.f32 v6, v19  }
0x75: {  	v15 =	vld [tilespmem:$0xA200];
	v6 =	vmul.f32 v6, v19;
	v52 =	vadd.f32 v16, v21;
	v16 =	vmul.f32 v16, v21  }
0x76: {  	v51 =	vld [tilespmem:s15+$0xFFFFFFE0];
	v55 =	vadd.f32 v17, v26;
	v17 =	vmul.f32 v17, v26;
	v18 =	vmul.f32 v49, v29  }
0x77: {  	v53 =	vld [tilespmem:$0xA230];
	v50 =	vmul.f32 $1.767766920e-01, v23;
	v11 =	vmul.f32 $1.767766920e-01, v11  }
0x78: {  	v54 =	vld [tilespmem:s15+$0x10];
	v20 =	vmul.f32 v20, v27;
	v22 =	vmul.f32 v22, v28  }
0x79: {  	v56 =	vld [tilespmem:s15+$0x0];
	v6 =	vmul.f32 $1.767766920e-01, v6;
	v21 =	vmul.f32 v24, v52  }
0x7a: {  	v58 =	vld [tilespmem:s13+$0x20];
	v12 =	vadd.f32 v12, v13;
	v15 =	vmul.f32 v15, v20;
	v14 =	vmul.f32 v14, v22  }
0x7b: {  	v61 =	vld [tilespmem:$0xA240];
	v63 =	vadd.f32 v49, v29;
	v25 =	vmul.f32 $1.767766920e-01, v25;
	v23 =	vmul.f32 v51, v55  }
0x7c: {  	v57 =	vld [tilespmem:$0xA250];
	v59 =	vmul.f32 $1.767766920e-01, v16;
	v11 =	vadd.f32 v15, v11;
	v6 =	vadd.f32 v14, v6  }
0x7d: {  	v17 =	vmul.f32 $1.767766920e-01, v17;
	v12 =	vmul.f32 v54, v12  }
0x7e: {  	v62 =	vld [tilespmem:s15+$0x30];
	v32 =	vmul.f32 v56, v63;
	v18 =	vmul.f32 $1.767766920e-01, v18;
	v6 =	vadd.f32 v6, v11  }
0x7f: {  	v30 =	vld [tilespmem:s15+$0x20];
	v7 =	vadd.f32 v7, v48;
	v60 =	vmul.f32 v53, v21;
	v10 =	vmul.f32 v10, v23  }
0x80: {  	v33 =	vld [tilespmem:$0xA270];
	v35 =	vadd.f32 v8, v58;
	v36 =	vmul.f32 v61, v32;
	v31 =	vperm.xlane v6, v1  }
0x81: {  	v34 =	vld [tilespmem:$0xA260];
	v10 =	vadd.f32 v10, v17;
	v15 =	vadd.f32 v60, v59;
	v14 =	vmul.f32 v57, v12  }
0x82: {  	v8 =	vmul.f32 v8, v58;
	v40 =	vadd.f32 v36, v18;
	v6 =	vadd.f32 v31, v6  }
0x83: {  	v7 =	vmul.f32 v62, v7;
	v10 =	vadd.f32 v15, v10;
	v37 =	vadd.f32 v14, v25  }
0x84: {  	v15 =	vmul.f32 v30, v35;
	v38 =	vperm.xlane v6, v2  }
0x85: {  	v8 =	vmul.f32 $1.767766920e-01, v8;
	v39 =	vperm.xlane v10, v1;
	v11 =	vadd.f32 v37, v40  }
0x86: {  	v42 =	vmul.f32 v33, v7;
	v41 =	vmul.f32 v34, v15;
	v6 =	vadd.f32 v38, v6  }
0x87: {  	v10 =	vadd.f32 v39, v10;
	v46 =	vperm.xlane v11, v1  }
0x88: {  	v45 =	vadd.f32 v42, v50;
	v8 =	vadd.f32 v41, v8;
	v43 =	vperm.xlane v6, v3  }
0x89: {  	v44 =	vperm.xlane v10, v2;
	v11 =	vadd.f32 v46, v11  }
0x8a: {  	v8 =	vadd.f32 v45, v8;
	v6 =	vadd.f32 v43, v6  }
0x8b: {  	v10 =	vadd.f32 v44, v10;
	v16 =	vperm.xlane v11, v2  }
0x8c: {  	v48 =	vperm.xlane v8, v1;
	v13 =	vperm.xlane v6, v4  }
0x8d: {  	v47 =	vperm.xlane v10, v3;
	v11 =	vadd.f32 v16, v11  }
0x8e: {  	v8 =	vadd.f32 v48, v8;
	v6 =	vadd.f32 v13, v6  }
0x8f: {  	v10 =	vadd.f32 v47, v10;
	v50 =	vperm.xlane v11, v3  }
0x90: {  	v51 =	vperm.xlane v8, v2;
	v6 =	vmul.f32 $1.442695020e+00, v6  }
0x91: {  	v49 =	vperm.xlane v10, v4  }
0x92: {  	v8 =	vadd.f32 v51, v8;
	(erf) = vpow2.f32 v6;
	v6 =	vadd.f32 v50, v11  }
0x93: {  	v10 =	vadd.f32 v49, v10  }
0x94: {  	v52 =	vperm.xlane v8, v3;
	v11 =	vperm.xlane v6, v4  }
0x95: {  	v10 =	vmul.f32 $1.442695020e+00, v10  }
0x96: {  	v8 =	vadd.f32 v52, v8;
	v6 =	vadd.f32 v11, v6  }
0x97: {  	(erf) = vpow2.f32 v10  }
0x98: {  	v53 =	vperm.xlane v8, v4;
	v6 =	vmul.f32 $1.442695020e+00, v6;
	_ =	sdelay $0x1  }
0x99: {  	v8 =	vadd.f32 v53, v8  }
0x9a: {  	(erf) = vpow2.f32 v6  }
0x9b: {  	v8 =	vmul.f32 $1.442695020e+00, v8;
	v6 =	vpop (erf)  }
0x9c: {  	v54 =	vmul.f32 v6, v20  }
0x9d: {  	s25 =	simm.s32 $0x6040  }
0x9e: {  	s16 =	simm.s32 $0x8040;
	(erf) = vpow2.f32 v8;
	v55 =	vmul.f32 v6, v22;
	[tilespmem:s25+$0xFFFFFFC0] =	vst v54  }
0x9f: {  	v8 =	vpop (erf);
	[tilespmem:s16+$0xFFFFFFC0] =	vst v0  }
0xa0: {  	v56 =	vmul.f32 v8, v23;
	[tilespmem:s25+$0xFFFFFFD0] =	vst v55  }
0xa1: {  	[tilespmem:s16+$0xFFFFFFD0] =	vst v0  }
0xa2: {  	v57 =	vmul.f32 v8, v21;
	[tilespmem:s25+$0xFFFFFFE0] =	vst v56  }
0xa3: {  	v58 =	vpop (erf);
	[tilespmem:s16+$0xFFFFFFE0] =	vst v0  }
0xa4: {  	v9 =	vmul.f32 v58, v32;
	[tilespmem:s25+$0xFFFFFFF0] =	vst v57  }
0xa5: {  	[tilespmem:s16+$0xFFFFFFF0] =	vst v0  }
0xa6: {  	v59 =	vmul.f32 v58, v12;
	[tilespmem:s25+$0x0] =	vst v9  }
0xa7: {  	v60 =	vpop (erf);
	[tilespmem:s16+$0x0] =	vst v0  }
0xa8: {  	v61 =	vmul.f32 v60, v15;
	[tilespmem:s25+$0x10] =	vst v59  }
0xa9: {  	v62 =	vmov s4;
	[tilespmem:s16+$0x10] =	vst v0  }
0xaa: {  	v7 =	vmul.f32 v60, v7;
	[tilespmem:s25+$0x20] =	vst v61  }
0xab: {  	[tilespmem:s16+$0x20] =	vst v0  }
0xac: {  	[tilespmem:s25+$0x30] =	vst v7  }
0xad: {  	[tilespmem:s16+$0x30] =	vst v0  }
0xae: {  	v7 =	vld.idx.msk [tilespmem:v62+s20+$0x0], $0xffff;
	_ =	sdelay $0x4  }
0xaf: {  	v7 =	vshll.u32 v7, $0x2  }
0xb0: {  	v7 =	vand.u32 $0x7C, v7  }
0xb1: {  	v6 =	vnsel vm0, $0x0, v6;
	v7 =	vadd.s32 v5, v7  }
0xb2: {  	v63 =	vshll.u32 v62, $0x7;
	v6 =	vsel vm1, v6, v8;
	v8 =	vand.u32 $0x80, v7  }
0xb3: {  	v7 =	vand.u32 $0x7F, v7;
	v8 =	vadd.s32 v63, v8  }
0xb4: {  	v7 =	vor.u32 v7, v8;
	_ =	sdelay $0x1  }
0xb5: {  	v6 =	vsel vm2, v6, v58  }
0xb6: {  	s24 =	simm.s32 $0x1;
	v6 =	vsel vm3, v6, v60;
	s25 =	simm.s32 $0x60C0;
	s16 =	simm.s32 $0x80C0  }
.LBB2_7:
0xb7: {  	s13 =	sadd.s32 $0x80, s13;
	s14 =	sadd.s32 $0x80, s14;
	s15 =	sadd.s32 $0x80, s15  }
0xb8: {  	p0 =	sne.s32 s24, $0x3F;
	s1 =	smov.u32 s24;
	s24 =	sadd.s32 $0x1, s24;
	[tilespmem:v7+s30+$0x0] =	vst.idx.msk $0xf, v6  }
0xb9: {  	v6 =	vld [tilespmem:s14+$0xFFFFFFD0]  }
0xba: {  	v7 =	vld [tilespmem:s14+$0x30]  }
0xbb: {  	v8 =	vld [tilespmem:s14+$0x20]  }
0xbc: {  	v9 =	vld [tilespmem:s13+$0x30]  }
0xbd: {  	v10 =	vld [tilespmem:$0xA220]  }
0xbe: {  	v11 =	vld [tilespmem:s14+$0xFFFFFFC0]  }
0xbf: {  	v12 =	vld [tilespmem:s14+$0x10]  }
0xc0: {  	v13 =	vld [tilespmem:s14+$0x0]  }
0xc1: {  	v14 =	vld [tilespmem:s13+$0x10];
	v15 =	vadd.f32 v7, v9;
	v7 =	vmul.f32 v7, v9  }
0xc2: {  	v9 =	vld [tilespmem:$0xA210]  }
0xc3: {  	v16 =	vld [tilespmem:$0xA200]  }
0xc4: {  	v17 =	vld [tilespmem:s14+$0xFFFFFFF0]  }
0xc5: {  	v18 =	vld [tilespmem:s14+$0xFFFFFFE0]  }
0xc6: {  	v19 =	vld [tilespmem:s13+$0xFFFFFFC0];
	v20 =	vadd.f32 v12, v14;
	v12 =	vmul.f32 v12, v14  }
0xc7: {  	v14 =	vld [tilespmem:s13+$0xFFFFFFD0]  }
0xc8: {  	v21 =	vld [tilespmem:s15+$0xFFFFFFD0]  }
0xc9: {  	v22 =	vld [tilespmem:s15+$0xFFFFFFC0]  }
0xca: {  	v23 =	vld [tilespmem:s13+$0xFFFFFFF0]  }
0xcb: {  	v24 =	vld [tilespmem:s13+$0xFFFFFFE0];
	v25 =	vadd.f32 v11, v19;
	v11 =	vmul.f32 v11, v19  }
0xcc: {  	v7 =	vmul.f32 $1.767766920e-01, v7;
	v19 =	vld [tilespmem:s15+$0xFFFFFFF0];
	v26 =	vadd.f32 v6, v14;
	v6 =	vmul.f32 v6, v14  }
0xcd: {  	v12 =	vmul.f32 $1.767766920e-01, v12;
	v14 =	vld [tilespmem:s15+$0xFFFFFFE0];
	v11 =	vmul.f32 $1.767766920e-01, v11  }
0xce: {  	v22 =	vmul.f32 v22, v25;
	v21 =	vmul.f32 v21, v26;
	v25 =	vld [tilespmem:$0xA230]  }
0xcf: {  	v6 =	vmul.f32 $1.767766920e-01, v6;
	v26 =	vld [tilespmem:s13+$0x0];
	v27 =	vadd.f32 v17, v23;
	v17 =	vmul.f32 v17, v23  }
0xd0: {  	v23 =	vld [tilespmem:s15+$0x10];
	v28 =	vadd.f32 v18, v24;
	v16 =	vmul.f32 v16, v22;
	v9 =	vmul.f32 v9, v21  }
0xd1: {  	v18 =	vmul.f32 v18, v24;
	v29 =	vld [tilespmem:s15+$0x0];
	v19 =	vmul.f32 v19, v27  }
0xd2: {  	v14 =	vmul.f32 v14, v28;
	v11 =	vadd.f32 v16, v11;
	v6 =	vadd.f32 v9, v6;
	v9 =	vld [tilespmem:$0xA250]  }
0xd3: {  	v17 =	vmul.f32 $1.767766920e-01, v17;
	v16 =	vld [tilespmem:s13+$0x20];
	v24 =	vmul.f32 v25, v19  }
0xd4: {  	v18 =	vmul.f32 $1.767766920e-01, v18;
	v10 =	vmul.f32 v10, v14;
	v25 =	vld [tilespmem:$0xA240];
	v6 =	vadd.f32 v6, v11  }
0xd5: {  	v27 =	vadd.f32 v13, v26;
	v13 =	vmul.f32 v13, v26;
	v11 =	vld [tilespmem:s15+$0x30];
	v20 =	vmul.f32 v23, v20  }
0xd6: {  	v17 =	vadd.f32 v24, v17;
	v23 =	vld [tilespmem:s15+$0x20];
	v10 =	vadd.f32 v10, v18;
	v18 =	vperm.xlane v6, v1  }
0xd7: {  	v24 =	vmul.f32 v29, v27;
	v9 =	vmul.f32 v9, v20;
	v26 =	vld [tilespmem:$0xA270]  }
0xd8: {  	v13 =	vmul.f32 $1.767766920e-01, v13;
	v27 =	vld [tilespmem:$0xA260];
	v6 =	vadd.f32 v18, v6;
	v10 =	vadd.f32 v17, v10  }
0xd9: {  	v17 =	vadd.f32 v8, v16;
	v8 =	vmul.f32 v8, v16;
	v18 =	vmul.f32 v25, v24  }
0xda: {  	v9 =	vadd.f32 v9, v12;
	v12 =	vperm.xlane v6, v2;
	v16 =	vperm.xlane v10, v1  }
0xdb: {  	v11 =	vmul.f32 v11, v15;
	v17 =	vmul.f32 v23, v17;
	v13 =	vadd.f32 v18, v13  }
0xdc: {  	v8 =	vmul.f32 $1.767766920e-01, v8;
	v6 =	vadd.f32 v12, v6;
	v10 =	vadd.f32 v16, v10  }
0xdd: {  	v15 =	vmul.f32 v26, v11;
	v12 =	vmul.f32 v27, v17;
	v9 =	vadd.f32 v9, v13  }
0xde: {  	v13 =	vperm.xlane v6, v3;
	v16 =	vperm.xlane v10, v2  }
0xdf: {  	v7 =	vadd.f32 v15, v7;
	v8 =	vadd.f32 v12, v8;
	v12 =	vperm.xlane v9, v1  }
0xe0: {  	v6 =	vadd.f32 v13, v6;
	v10 =	vadd.f32 v16, v10  }
0xe1: {  	v9 =	vadd.f32 v12, v9;
	v7 =	vadd.f32 v7, v8  }
0xe2: {  	v8 =	vperm.xlane v6, v4;
	v12 =	vperm.xlane v10, v3  }
0xe3: {  	v13 =	vperm.xlane v9, v2;
	v15 =	vperm.xlane v7, v1  }
0xe4: {  	v6 =	vadd.f32 v8, v6;
	v8 =	vadd.f32 v12, v10  }
0xe5: {  	v9 =	vadd.f32 v13, v9;
	v7 =	vadd.f32 v15, v7  }
0xe6: {  	v6 =	vmul.f32 $1.442695020e+00, v6;
	v10 =	vperm.xlane v8, v4  }
0xe7: {  	v12 =	vperm.xlane v9, v3;
	v13 =	vperm.xlane v7, v2  }
0xe8: {  	v8 =	vadd.f32 v10, v8;
	(erf) = vpow2.f32 v6  }
0xe9: {  	v6 =	vadd.f32 v12, v9;
	v7 =	vadd.f32 v13, v7  }
0xea: {  	v8 =	vmul.f32 $1.442695020e+00, v8  }
0xeb: {  	v9 =	vperm.xlane v6, v4;
	v10 =	vperm.xlane v7, v3  }
0xec: {  	(erf) = vpow2.f32 v8  }
0xed: {  	v6 =	vadd.f32 v9, v6;
	v7 =	vadd.f32 v10, v7;
	_ =	sdelay $0x1  }
0xee: {  	v6 =	vmul.f32 $1.442695020e+00, v6;
	v9 =	vperm.xlane v7, v4;
	_ =	sdelay $0x1  }
0xef: {  	v7 =	vadd.f32 v9, v7;
	v8 =	vpop (erf);
	(erf) = vpow2.f32 v6  }
0xf0: {  	v10 =	vmul.f32 v8, v22;
	v9 =	vmul.f32 v8, v21  }
0xf1: {  	v7 =	vmul.f32 $1.442695020e+00, v7  }
0xf2: {  	[tilespmem:s25+$0xFFFFFFC0] =	vst v10  }
0xf3: {  	[tilespmem:s16+$0xFFFFFFC0] =	vst v0;
	v6 =	vpop (erf);
	(erf) = vpow2.f32 v7  }
0xf4: {  	[tilespmem:s25+$0xFFFFFFD0] =	vst v9;
	v7 =	vmul.f32 v6, v14;
	v9 =	vmul.f32 v6, v19  }
0xf5: {  	[tilespmem:s16+$0xFFFFFFD0] =	vst v0  }
0xf6: {  	[tilespmem:s25+$0xFFFFFFE0] =	vst v7  }
0xf7: {  	[tilespmem:s16+$0xFFFFFFE0] =	vst v0  }
0xf8: {  	[tilespmem:s25+$0xFFFFFFF0] =	vst v9;
	v7 =	vpop (erf)  }
0xf9: {  	[tilespmem:s16+$0xFFFFFFF0] =	vst v0;
	v9 =	vmul.f32 v7, v24;
	v10 =	vmul.f32 v7, v20  }
0xfa: {  	v8 =	vnsel vm0, $0x0, v8  }
0xfb: {  	v6 =	vsel vm1, v8, v6;
	[tilespmem:s25+$0x0] =	vst v9  }
0xfc: {  	v6 =	vsel vm2, v6, v7;
	[tilespmem:s16+$0x0] =	vst v0;
	v7 =	vpop (erf)  }
0xfd: {  	[tilespmem:s25+$0x10] =	vst v10;
	v8 =	vmul.f32 v7, v17;
	v6 =	vsel vm3, v6, v7  }
0xfe: {  	v9 =	vmov s1;
	[tilespmem:s16+$0x10] =	vst v0  }
0xff: {  	v7 =	vmul.f32 v7, v11;
	[tilespmem:s25+$0x20] =	vst v8  }
0x100: {  	[tilespmem:s16+$0x20] =	vst v0  }
0x101: {  	[tilespmem:s25+$0x30] =	vst v7  }
0x102: {  	[tilespmem:s16+$0x30] =	vst v0  }
0x103: {  	v7 =	vld.idx.msk [tilespmem:v9+s20+$0x0], $0xffff;
	_ =	sdelay $0x5  }
0x104: {  	v7 =	vshll.u32 v7, $0x2  }
0x105: {  	v7 =	vand.u32 $0x7C, v7  }
0x106: {  	v7 =	vadd.s32 v5, v7  }
0x107: {  	v9 =	vshll.u32 v9, $0x7;
	v8 =	vand.u32 $0x80, v7  }
.Ltmp2:
0x108: {  	v7 =	vand.u32 $0x7F, v7;
	v8 =	vadd.s32 v9, v8;
	(pc) =	sbr.rel @p0 .LBB2_7-.Ltmp2, $2  }
0x109: {  	v7 =	vor.u32 v7, v8;
	_ =	sdelay $0x2  }
0x10a: {  	s25 =	sadd.s32 $0x80, s25;
	s16 =	sadd.s32 $0x80, s16  }
0x10b: {  	_ =	sdelay $0x3  }
0x10c: {  	[tilespmem:v7+s30+$0x0] =	vst.idx.msk $0xf, v6  }
0x10d: {  	[spmem:s3] =	stream.indirect.scatter.add.f32 [tilespmem:s0], [sflag:$0x4], $0x80, s20, s31, $0xb8;
	[tilespmem:$0x1FA80] =	vst v63  }
0x10e: {  	s7 =	sadd.s32 $0x1, s7;
	_ =	swait.ge [sflag:s17], $0x2000  }
0x10f: {  	p0 =	sne.s32 s7, $0x50;
	[sflag:s17] =	ssyncset.done $0x0  }
.Ltmp3:
0x110: {  	[sflag:s17] =	ssyncadd.s32 $0xFFFFE000;
	(pc) =	sbr.rel @p0 .LBB2_6-.Ltmp3, $4  }
0x111: {  	[spmem:s3] =	stream.indirect.scatter.add.f32 [tilespmem:s30], [sflag:$0x4], $0x80, s5, s31, $0xb8;
	[tilespmem:$0x1FA80] =	vst v63  }
0x112: {  	_ =	swait.ge [sflag:s17], $0x2000  }
0x113: {  	[sflag:s17] =	ssyncset.done $0x0  }
0x114: {  	[sflag:s17] =	ssyncadd.s32 $0xFFFFE000  }
0x115: {  	s1 =	stileid.u32;
	[bflag:$0x0] =	sbarrier.arrive $0xFFFF  }
0x116: {  	s1 =	sshll.u32 s1, $0x6;
	s4 =	rddreg [dreg:$0x6]  }
0x117: {  	s7 =	rddreg [dreg:$0x9];
	s1 =	sor.u32 $0x1C04, s1  }
0x118: {  	[hbm:s4], [sflag:s1] =	dma.local [spmem:s7], $0x2800  }
0x119: {  	_ =	swait.ge [sflag:s17], $0x2800  }
0x11a: {  	[sflag:s17] =	ssyncset.done $0x0;
	s15 =	rddreg [dreg:$0x7]  }
0x11b: {  	s16 =	rddreg [dreg:$0xa];
	[sflag:s17] =	ssyncadd.s32 $0xFFFFD800  }
0x11c: {  	[hbm:s15], [sflag:s1] =	dma.local [spmem:s16], $0x200  }
0x11d: {  	_ =	swait.ge [sflag:s17], $0x200  }
0x11e: {  	s24 =	rddreg [dreg:$0xb]  }
0x11f: {  	s25 =	rddreg [dreg:$0x8];
	s4 =	sadd.s32 $0x1, s24  }
0x120: {  	p0 =	sne.s32 s4, s25  }
.Ltmp4:
0x121: {  	_ = 	snop;
	(pc) =	sbr.rel @p0 .LBB2_1-.Ltmp4, $3  }
0x122: {  	_ =	sdelay $0x1  }
0x123: {  	[sflag:s17] =	ssyncset.done $0x0  }
0x124: {  	[sflag:s17] =	ssyncadd.s32 $0xFFFFFE00  }
0x125: {  	_ =	sfence.sel $0x180000  }
0x126: {  	[bflag:$0x0] =	sbarrier.arrive $0xFFFF  }
0x127: {  	_ =	strace $0x9000004A  }
0x128: {  	s0 =	stileid.u32;
	[bflag:$0x2] =	sbarrier.arrive $0xFFFF  }
0x129: {  	p0 =	sne.s32 s0, $0x0;
	s0 =	rddreg [dreg:$0x4]  }
0x12a: {  	s0 =	sadd.s32 @!p0 $0x100000, s0  }
0x12b: {  	[sflag:s0] =	ssyncadd.tile.s32 @!p0 $0x1;
	_ =	shalt  }
.Lfunc_end2:
_tile_overlayer_lowered:
.L_overlay_start_2:
0x12c: {  	(tag) =	ssettag $0x2  }
0x12d: {  	s0 =	rddreg [dreg:$0x0];
	s2 =	stileid.u32  }
0x12e: {  	s1 =	rddreg [dreg:$0x1];
	p0 =	sne.s32 s2, $0x0  }
0x12f: {  	s3 =	rddreg [dreg:$0x2];
	[bflag:$0x3] =	sbarrier.arrive $0xFFFF;
	s2 =	simm.s32 @!p0 $0x1C04  }
0x130: {  	[timem:s3], [sflag:s2] =	dma.local @!p0 [hbm:s0], s1  }
0x131: {  	s0 =	simm.s32 @!p0 $0x4  }
0x132: {  	_ =	swait.ge @!p0 [sflag:s0], s1  }
0x133: {  	s1 =	ssub.s32 @!p0 $0x0, s1;
	[sflag:s0] =	ssyncset.done @!p0 $0x0  }
0x134: {  	[sflag:s0] =	ssyncadd.s32 @!p0 s1  }
0x135: {  	[bflag:$0x3] =	sbarrier.arrive $0xFFFF  }
0x136: {  	_ =	shalt  }

// kernel: kernel.7.cloned.1.call-start
scs
__scs_entry_jumppad:
0x0: {  	(pc) =	sbr.rel $0x88, $3  }
0x1: {  	(tag) =	ssettag $0x0;
	lr =	simm.s32 $0x1  }
0x2: {  	[smem:$0x3F87] =	sst lr;
	_ =	strace $0xD0000000  }
0x3: {  	_ = 	snop  }
0x4: {  	_ = 	snop  }
0x5: {  	_ = 	snop  }
0x6: {  	_ = 	snop  }
0x7: {  	_ = 	snop  }
__scs_overlays_trampoline_lowered:
0x8: {  	[smem:$0x3F96] =	sst s0  }
0x9: {  	[smem:$0x3F97] =	sst s1  }
0xa: {  	[smem:$0x3F98] =	sst s2  }
0xb: {  	[smem:$0x3F99] =	sst s3  }
0xc: {  	[smem:$0x3F9A] =	sst s4  }
0xd: {  	[smem:$0x3F9B] =	sst s5  }
0xe: {  	[smem:$0x3F9C] =	sst s6  }
0xf: {  	[smem:$0x3F9D] =	sst s7  }
0x10: {  	[smem:$0x3F9E] =	sst s8  }
0x11: {  	[smem:$0x3F9F] =	sst s9;
	s0 =	simm.s32 @!p0 $0x0  }
0x12: {  	s1 =	sld [smem:$0x3F85];
	s0 =	simm.s32 @p0 $0x1  }
0x13: {  	[smem:$0x3FA0] =	sst s0;
	s0 =	simm.s32 @!p1 $0x0  }
0x14: {  	s2 =	sld [smem:$0x3F84];
	s0 =	simm.s32 @p1 $0x1  }
0x15: {  	[smem:$0x3FA1] =	sst s0;
	s0 =	simm.s32 @!p2 $0x0  }
0x16: {  	s3 =	sld [smem:$0x3FDB];
	s0 =	simm.s32 @p2 $0x1  }
0x17: {  	s4 =	simm.s32 $0x1BF5;
	[smem:$0x3FA3] =	sst s0  }
0x18: {  	s0 =	sld [smem:$0x3F86];
	_ =	swait.ge [sflag:s4], $0x0  }
0x19: {  	s7 =	sld [smem:$0x3F87]  }
0x1a: {  	s8 =	sadd.s32 $0xFFFFE003, lr  }
0x1b: {  	s9 =	sadd.s32 $0xFFFFFEF7, lr;
	s5 =	simm.s32 $0xFFFFFFFF;
	p2 =	slt.u32 s8, $0xFFFFF086  }
0x1c: {  	p1 =	slt.u32 s9, $0xF7A;
	s5 =	simm.s32 @!p2 $0x0  }
0x1d: {  	s5 =	simm.s32 @p1 $0x1;
	p0 =	seq.s32 s7, s2  }
0x1e: {  	s7 =	smul.u32 @!p0 $0xF7A, s2;
	p2 =	seq.s32 @!p0 s5, $0x0  }
0x1f: {  	s9 =	smul.u32 $0xF7A, s1;
	s8 =	simm.s32 @!p0 $0x1BF5;
	p2 =	por !p2, p0  }
0x20: {  	[sflag:s8] =	ssyncset.s32 @!p0 $0xFFFFF086;
	s6 =	sadd.s32 @!p0 s3, s7;
	s7 =	simm.s32 @!p0 $0x108  }
0x21: {  	s3 =	sadd.s32 s3, s9;
	s6 =	sadd.s32 @!p0 $0x88, s6;
	s7 =	simm.s32 @p2 $0x1082  }
0x22: {  	[simem:s7], [sflag:s8] =	dma.local @!p0 [hbm:s6], $0xF7A  }
0x23: {  	s9 =	sor.u32 $0xD0000000, s2;
	s6 =	simm.s32 $0x108;
	_ =	swait.ge @!p0 [sflag:s8], $0x0  }
0x24: {  	s3 =	sadd.s32 $0x88, s3;
	s6 =	simm.s32 @!p1 $0x1082;
	[sflag:s4] =	ssyncset.s32 $0xFFFFF086  }
0x25: {  	[simem:s6], [sflag:s4] =	dma.local [hbm:s3], $0xF7A  }
0x26: {  	[smem:$0x3F87] =	sst s1;
	(tag) =	ssettag s2;
	_ =	strace s9  }
0x27: {  	s1 =	sld [smem:$0x3F97]  }
0x28: {  	s2 =	sld [smem:$0x3F98]  }
0x29: {  	s4 =	sld [smem:$0x3F9A]  }
0x2a: {  	p0 =	seq.s32 s5, $0x0;
	s5 =	sld [smem:$0x3F9B]  }
0x2b: {  	s6 =	sld [smem:$0x3F9C]  }
0x2c: {  	s7 =	sld [smem:$0x3F9D]  }
0x2d: {  	s3 =	simm.s32 $0x108;
	s8 =	sld [smem:$0x3F9E]  }
0x2e: {  	s3 =	simm.s32 @!p0 $0x1082;
	s9 =	sld [smem:$0x3F9F]  }
0x2f: {  	lr =	sadd.s32 s0, s3;
	s0 =	sld [smem:$0x3F96]  }
0x30: {  	s3 =	sld [smem:$0x3F99]  }
0x31: {  	[smem:$0x3FA2] =	sst s10  }
0x32: {  	s10 =	sld [smem:$0x3FA0];
	_ =	sdelay $0x3  }
0x33: {  	p0 =	seq.s32 s10, $0x1;
	s10 =	sld [smem:$0x3FA2];
	_ =	sdelay $0x3  }
0x34: {  	[smem:$0x3FA2] =	sst s10  }
0x35: {  	s10 =	sld [smem:$0x3FA1];
	_ =	sdelay $0x3  }
0x36: {  	p1 =	seq.s32 s10, $0x1;
	s10 =	sld [smem:$0x3FA2];
	_ =	sdelay $0x3  }
0x37: {  	[smem:$0x3FA2] =	sst s10  }
0x38: {  	s10 =	sld [smem:$0x3FA3]  }
0x39: {  	_ = 	snop;
	(pc) =	sbr.ind lr, $3  }
0x3a: {  	_ = 	snop  }
0x3b: {  	_ = 	snop  }
0x3c: {  	p2 =	seq.s32 s10, $0x1;
	s10 =	sld [smem:$0x3FA2]  }
0x3d: {  	_ =	shalt  }
0x3e: {  	_ =	shalt  }
0x3f: {  	_ =	shalt  }
0x40: {  	_ =	shalt  }
0x41: {  	_ =	shalt  }
0x42: {  	_ =	shalt  }
0x43: {  	_ =	shalt  }
0x44: {  	_ =	shalt  }
0x45: {  	_ =	shalt  }
0x46: {  	_ =	shalt  }
0x47: {  	_ =	shalt  }
0x48: {  	_ =	shalt  }
0x49: {  	_ =	shalt  }
0x4a: {  	_ =	shalt  }
0x4b: {  	_ =	shalt  }
0x4c: {  	_ =	shalt  }
0x4d: {  	_ =	shalt  }
0x4e: {  	_ =	shalt  }
0x4f: {  	_ =	shalt  }
0x50: {  	_ =	shalt  }
0x51: {  	_ =	shalt  }
0x52: {  	_ =	shalt  }
0x53: {  	_ =	shalt  }
0x54: {  	_ =	shalt  }
0x55: {  	_ =	shalt  }
0x56: {  	_ =	shalt  }
0x57: {  	_ =	shalt  }
0x58: {  	_ =	shalt  }
0x59: {  	_ =	shalt  }
0x5a: {  	_ =	shalt  }
0x5b: {  	_ =	shalt  }
0x5c: {  	_ =	shalt  }
0x5d: {  	_ =	shalt  }
0x5e: {  	_ =	shalt  }
0x5f: {  	_ =	shalt  }
0x60: {  	_ =	shalt  }
0x61: {  	_ =	shalt  }
0x62: {  	_ =	shalt  }
0x63: {  	_ =	shalt  }
0x64: {  	_ =	shalt  }
0x65: {  	_ =	shalt  }
0x66: {  	_ =	shalt  }
0x67: {  	_ =	shalt  }
0x68: {  	_ =	shalt  }
0x69: {  	_ =	shalt  }
0x6a: {  	_ =	shalt  }
0x6b: {  	_ =	shalt  }
0x6c: {  	_ =	shalt  }
0x6d: {  	_ =	shalt  }
0x6e: {  	_ =	shalt  }
0x6f: {  	_ =	shalt  }
0x70: {  	_ =	shalt  }
0x71: {  	_ =	shalt  }
0x72: {  	_ =	shalt  }
0x73: {  	_ =	shalt  }
0x74: {  	_ =	shalt  }
0x75: {  	_ =	shalt  }
0x76: {  	_ =	shalt  }
0x77: {  	_ =	shalt  }
0x78: {  	_ =	shalt  }
0x79: {  	_ =	shalt  }
0x7a: {  	_ =	shalt  }
0x7b: {  	_ =	shalt  }
0x7c: {  	_ =	shalt  }
0x7d: {  	_ =	shalt  }
0x7e: {  	_ =	shalt  }
0x7f: {  	_ =	shalt  }
0x80: {  	_ =	shalt  }
0x81: {  	_ =	shalt  }
0x82: {  	_ =	shalt  }
0x83: {  	_ =	shalt  }
0x84: {  	_ =	shalt  }
0x85: {  	_ =	shalt  }
0x86: {  	_ =	shalt  }
0x87: {  	_ =	shalt  }
.Lfunc_end0:
.L_simem_size_0:
called_computation_lowered:
.L_overlay_start_0:
0x88: {  	s2 =	sld [smem:$0x3FD9]  }
0x89: {  	s3 =	sld [smem:$0x3FFE];
	_ =	sdelay $0x1  }
0x8a: {  	s1 =	srdreg.scid  }
0x8b: {  	s0 =	sand.u32 $0x1, s1  }
0x8c: {  	s16 =	sshll.u32 s0, $0xA;
	s2 =	sadd.s32 s3, s2  }
0x8d: {  	s2 =	sadd.s32 s2, s16  }
0x8e: {  	[smem:$0x3FAE] =	sst s2  }
0x8f: {  	_ = 	snop  }
0x90: {  	(tm) =	ssettm $0x1  }
0x91: {  	s17 =	sld [smem:$0x3FFB];
	_ =	sdelay $0x3  }
0x92: {  	_ =	strace s17  }
0x93: {  	s2 =	sld [smem:$0x3FFC];
	_ =	sdelay $0x3  }
0x94: {  	_ =	strace s2  }
0x95: {  	s2 =	sld [smem:$0x3FFD];
	_ =	sdelay $0x3  }
0x96: {  	_ =	strace s2  }
0x97: {  	_ =	strace $0x8FFFFFFF  }
0x98: {  	s18 =	sld [smem:$0x3FDB];
	_ =	sdelay $0x1  }
0x99: {  	s19 =	simm.s32 $_scs_section_size  }
0x9a: {  	s4 =	simm.s32 $_size__tile_overlayer_lowered;
	s5 =	simm.s32 $_tile_overlayer_lowered  }
0x9b: {  	s22 =	simm.s32 $0x1BFF;
	s21 =	sshll.u32 s5, $0x1;
	s2 =	sadd.s32 s19, s18  }
0x9c: {  	s6 =	simm.s32 $0x0;
	s20 =	sshll.u32 s4, $0x1;
	s4 =	sadd.s32 s21, s2  }
0x9d: {  	[timem:s6], [sflag:s22] =	dma.local [hbm:s4], s20  }
0x9e: {  	_ =	swait.ge [sflag:s22], s20  }
0x9f: {  	s3 =	ssub.s32 $0x0, s20;
	[sflag:s22] =	ssyncset.done $0x0  }
0xa0: {  	[sflag:s22] =	ssyncadd.s32 s3;
	_ =	sdelay $0x1  }
0xa1: {  	s23 =	simm.s32 $0x1B8B  }
0xa2: {  	_ =	swait.ge [sflag:s23], $0x1  }
0xa3: {  	[sflag:s23] =	ssyncset.done $0x0  }
0xa4: {  	s25 =	simm.s32 $0x1B8E;
	s24 =	sld [smem:$0x3FFE];
	[sflag:s23] =	ssyncadd.s32 $0xFFFFFFFF  }
0xa5: {  	s26 =	simm.s32 $execute0_lowered;
	[smem:$0x3FD2] =	sst s25  }
0xa6: {  	s4 =	sshll.u32 s26, $0x1;
	_ =	strace $0x80000046;
	[dreg:$0x1] =	wrdreg $0xFFFFFFFF  }
0xa7: {  	s28 =	simm.s32 $_size_execute0_lowered;
	s2 =	sadd.s32 s2, s4;
	[dreg:$0x0] =	wrdreg $0x0  }
0xa8: {  	s4 =	sshll.u32 s28, $0x1;
	[dreg:$0x2] =	wrdreg s2  }
0xa9: {  	[dreg:$0x3] =	wrdreg s4  }
0xaa: {  	[dreg:$0x4] =	wrdreg $0xC0  }
0xab: {  	_ =	task [dreg:s6], $0x5FFFF  }
0xac: {  	[dreg:$0x1] =	wrdreg $0xFFFFFFFF  }
0xad: {  	[dreg:$0x0] =	wrdreg $0x60  }
0xae: {  	[dreg:$0x2] =	wrdreg s24  }
0xaf: {  	[dreg:$0x3] =	wrdreg $0xAA800  }
0xb0: {  	[dreg:$0x4] =	wrdreg $0x9  }
0xb1: {  	_ =	task.clear_ibuf [dreg:s6], $0x5FFFF;
	_ =	strace $0x90000046  }
0xb2: {  	s29 =	simm.s32 $0x9;
	_ =	strace $0x80000048  }
0xb3: {  	_ =	swait.ge [sflag:s29], $0x1  }
0xb4: {  	[sflag:s29] =	ssyncadd.s32 $0xFFFFFFFF  }
0xb5: {  	_ =	strace $0x90000048  }
0xb6: {  	_ =	sfence  }
0xb7: {  	s30 =	sld [smem:$0x0];
	_ =	sdelay $0x2  }
0xb8: {  	s31 =	sshll.u32 s1, $0xD;
	s1 =	sshrl.u32 s1, $0x2  }
0xb9: {  	s3 =	sand.u32 $0x4000, s31;
	s1 =	sadd.s32 s1, s30  }
0xba: {  	s0 =	sor.u32 s3, s0;
	s1 =	sshll.u32 s1, $0x11  }
0xbb: {  	s0 =	sor.u32 s1, s0  }
0xbc: {  	s0 =	sadd.s32 $0x8F2B, s0  }
0xbd: {  	[sflag:s0] =	ssyncadd.remote.s32 $0x1  }
0xbe: {  	_ =	sfence.sel $0xFFFF  }
0xbf: {  	[dreg:$0x0] =	wrdreg $0xFFFFFFFF;
	(pc) =	sbr.abs _section_cstart, $3  }
0xc0: {  	[dreg:$0x1] =	wrdreg $0xFFFFFFFF  }
0xc1: {  	_ =	task.clear_ibuf [dreg:s6], $0x2FFFF;
	_ =	strace $0x9FFFFFFF  }
0xc2: {  	(tm) =	ssettm $0x7FFFFFFF  }
0xc3: {  	_ =	shalt  }
tec
execute0_lowered:
.L_overlay_start_1:
0x0: {  	(tag) =	ssettag $0x1  }
0x1: {  	s0 =	rddreg [dreg:$0x0]  }
0x2: {  	s1 =	rddreg [dreg:$0x1];
	s2 =	srdreg.scid;
	s4 =	simm.s32 $0x0  }
0x3: {  	s14 =	stileid.u32;
	s28 =	simm.s32 $0x2;
	s29 =	simm.s32 $0x3  }
0x4: {  	s30 =	simm.s32 $0x8000;
	s31 =	simm.s32 $0x40;
	s2 =	sand.u32 $0x1, s2  }
0x5: {  	[smem:$0x7FF] =	sst s4;
	s7 =	smul.u32 $0x14000, s14;
	s4 =	sadd.s32 $0x13000, s0  }
0x6: {  	s5 =	sadd.s32 $0x3A200, s0;
	s6 =	sadd.s32 $0x12E00, s0;
	s8 =	sadd.s32 $0x3A00, s0  }
0x7: {  	s9 =	sadd.s32 $0xDC00, s0;
	s10 =	sadd.s32 $0x3C00, s0;
	s13 =	smul.u32 $0x54000, s14  }
0x8: {  	s11 =	sshll.u32 s14, $0x9;
	s18 =	sshll.u32 s14, $0x1;
	s20 =	smul.u32 $0x50000, s14  }
0x9: {  	v0 =	vimm.s32 $0x76543210;
	s22 =	sshll.u32 s14, $0xC;
	s3 =	smul.u32 $0x140000, s2;
	_ =	strace $0x80000047  }
0xa: {  	v1 =	vimm.s32 $0xFEDCBA98;
	v2 =	vimm.s32 $0xBA98FEDC;
	[dreg:$0x3] =	wrdreg s8;
	s8 =	sadd.s32 $0x8C00, s0;
	s17 =	ssub.s32 $0x2, s2  }
0xb: {  	v3 =	vimm.s32 $0x32107654;
	v4 =	vimm.s32 $0xDCFE98BA;
	v5 =	vimm.s32 $0x54761032;
	s23 =	sadd.s32 s22, s1;
	s12 =	sshrl.u32 s17, $0x1;
	s19 =	sshrl.u32 s13, $0x2  }
0xc: {  	v6 =	vimm.s32 $0xEFCDAB89;
	v7 =	vimm.s32 $0x67452301;
	s21 =	sshrl.u32 s20, $0x2;
	s24 =	sadd.s32 $0x140000, s23;
	s20 =	simm.s32 $0xA080  }
0xd: {  	vm0 =	vmmov $0x1;
	vm1 =	vcmask $0x310;
	vm2 =	vcmask $0x710;
	s23 =	simm.s32 $0x4000;
	s3 =	sadd.s32 s7, s3;
	s7 =	ssub.s32 s17, s12  }
0xe: {  	v0 =	vunpack.c.l.s4.s8 v0;
	v1 =	vunpack.c.l.s4.s8 v1;
	v2 =	vunpack.c.l.s4.s8 v2;
	s12 =	sadd.s32 s19, s1;
	s17 =	simm.s32 $0x4;
	s19 =	simm.s32 $0xA000  }
0xf: {  	v3 =	vunpack.c.l.s4.s8 v3;
	v4 =	vunpack.c.l.s4.s8 v4;
	v5 =	vunpack.c.l.s4.s8 v5;
	s3 =	sshrl.u32 s3, $0x3;
	s25 =	smax.u32 s7, $0x1;
	s7 =	simm.s32 $0x0  }
0x10: {  	v6 =	vunpack.c.l.s4.s8 v6;
	v7 =	vunpack.c.l.s4.s8 v7;
	v2 =	vunpack.c.0.s8.s32 v2;
	s3 =	sadd.s32 s3, s0;
	s0 =	sadd.s32 s11, s0;
	s11 =	sor.u32 s2, s18  }
0x11: {  	v3 =	vunpack.c.0.s8.s32 v3;
	v4 =	vunpack.c.0.s8.s32 v4;
	v5 =	vunpack.c.0.s8.s32 v5;
	s2 =	sshll.u32 s2, $0xD;
	[dreg:$0x6] =	wrdreg s25;
	s18 =	simm.s32 $0xA280  }
0x12: {  	v1 =	vunpack.c.0.s8.s32 v1;
	v6 =	vunpack.c.0.s8.s32 v6;
	v7 =	vunpack.c.0.s8.s32 v7;
	s11 =	smul.u32 $0x1400, s11;
	s3 =	sadd.s32 $0x65400, s3;
	s0 =	sadd.s32 s2, s0  }
0x13: {  	v2 =	vcombine.low v3, v2;
	v3 =	vcombine.low v5, v4;
	v4 =	vunpack.c.0.s8.s32 v0;
	[dreg:$0x4] =	wrdreg s3;
	s3 =	sadd.s32 s21, s1;
	s0 =	sadd.s32 $0x61400, s0  }
0x14: {  	vm3 =	vcmask $0xB10;
	v5 =	vcombine.low v7, v6;
	v1 =	vand.u32 $0xF, v1;
	s21 =	simm.s32 $0xA100;
	[dreg:$0x5] =	wrdreg s0;
	s26 =	sshrl.u32 s3, $0x3  }
0x15: {  	v0 =	vimm.f32 $0.0e+00;
	v1 =	vcombine.low v1, v4;
	v2 =	vand.u32 $0xF, v2;
	s0 =	sshrl.u32 s24, $0x3;
	s3 =	simm.s32 $0xA180;
	[dreg:$0x7] =	wrdreg s26  }
0x16: {  	v3 =	vand.u32 $0xF, v3;
	v4 =	vand.u32 $0xF, v5;
	v5 =	vlaneseq.u32;
	[dreg:$0x8] =	wrdreg s0;
	s26 =	simm.s32 $0x1;
	s0 =	simm.s32 $0x6000  }
.LBB2_1:
0x17: {  	[dreg:$0x9] =	wrdreg s7  }
0x18: {  	s2 =	simm.s32 $0x0;
	s25 =	rddreg [dreg:$0x3];
	s13 =	simm.s32 $0xA200  }
0x19: {  	[tilespmem:s13], [sflag:$0x4] =	stream.linear.gather [hbm4b:s25+s2], $0x80, $0x38;
	[tilespmem:$0x1FA80] =	vst v63  }
0x1a: {  	_ =	swait.ge [sflag:s17], $0x80  }
0x1b: {  	[sflag:s17] =	ssyncset.done $0x0  }
0x1c: {  	s7 =	simm.s32 $0x200;
	s2 =	simm.s32 $0x0;
	[sflag:s17] =	ssyncadd.s32 $0xFFFFFF80  }
.LBB2_2:
0x1d: {  	p0 =	sne.s32 s7, $0x1E00;
	[tilespmem:s2+$0xA2F0] =	vst v0  }
0x1e: {  	[tilespmem:s2+$0xA280] =	vst v0  }
0x1f: {  	[tilespmem:s2+$0xA290] =	vst v0  }
.Ltmp0:
0x20: {  	[tilespmem:s2+$0xA2A0] =	vst v0;
	(pc) =	sbr.rel @p0 .LBB2_2-.Ltmp0, $4  }
0x21: {  	[tilespmem:s2+$0xA2B0] =	vst v0  }
0x22: {  	[tilespmem:s2+$0xA2C0] =	vst v0  }
0x23: {  	[tilespmem:s2+$0xA2D0] =	vst v0  }
0x24: {  	[tilespmem:s2+$0xA2E0] =	vst v0;
	s2 =	sshra.s32 s7, $0x2;
	s7 =	sadd.s32 $0x200, s7  }
0x25: {  	[tilespmem:s2+$0xA2F0] =	vst v0  }
0x26: {  	[tilespmem:s2+$0xA280] =	vst v0  }
0x27: {  	[tilespmem:s2+$0xA290] =	vst v0  }
0x28: {  	[tilespmem:s2+$0xA2A0] =	vst v0  }
0x29: {  	[tilespmem:s2+$0xA2B0] =	vst v0  }
0x2a: {  	[tilespmem:s2+$0xA2C0] =	vst v0  }
0x2b: {  	[tilespmem:s2+$0xA2D0] =	vst v0  }
0x2c: {  	[tilespmem:s2+$0xA2E0] =	vst v0;
	s25 =	sadd.s32 $0x0, s12  }
0x2d: {  	[spmem:s25] =	stream.linear.scatter [tilespmem:s18], [sflag:$0x4], $0x800, $0x38;
	[tilespmem:$0x1FA80] =	vst v63  }
0x2e: {  	s2 =	simm.s32 $0x2000;
	_ =	swait.ge [sflag:s17], $0x800  }
.LBB2_4:
0x2f: {  	s7 =	sshra.s32 s2, $0x2;
	[sflag:s17] =	ssyncset.done $0x0;
	p0 =	sne.s32 s2, $0x52000  }
.Ltmp1:
0x30: {  	s7 =	sadd.s32 s7, s12;
	[sflag:s17] =	ssyncadd.s32 $0xFFFFF800;
	(pc) =	sbr.rel @p0 .LBB2_4-.Ltmp1, $3  }
0x31: {  	[spmem:s7] =	stream.linear.scatter [tilespmem:s18], [sflag:$0x4], $0x800, $0x38;
	[tilespmem:$0x1FA80] =	vst v63  }
0x32: {  	s2 =	sadd.s32 $0x2000, s2;
	_ =	sdelay $0x1  }
0x33: {  	_ =	swait.ge [sflag:s17], $0x800  }
0x34: {  	[sflag:s17] =	ssyncset.done $0x0  }
0x35: {  	[sflag:s17] =	ssyncadd.s32 $0xFFFFF800  }
0x36: {  	s2 =	simm.s32 $0x0;
	s7 =	simm.s32 $0x0;
	[bflag:$0x0] =	sbarrier.arrive $0xFFFF  }
.LBB2_6:
0x37: {  	s13 =	sshll.u32 s7, $0x6  }
0x38: {  	s13 =	sadd.s32 s11, s13  }
0x39: {  	s13 =	sshrl.u32 s13, $0x3  }
0x3a: {  	s14 =	sadd.s32 s8, s13  }
0x3b: {  	[tilespmem:s19], [sflag:$0x4] =	stream.linear.gather [hbm4b:s14+s2], $0x40, $0x38;
	[tilespmem:$0x1FA80] =	vst v63  }
0x3c: {  	_ =	swait.ge [sflag:s17], $0x40  }
0x3d: {  	[sflag:s17] =	ssyncset.done $0x0  }
0x3e: {  	s24 =	sadd.s32 s9, s13;
	[sflag:s17] =	ssyncadd.s32 $0xFFFFFFC0  }
0x3f: {  	[tilespmem:s20], [sflag:$0x4] =	stream.linear.gather [hbm4b:s24+s2], $0x40, $0x38;
	[tilespmem:$0x1FA80] =	vst v63  }
0x40: {  	_ =	swait.ge [sflag:s17], $0x40  }
0x41: {  	[sflag:s17] =	ssyncset.done $0x0  }
0x42: {  	s13 =	sadd.s32 s10, s13;
	[sflag:s17] =	ssyncadd.s32 $0xFFFFFFC0  }
0x43: {  	[tilespmem:s21], [sflag:$0x4] =	stream.linear.gather [hbm4b:s13+s2], $0x40, $0x38;
	[tilespmem:$0x1FA80] =	vst v63  }
0x44: {  	_ =	swait.ge [sflag:s17], $0x40  }
0x45: {  	[sflag:s17] =	ssyncset.done $0x0  }
0x46: {  	s13 =	simm.s32 $0x40;
	[sflag:s17] =	ssyncadd.s32 $0xFFFFFFC0  }
0x47: {  	[tilespmem:s2], [sflag:$0x1] =	stream.indirect.gather [hbm4b:s4+s13], $0x80, s19, s13, $0xb8;
	[tilespmem:$0x1FA80] =	vst v63  }
0x48: {  	s25 =	simm.s32 $0x2000  }
0x49: {  	[tilespmem:s25], [sflag:$0x2] =	stream.indirect.gather [hbm4b:s5+s13], $0x80, s20, s13, $0xb8;
	[tilespmem:$0x1FA80] =	vst v63  }
0x4a: {  	_ = 	snop  }
0x4b: {  	[tilespmem:s23], [sflag:$0x3] =	stream.indirect.gather [hbm4b:s6+s13], $0x80, s21, s13, $0xb8;
	[tilespmem:$0x1FA80] =	vst v63  }
0x4c: {  	v6 =	vld [tilespmem:$0xA080]  }
0x4d: {  	v7 =	vld [tilespmem:$0xA090]  }
0x4e: {  	v8 =	vld [tilespmem:$0xA0A0]  }
0x4f: {  	v9 =	vld [tilespmem:$0xA0B0];
	_ =	sdelay $0x1  }
0x50: {  	v6 =	vshrl.u32 v6, $0x5  }
0x51: {  	v7 =	vshrl.u32 v7, $0x5;
	v6 =	vadd.s32 $0x2800, v6  }
0x52: {  	[tilespmem:$0xA180] =	vst v6;
	v6 =	vadd.s32 $0x2800, v7;
	v7 =	vshrl.u32 v8, $0x5  }
0x53: {  	[tilespmem:$0xA190] =	vst v6;
	v6 =	vadd.s32 $0x2800, v7;
	v7 =	vshrl.u32 v9, $0x5  }
0x54: {  	[tilespmem:$0xA1A0] =	vst v6;
	v6 =	vadd.s32 $0x2800, v7  }
0x55: {  	[tilespmem:$0xA1B0] =	vst v6  }
0x56: {  	_ =	swait.ge [sflag:s26], $0x2000  }
0x57: {  	[sflag:s26] =	ssyncset.done $0x0  }
0x58: {  	[sflag:s26] =	ssyncadd.s32 $0xFFFFE000  }
0x59: {  	_ =	swait.ge [sflag:s28], $0x2000  }
0x5a: {  	[sflag:s28] =	ssyncset.done $0x0  }
0x5b: {  	[sflag:s28] =	ssyncadd.s32 $0xFFFFE000  }
0x5c: {  	_ =	swait.ge [sflag:s29], $0x2000  }
0x5d: {  	[sflag:s29] =	ssyncset.done $0x0  }
0x5e: {  	s14 =	simm.s32 $0x2040;
	[sflag:s29] =	ssyncadd.s32 $0xFFFFE000  }
0x5f: {  	v6 =	vld [tilespmem:s14+$0xFFFFFFD0]  }
0x60: {  	v7 =	vld [tilespmem:s14+$0x30]  }
0x61: {  	v8 =	vld [tilespmem:s14+$0x20]  }
0x62: {  	v48 =	vld [tilespmem:s13+$0x30]  }
0x63: {  	v10 =	vld [tilespmem:$0xA220]  }
0x64: {  	v11 =	vld [tilespmem:s14+$0xFFFFFFC0]  }
0x65: {  	v12 =	vld [tilespmem:s14+$0x10]  }
0x66: {  	v13 =	vld [tilespmem:s13+$0x10]  }
0x67: {  	v14 =	vld [tilespmem:$0xA210]  }
0x68: {  	v16 =	vld [tilespmem:s14+$0xFFFFFFF0]  }
0x69: {  	v17 =	vld [tilespmem:s14+$0xFFFFFFE0]  }
0x6a: {  	v18 =	vld [tilespmem:s13+$0xFFFFFFC0]  }
0x6b: {  	v19 =	vld [tilespmem:s13+$0xFFFFFFD0]  }
0x6c: {  	v21 =	vld [tilespmem:s13+$0xFFFFFFF0]  }
0x6d: {  	v26 =	vld [tilespmem:s13+$0xFFFFFFE0]  }
0x6e: {  	v49 =	vld [tilespmem:s14+$0x0]  }
0x6f: {  	s15 =	simm.s32 $0x4040;
	v29 =	vld [tilespmem:s13+$0x0]  }
0x70: {  	v20 =	vld [tilespmem:s15+$0xFFFFFFC0]  }
0x71: {  	v22 =	vld [tilespmem:s15+$0xFFFFFFD0];
	v23 =	vmul.f32 v7, v48;
	v25 =	vmul.f32 v12, v13  }
0x72: {  	v24 =	vld [tilespmem:s15+$0xFFFFFFF0];
	v27 =	vadd.f32 v11, v18;
	v11 =	vmul.f32 v11, v18;
	v28 =	vadd.f32 v6, v19  }
0x73: {  	v15 =	vld [tilespmem:$0xA200];
	v6 =	vmul.f32 v6, v19;
	v52 =	vadd.f32 v16, v21;
	v16 =	vmul.f32 v16, v21  }
0x74: {  	v51 =	vld [tilespmem:s15+$0xFFFFFFE0];
	v55 =	vadd.f32 v17, v26;
	v17 =	vmul.f32 v17, v26;
	v18 =	vmul.f32 v49, v29  }
0x75: {  	v53 =	vld [tilespmem:$0xA230];
	v50 =	vmul.f32 $1.767766920e-01, v23;
	v11 =	vmul.f32 $1.767766920e-01, v11  }
0x76: {  	v54 =	vld [tilespmem:s15+$0x10];
	v20 =	vmul.f32 v20, v27;
	v22 =	vmul.f32 v22, v28  }
0x77: {  	v56 =	vld [tilespmem:s15+$0x0];
	v6 =	vmul.f32 $1.767766920e-01, v6;
	v21 =	vmul.f32 v24, v52  }
0x78: {  	v58 =	vld [tilespmem:s13+$0x20];
	v12 =	vadd.f32 v12, v13;
	v15 =	vmul.f32 v15, v20;
	v14 =	vmul.f32 v14, v22  }
0x79: {  	v61 =	vld [tilespmem:$0xA240];
	v63 =	vadd.f32 v49, v29;
	v25 =	vmul.f32 $1.767766920e-01, v25;
	v23 =	vmul.f32 v51, v55  }
0x7a: {  	v57 =	vld [tilespmem:$0xA250];
	v59 =	vmul.f32 $1.767766920e-01, v16;
	v11 =	vadd.f32 v15, v11;
	v6 =	vadd.f32 v14, v6  }
0x7b: {  	v17 =	vmul.f32 $1.767766920e-01, v17;
	v12 =	vmul.f32 v54, v12  }
0x7c: {  	v62 =	vld [tilespmem:s15+$0x30];
	v32 =	vmul.f32 v56, v63;
	v18 =	vmul.f32 $1.767766920e-01, v18;
	v6 =	vadd.f32 v6, v11  }
0x7d: {  	v30 =	vld [tilespmem:s15+$0x20];
	v7 =	vadd.f32 v7, v48;
	v60 =	vmul.f32 v53, v21;
	v10 =	vmul.f32 v10, v23  }
0x7e: {  	v33 =	vld [tilespmem:$0xA270];
	v35 =	vadd.f32 v8, v58;
	v36 =	vmul.f32 v61, v32;
	v31 =	vperm.xlane v6, v1  }
0x7f: {  	v34 =	vld [tilespmem:$0xA260];
	v10 =	vadd.f32 v10, v17;
	v15 =	vadd.f32 v60, v59;
	v14 =	vmul.f32 v57, v12  }
0x80: {  	v8 =	vmul.f32 v8, v58;
	v40 =	vadd.f32 v36, v18;
	v6 =	vadd.f32 v31, v6  }
0x81: {  	v7 =	vmul.f32 v62, v7;
	v10 =	vadd.f32 v15, v10;
	v37 =	vadd.f32 v14, v25  }
0x82: {  	v15 =	vmul.f32 v30, v35;
	v38 =	vperm.xlane v6, v2  }
0x83: {  	v8 =	vmul.f32 $1.767766920e-01, v8;
	v39 =	vperm.xlane v10, v1;
	v11 =	vadd.f32 v37, v40  }
0x84: {  	v42 =	vmul.f32 v33, v7;
	v41 =	vmul.f32 v34, v15;
	v6 =	vadd.f32 v38, v6  }
0x85: {  	v10 =	vadd.f32 v39, v10;
	v46 =	vperm.xlane v11, v1  }
0x86: {  	v45 =	vadd.f32 v42, v50;
	v8 =	vadd.f32 v41, v8;
	v43 =	vperm.xlane v6, v3  }
0x87: {  	v44 =	vperm.xlane v10, v2;
	v11 =	vadd.f32 v46, v11  }
0x88: {  	v8 =	vadd.f32 v45, v8;
	v6 =	vadd.f32 v43, v6  }
0x89: {  	v10 =	vadd.f32 v44, v10;
	v16 =	vperm.xlane v11, v2  }
0x8a: {  	v48 =	vperm.xlane v8, v1;
	v13 =	vperm.xlane v6, v4  }
0x8b: {  	v47 =	vperm.xlane v10, v3;
	v11 =	vadd.f32 v16, v11  }
0x8c: {  	v8 =	vadd.f32 v48, v8;
	v6 =	vadd.f32 v13, v6  }
0x8d: {  	v10 =	vadd.f32 v47, v10;
	v50 =	vperm.xlane v11, v3  }
0x8e: {  	v51 =	vperm.xlane v8, v2;
	v6 =	vmul.f32 $1.442695020e+00, v6  }
0x8f: {  	v49 =	vperm.xlane v10, v4  }
0x90: {  	v8 =	vadd.f32 v51, v8;
	(erf) = vpow2.f32 v6;
	v6 =	vadd.f32 v50, v11  }
0x91: {  	v10 =	vadd.f32 v49, v10  }
0x92: {  	v52 =	vperm.xlane v8, v3;
	v11 =	vperm.xlane v6, v4  }
0x93: {  	v10 =	vmul.f32 $1.442695020e+00, v10  }
0x94: {  	v8 =	vadd.f32 v52, v8;
	v6 =	vadd.f32 v11, v6  }
0x95: {  	(erf) = vpow2.f32 v10  }
0x96: {  	v53 =	vperm.xlane v8, v4;
	v6 =	vmul.f32 $1.442695020e+00, v6;
	_ =	sdelay $0x1  }
0x97: {  	v8 =	vadd.f32 v53, v8  }
0x98: {  	(erf) = vpow2.f32 v6  }
0x99: {  	v8 =	vmul.f32 $1.442695020e+00, v8;
	v6 =	vpop (erf)  }
0x9a: {  	v54 =	vmul.f32 v6, v20  }
0x9b: {  	s16 =	simm.s32 $0x6040  }
0x9c: {  	s22 =	simm.s32 $0x8040;
	(erf) = vpow2.f32 v8;
	v55 =	vmul.f32 v6, v22;
	[tilespmem:s16+$0xFFFFFFC0] =	vst v54  }
0x9d: {  	v8 =	vpop (erf);
	[tilespmem:s22+$0xFFFFFFC0] =	vst v0  }
0x9e: {  	v56 =	vmul.f32 v8, v23;
	[tilespmem:s16+$0xFFFFFFD0] =	vst v55  }
0x9f: {  	[tilespmem:s22+$0xFFFFFFD0] =	vst v0  }
0xa0: {  	v57 =	vmul.f32 v8, v21;
	[tilespmem:s16+$0xFFFFFFE0] =	vst v56  }
0xa1: {  	v58 =	vpop (erf);
	[tilespmem:s22+$0xFFFFFFE0] =	vst v0  }
0xa2: {  	v9 =	vmul.f32 v58, v32;
	[tilespmem:s16+$0xFFFFFFF0] =	vst v57  }
0xa3: {  	[tilespmem:s22+$0xFFFFFFF0] =	vst v0  }
0xa4: {  	v59 =	vmul.f32 v58, v12;
	[tilespmem:s16+$0x0] =	vst v9  }
0xa5: {  	v60 =	vpop (erf);
	[tilespmem:s22+$0x0] =	vst v0  }
0xa6: {  	v61 =	vmul.f32 v60, v15;
	[tilespmem:s16+$0x10] =	vst v59  }
0xa7: {  	v62 =	vmov s2;
	[tilespmem:s22+$0x10] =	vst v0  }
0xa8: {  	v7 =	vmul.f32 v60, v7;
	[tilespmem:s16+$0x20] =	vst v61  }
0xa9: {  	[tilespmem:s22+$0x20] =	vst v0  }
0xaa: {  	[tilespmem:s16+$0x30] =	vst v7  }
0xab: {  	[tilespmem:s22+$0x30] =	vst v0  }
0xac: {  	v7 =	vld.idx.msk [tilespmem:v62+s20+$0x0], $0xffff;
	_ =	sdelay $0x4  }
0xad: {  	v7 =	vshll.u32 v7, $0x2  }
0xae: {  	v7 =	vand.u32 $0x7C, v7  }
0xaf: {  	v6 =	vnsel vm0, $0x0, v6;
	v7 =	vadd.s32 v5, v7  }
0xb0: {  	v63 =	vshll.u32 v62, $0x7;
	v6 =	vsel vm1, v6, v8;
	v8 =	vand.u32 $0x80, v7  }
0xb1: {  	v7 =	vand.u32 $0x7F, v7;
	v8 =	vadd.s32 v63, v8  }
0xb2: {  	v7 =	vor.u32 v7, v8;
	_ =	sdelay $0x1  }
0xb3: {  	v6 =	vsel vm2, v6, v58  }
0xb4: {  	s24 =	simm.s32 $0x1;
	s25 =	simm.s32 $0x60C0;
	v6 =	vsel vm3, v6, v60;
	s16 =	simm.s32 $0x80C0  }
.LBB2_7:
0xb5: {  	s13 =	sadd.s32 $0x80, s13;
	s14 =	sadd.s32 $0x80, s14;
	s15 =	sadd.s32 $0x80, s15  }
0xb6: {  	p0 =	sne.s32 s24, $0x3F;
	s22 =	smov.u32 s24;
	s24 =	sadd.s32 $0x1, s24;
	[tilespmem:v7+s30+$0x0] =	vst.idx.msk $0xf, v6  }
0xb7: {  	v6 =	vld [tilespmem:s14+$0xFFFFFFD0]  }
0xb8: {  	v7 =	vld [tilespmem:s14+$0x30]  }
0xb9: {  	v8 =	vld [tilespmem:s14+$0x20]  }
0xba: {  	v9 =	vld [tilespmem:s13+$0x30]  }
0xbb: {  	v10 =	vld [tilespmem:$0xA220]  }
0xbc: {  	v11 =	vld [tilespmem:s14+$0xFFFFFFC0]  }
0xbd: {  	v12 =	vld [tilespmem:s14+$0x10]  }
0xbe: {  	v13 =	vld [tilespmem:s14+$0x0]  }
0xbf: {  	v14 =	vld [tilespmem:s13+$0x10];
	v15 =	vadd.f32 v7, v9;
	v7 =	vmul.f32 v7, v9  }
0xc0: {  	v9 =	vld [tilespmem:$0xA210]  }
0xc1: {  	v16 =	vld [tilespmem:$0xA200]  }
0xc2: {  	v17 =	vld [tilespmem:s14+$0xFFFFFFF0]  }
0xc3: {  	v18 =	vld [tilespmem:s14+$0xFFFFFFE0]  }
0xc4: {  	v19 =	vld [tilespmem:s13+$0xFFFFFFC0];
	v20 =	vadd.f32 v12, v14;
	v12 =	vmul.f32 v12, v14  }
0xc5: {  	v14 =	vld [tilespmem:s13+$0xFFFFFFD0]  }
0xc6: {  	v21 =	vld [tilespmem:s15+$0xFFFFFFD0]  }
0xc7: {  	v22 =	vld [tilespmem:s15+$0xFFFFFFC0]  }
0xc8: {  	v23 =	vld [tilespmem:s13+$0xFFFFFFF0]  }
0xc9: {  	v24 =	vld [tilespmem:s13+$0xFFFFFFE0];
	v25 =	vadd.f32 v11, v19;
	v11 =	vmul.f32 v11, v19  }
0xca: {  	v7 =	vmul.f32 $1.767766920e-01, v7;
	v19 =	vld [tilespmem:s15+$0xFFFFFFF0];
	v26 =	vadd.f32 v6, v14;
	v6 =	vmul.f32 v6, v14  }
0xcb: {  	v12 =	vmul.f32 $1.767766920e-01, v12;
	v14 =	vld [tilespmem:s15+$0xFFFFFFE0];
	v11 =	vmul.f32 $1.767766920e-01, v11  }
0xcc: {  	v22 =	vmul.f32 v22, v25;
	v21 =	vmul.f32 v21, v26;
	v25 =	vld [tilespmem:$0xA230]  }
0xcd: {  	v6 =	vmul.f32 $1.767766920e-01, v6;
	v26 =	vld [tilespmem:s13+$0x0];
	v27 =	vadd.f32 v17, v23;
	v17 =	vmul.f32 v17, v23  }
0xce: {  	v23 =	vld [tilespmem:s15+$0x10];
	v28 =	vadd.f32 v18, v24;
	v16 =	vmul.f32 v16, v22;
	v9 =	vmul.f32 v9, v21  }
0xcf: {  	v18 =	vmul.f32 v18, v24;
	v29 =	vld [tilespmem:s15+$0x0];
	v19 =	vmul.f32 v19, v27  }
0xd0: {  	v14 =	vmul.f32 v14, v28;
	v11 =	vadd.f32 v16, v11;
	v6 =	vadd.f32 v9, v6;
	v9 =	vld [tilespmem:$0xA250]  }
0xd1: {  	v17 =	vmul.f32 $1.767766920e-01, v17;
	v16 =	vld [tilespmem:s13+$0x20];
	v24 =	vmul.f32 v25, v19  }
0xd2: {  	v18 =	vmul.f32 $1.767766920e-01, v18;
	v10 =	vmul.f32 v10, v14;
	v25 =	vld [tilespmem:$0xA240];
	v6 =	vadd.f32 v6, v11  }
0xd3: {  	v27 =	vadd.f32 v13, v26;
	v13 =	vmul.f32 v13, v26;
	v11 =	vld [tilespmem:s15+$0x30];
	v20 =	vmul.f32 v23, v20  }
0xd4: {  	v17 =	vadd.f32 v24, v17;
	v23 =	vld [tilespmem:s15+$0x20];
	v10 =	vadd.f32 v10, v18;
	v18 =	vperm.xlane v6, v1  }
0xd5: {  	v24 =	vmul.f32 v29, v27;
	v9 =	vmul.f32 v9, v20;
	v26 =	vld [tilespmem:$0xA270]  }
0xd6: {  	v13 =	vmul.f32 $1.767766920e-01, v13;
	v27 =	vld [tilespmem:$0xA260];
	v6 =	vadd.f32 v18, v6;
	v10 =	vadd.f32 v17, v10  }
0xd7: {  	v17 =	vadd.f32 v8, v16;
	v8 =	vmul.f32 v8, v16;
	v18 =	vmul.f32 v25, v24  }
0xd8: {  	v9 =	vadd.f32 v9, v12;
	v12 =	vperm.xlane v6, v2;
	v16 =	vperm.xlane v10, v1  }
0xd9: {  	v11 =	vmul.f32 v11, v15;
	v17 =	vmul.f32 v23, v17;
	v13 =	vadd.f32 v18, v13  }
0xda: {  	v8 =	vmul.f32 $1.767766920e-01, v8;
	v6 =	vadd.f32 v12, v6;
	v10 =	vadd.f32 v16, v10  }
0xdb: {  	v15 =	vmul.f32 v26, v11;
	v12 =	vmul.f32 v27, v17;
	v9 =	vadd.f32 v9, v13  }
0xdc: {  	v13 =	vperm.xlane v6, v3;
	v16 =	vperm.xlane v10, v2  }
0xdd: {  	v7 =	vadd.f32 v15, v7;
	v8 =	vadd.f32 v12, v8;
	v12 =	vperm.xlane v9, v1  }
0xde: {  	v6 =	vadd.f32 v13, v6;
	v10 =	vadd.f32 v16, v10  }
0xdf: {  	v9 =	vadd.f32 v12, v9;
	v7 =	vadd.f32 v7, v8  }
0xe0: {  	v8 =	vperm.xlane v6, v4;
	v12 =	vperm.xlane v10, v3  }
0xe1: {  	v13 =	vperm.xlane v9, v2;
	v15 =	vperm.xlane v7, v1  }
0xe2: {  	v6 =	vadd.f32 v8, v6;
	v8 =	vadd.f32 v12, v10  }
0xe3: {  	v9 =	vadd.f32 v13, v9;
	v7 =	vadd.f32 v15, v7  }
0xe4: {  	v6 =	vmul.f32 $1.442695020e+00, v6;
	v10 =	vperm.xlane v8, v4  }
0xe5: {  	v12 =	vperm.xlane v9, v3;
	v13 =	vperm.xlane v7, v2  }
0xe6: {  	v8 =	vadd.f32 v10, v8;
	(erf) = vpow2.f32 v6  }
0xe7: {  	v6 =	vadd.f32 v12, v9;
	v7 =	vadd.f32 v13, v7  }
0xe8: {  	v8 =	vmul.f32 $1.442695020e+00, v8  }
0xe9: {  	v9 =	vperm.xlane v6, v4;
	v10 =	vperm.xlane v7, v3  }
0xea: {  	(erf) = vpow2.f32 v8  }
0xeb: {  	v6 =	vadd.f32 v9, v6;
	v7 =	vadd.f32 v10, v7;
	_ =	sdelay $0x1  }
0xec: {  	v6 =	vmul.f32 $1.442695020e+00, v6;
	v9 =	vperm.xlane v7, v4;
	_ =	sdelay $0x1  }
0xed: {  	v7 =	vadd.f32 v9, v7;
	v8 =	vpop (erf);
	(erf) = vpow2.f32 v6  }
0xee: {  	v10 =	vmul.f32 v8, v22;
	v9 =	vmul.f32 v8, v21  }
0xef: {  	v7 =	vmul.f32 $1.442695020e+00, v7  }
0xf0: {  	[tilespmem:s25+$0xFFFFFFC0] =	vst v10  }
0xf1: {  	[tilespmem:s16+$0xFFFFFFC0] =	vst v0;
	v6 =	vpop (erf);
	(erf) = vpow2.f32 v7  }
0xf2: {  	[tilespmem:s25+$0xFFFFFFD0] =	vst v9;
	v7 =	vmul.f32 v6, v14;
	v9 =	vmul.f32 v6, v19  }
0xf3: {  	[tilespmem:s16+$0xFFFFFFD0] =	vst v0  }
0xf4: {  	[tilespmem:s25+$0xFFFFFFE0] =	vst v7  }
0xf5: {  	[tilespmem:s16+$0xFFFFFFE0] =	vst v0  }
0xf6: {  	[tilespmem:s25+$0xFFFFFFF0] =	vst v9;
	v7 =	vpop (erf)  }
0xf7: {  	[tilespmem:s16+$0xFFFFFFF0] =	vst v0;
	v9 =	vmul.f32 v7, v24;
	v10 =	vmul.f32 v7, v20  }
0xf8: {  	v8 =	vnsel vm0, $0x0, v8  }
0xf9: {  	v6 =	vsel vm1, v8, v6;
	[tilespmem:s25+$0x0] =	vst v9  }
0xfa: {  	v6 =	vsel vm2, v6, v7;
	[tilespmem:s16+$0x0] =	vst v0;
	v7 =	vpop (erf)  }
0xfb: {  	[tilespmem:s25+$0x10] =	vst v10;
	v8 =	vmul.f32 v7, v17;
	v6 =	vsel vm3, v6, v7  }
0xfc: {  	v9 =	vmov s22;
	[tilespmem:s16+$0x10] =	vst v0  }
0xfd: {  	v7 =	vmul.f32 v7, v11;
	[tilespmem:s25+$0x20] =	vst v8  }
0xfe: {  	[tilespmem:s16+$0x20] =	vst v0  }
0xff: {  	[tilespmem:s25+$0x30] =	vst v7  }
0x100: {  	[tilespmem:s16+$0x30] =	vst v0  }
0x101: {  	v7 =	vld.idx.msk [tilespmem:v9+s20+$0x0], $0xffff;
	_ =	sdelay $0x5  }
0x102: {  	v7 =	vshll.u32 v7, $0x2  }
0x103: {  	v7 =	vand.u32 $0x7C, v7  }
0x104: {  	v7 =	vadd.s32 v5, v7  }
0x105: {  	v9 =	vshll.u32 v9, $0x7;
	v8 =	vand.u32 $0x80, v7  }
.Ltmp2:
0x106: {  	v7 =	vand.u32 $0x7F, v7;
	v8 =	vadd.s32 v9, v8;
	(pc) =	sbr.rel @p0 .LBB2_7-.Ltmp2, $2  }
0x107: {  	v7 =	vor.u32 v7, v8;
	_ =	sdelay $0x2  }
0x108: {  	s25 =	sadd.s32 $0x80, s25;
	s16 =	sadd.s32 $0x80, s16  }
0x109: {  	_ =	sdelay $0x3  }
0x10a: {  	[tilespmem:v7+s30+$0x0] =	vst.idx.msk $0xf, v6  }
0x10b: {  	[spmem:s1] =	stream.indirect.scatter.add.f32 [tilespmem:s0], [sflag:$0x4], $0x80, s20, s31, $0xb8;
	[tilespmem:$0x1FA80] =	vst v63  }
0x10c: {  	s7 =	sadd.s32 $0x1, s7;
	_ =	swait.ge [sflag:s17], $0x2000  }
0x10d: {  	p0 =	sne.s32 s7, $0x50;
	[sflag:s17] =	ssyncset.done $0x0  }
.Ltmp3:
0x10e: {  	[sflag:s17] =	ssyncadd.s32 $0xFFFFE000;
	(pc) =	sbr.rel @p0 .LBB2_6-.Ltmp3, $4  }
0x10f: {  	[spmem:s1] =	stream.indirect.scatter.add.f32 [tilespmem:s30], [sflag:$0x4], $0x80, s3, s31, $0xb8;
	[tilespmem:$0x1FA80] =	vst v63  }
0x110: {  	_ =	swait.ge [sflag:s17], $0x2000  }
0x111: {  	[sflag:s17] =	ssyncset.done $0x0  }
0x112: {  	[sflag:s17] =	ssyncadd.s32 $0xFFFFE000  }
0x113: {  	s2 =	stileid.u32;
	[bflag:$0x0] =	sbarrier.arrive $0xFFFF  }
0x114: {  	s2 =	sshll.u32 s2, $0x6;
	s7 =	rddreg [dreg:$0x4]  }
0x115: {  	s13 =	rddreg [dreg:$0x7];
	s2 =	sor.u32 $0x1C04, s2  }
0x116: {  	[hbm:s7], [sflag:s2] =	dma.local [spmem:s13], $0x2800  }
0x117: {  	_ =	swait.ge [sflag:s17], $0x2800  }
0x118: {  	[sflag:s17] =	ssyncset.done $0x0;
	s16 =	rddreg [dreg:$0x5]  }
0x119: {  	s22 =	rddreg [dreg:$0x8];
	[sflag:s17] =	ssyncadd.s32 $0xFFFFD800  }
0x11a: {  	[hbm:s16], [sflag:s2] =	dma.local [spmem:s22], $0x200  }
0x11b: {  	_ =	swait.ge [sflag:s17], $0x200  }
0x11c: {  	s24 =	rddreg [dreg:$0x9]  }
0x11d: {  	s25 =	rddreg [dreg:$0x6];
	s7 =	sadd.s32 $0x1, s24  }
0x11e: {  	p0 =	sne.s32 s7, s25  }
.Ltmp4:
0x11f: {  	_ = 	snop;
	(pc) =	sbr.rel @p0 .LBB2_1-.Ltmp4, $3  }
0x120: {  	_ =	sdelay $0x1  }
0x121: {  	[sflag:s17] =	ssyncset.done $0x0  }
0x122: {  	[sflag:s17] =	ssyncadd.s32 $0xFFFFFE00  }
0x123: {  	_ =	sfence.sel $0x180000  }
0x124: {  	[bflag:$0x0] =	sbarrier.arrive $0xFFFF  }
0x125: {  	_ =	strace $0x90000047  }
0x126: {  	s0 =	stileid.u32;
	[bflag:$0x2] =	sbarrier.arrive $0xFFFF  }
0x127: {  	p0 =	sne.s32 s0, $0x0;
	s0 =	rddreg [dreg:$0x2]  }
0x128: {  	s0 =	sadd.s32 @!p0 $0x100000, s0  }
0x129: {  	[sflag:s0] =	ssyncadd.tile.s32 @!p0 $0x1;
	_ =	shalt  }
.Lfunc_end2:
_tile_overlayer_lowered:
.L_overlay_start_2:
0x12a: {  	(tag) =	ssettag $0x2  }
0x12b: {  	s0 =	rddreg [dreg:$0x0];
	s2 =	stileid.u32  }
0x12c: {  	s1 =	rddreg [dreg:$0x1];
	p0 =	sne.s32 s2, $0x0  }
0x12d: {  	s3 =	rddreg [dreg:$0x2];
	[bflag:$0x3] =	sbarrier.arrive $0xFFFF;
	s2 =	simm.s32 @!p0 $0x1C04  }
0x12e: {  	[timem:s3], [sflag:s2] =	dma.local @!p0 [hbm:s0], s1  }
0x12f: {  	s0 =	simm.s32 @!p0 $0x4  }
0x130: {  	_ =	swait.ge @!p0 [sflag:s0], s1  }
0x131: {  	s1 =	ssub.s32 @!p0 $0x0, s1;
	[sflag:s0] =	ssyncset.done @!p0 $0x0  }
0x132: {  	[sflag:s0] =	ssyncadd.s32 @!p0 s1  }
0x133: {  	[bflag:$0x3] =	sbarrier.arrive $0xFFFF  }
0x134: {  	_ =	shalt  }

</sc_bundles>
